<compile_context>
chip_gen: v7x
topology: tpu7x:2x2x1
jax: 0.10.2.dev20260603
libtpu: 0.0.44.dev20260713+nightly
codegen_flags: <defaults>
</compile_context>

<pallas_src>
import functools

import jax
import jax.numpy as jnp
from jax import lax
from jax.experimental import pallas as pl
from jax.experimental.pallas import tpu as pltpu
from jax.experimental.pallas import tpu_sc as plsc


def _build_emb(H, B, V, D, NC, NS):
    NW = NC * NS
    BLK = B // NW
    CHUNK = BLK
    SLOTS = 5
    n_rounds = H // SLOTS
    assert H % SLOTS == 0 and BLK == 128

    mesh = plsc.VectorSubcoreMesh(core_axis_name="c", subcore_axis_name="s")

    @functools.partial(
        pl.kernel,
        mesh=mesh,
        out_type=jax.ShapeDtypeStruct((H, D // 8, NW, 8, BLK), jnp.float32),
        scratch_types=[
            pltpu.VMEM((H, BLK), jnp.int32),
            pltpu.VMEM((SLOTS, CHUNK, D), jnp.float32),
            pltpu.VMEM((SLOTS, D // 8, 1, 8, BLK + 5), jnp.float32),
        ]
        + [pltpu.SemaphoreType.DMA] * (2 * SLOTS),
        compiler_params=pltpu.CompilerParams(
            use_tc_tiling_on_sc=False, needs_layout_passes=False
        ),
    )
    def emb(xt_hbm, table_hbm, out_hbm, idx_v, rows_v, tbuf_v, *sems):
        gsem = sems[:SLOTS]
        wsem = sems[SLOTS:]
        wid = lax.axis_index("s") * NC + lax.axis_index("c")
        base = wid * BLK
        pltpu.sync_copy(xt_hbm.at[:, pl.ds(base, BLK)], idx_v)

        lane = jax.lax.broadcasted_iota(jnp.int32, (16,), 0)
        lane_hi = lane // 8
        lane_lo = lane % 8
        zeros16 = lane * 0
        dhis = [lane_hi + 2 * k for k in range(D // 16)]

        def gdesc(h, j):
            return pltpu.make_async_copy(
                table_hbm.at[idx_v.at[h]], rows_v.at[j], gsem[j]
            )

        def wdesc(h, j):
            return pltpu.make_async_copy(
                tbuf_v.at[j, :, :, :, pl.ds(0, BLK)],
                out_hbm.at[h, pl.ds(0, D // 8), pl.ds(wid, 1)],
                wsem[j],
            )

        for j in range(SLOTS):
            gdesc(j, j).start()

        def body(t, carry):
            for j in range(SLOTS):
                h = t * SLOTS + j
                gdesc(h, j).wait()

                @pl.when(t > 0)
                def _():
                    wdesc(h - SLOTS, j).wait()

                @plsc.parallel_loop(0, CHUNK, step=1, unroll=8)
                def trans(b):
                    bfull = zeros16 + b
                    for k in range(D // 16):
                        vals = rows_v[j, b, pl.ds(k * 16, 16)]
                        plsc.store_scatter(
                            tbuf_v.at[j],
                            [dhis[k], zeros16, lane_lo, bfull],
                            vals,
                        )

                wdesc(h, j).start()

                @pl.when(h + SLOTS < H)
                def _():
                    gdesc(h + SLOTS, j).start()

            return carry

        lax.fori_loop(0, n_rounds, body, 0)
        for j in range(SLOTS):
            wdesc(H - SLOTS + j, j).wait()

    return emb


def kernel(x, table):
    Bt, H = x.shape
    V, D = table.shape
    info = plsc.get_sparse_core_info()
    emb = _build_emb(H, Bt, V, D, info.num_cores, info.num_subcores)
    out5 = emb(x.T, table)
    return out5.transpose(2, 4, 0, 1, 3).reshape(Bt, H, D)

# --- scband reference (transcript-rebuilt; emitter-appended) ---
"""Pipeline reference for scband-embedding-61830349193271 (READ-ONLY COPY).

The authoritative reference and input builder live on the scoring server;
editing this copy changes nothing except your own understanding.
"""

import jax, jax.numpy as jnp
import numpy as np

VOCAB = 1000000
D_MODEL = 64
BATCH = 4096
HIST = 200
PADDING_IDX = 0


def setup_inputs(seed: int = 0) -> dict:
    key = jax.random.key(seed)
    k_idx, k_tab = jax.random.split(key)
    x = jax.random.randint(k_idx, (BATCH, HIST), 0, VOCAB, dtype=jnp.int32)
    table = jax.random.normal(k_tab, (VOCAB, D_MODEL), dtype=jnp.float32)
    # nn.Embedding with padding_idx=0 initializes that row to zeros
    table = table.at[PADDING_IDX].set(0.0)
    return {"x": x, "table": table}


def reference(x, table):
    # Faithful translation of nn.Embedding forward: a row gather from the table
    x_embed = jnp.take(table, x, axis=0)
    return x_embed

if __name__ == "__main__":
    import jax
    _d = setup_inputs()
    print(jax.jit(kernel)(*tuple(_d.values())))

</pallas_src>

<mosaic_0001>
#map = affine_map<(d0, d1) -> (0, 0)>
#map1 = affine_map<(d0, d1) -> (0, 0, 0, 0, 0)>
module attributes {stable_mosaic.version = 14 : i64} {
  func.func @emb(%arg0: i32, %arg1: i32, %arg2: memref<200x4096xi32, #tpu.memory_space<hbm>>, %arg3: memref<1000000x64xf32, #tpu.memory_space<hbm>>, %arg4: memref<200x8x32x8x128xf32, #tpu.memory_space<hbm>>, %arg5: memref<200x128xi32, #tpu.memory_space<vmem>>, %arg6: memref<5x128x64xf32, #tpu.memory_space<vmem>>, %arg7: memref<5x8x1x8x133xf32, #tpu.memory_space<vmem>>, %arg8: memref<!tpu.dma_semaphore, #tpu.memory_space<semaphore_mem>>, %arg9: memref<!tpu.dma_semaphore, #tpu.memory_space<semaphore_mem>>, %arg10: memref<!tpu.dma_semaphore, #tpu.memory_space<semaphore_mem>>, %arg11: memref<!tpu.dma_semaphore, #tpu.memory_space<semaphore_mem>>, %arg12: memref<!tpu.dma_semaphore, #tpu.memory_space<semaphore_mem>>, %arg13: memref<!tpu.dma_semaphore, #tpu.memory_space<semaphore_mem>>, %arg14: memref<!tpu.dma_semaphore, #tpu.memory_space<semaphore_mem>>, %arg15: memref<!tpu.dma_semaphore, #tpu.memory_space<semaphore_mem>>, %arg16: memref<!tpu.dma_semaphore, #tpu.memory_space<semaphore_mem>>, %arg17: memref<!tpu.dma_semaphore, #tpu.memory_space<semaphore_mem>>) attributes {dimension_semantics = [#tpu.dimension_semantics<core_parallel>, #tpu.dimension_semantics<subcore_parallel>], iteration_bounds = array<i64: 2, 16>, scalar_prefetch = 0 : i64, scratch_operands = 13 : i64, tpu.core_type = #tpu.core_type<sc_vector_subcore>, window_params = [{transform_indices = #map}, {transform_indices = #map}, {transform_indices = #map1}]} {
    %mul3A = arith.constant 2 : i32
    %mul3A_0 = arith.muli %arg1, %mul3A : i32
    %add3A = arith.addi %mul3A_0, %arg0 : i32
    %mul3A_1 = arith.constant 128 : i32
    %mul3A_2 = arith.muli %add3A, %mul3A_1 : i32
    "tpu.region"() ({
      %run_scoped3A = tpu.sem_alloc : memref<!tpu.dma_semaphore, #tpu.memory_space<semaphore_mem>>
      %dma_start3A_244 = arith.constant 0 : i32
      %dma_start3A_245 = tpu.memref_slice %arg2[%dma_start3A_244, %mul3A_2] : memref<200x4096xi32, #tpu.memory_space<hbm>> -> memref<200x128xi32, #tpu.memory_space<hbm>>
      %dma_start3A_246 = arith.constant 0 : i32
      %dma_start3A_247 = tpu.memref_slice %arg2[%dma_start3A_246, %mul3A_2] : memref<200x4096xi32, #tpu.memory_space<hbm>> -> memref<200x128xi32, #tpu.memory_space<hbm>>
      tpu.enqueue_dma source(%dma_start3A_247 : memref<200x128xi32, #tpu.memory_space<hbm>>) target(%arg5 : memref<200x128xi32, #tpu.memory_space<vmem>>) target_semaphore(%run_scoped3A : memref<!tpu.dma_semaphore, #tpu.memory_space<semaphore_mem>>)
      %dma_wait3A_248 = arith.constant 0 : i32
      %dma_wait3A_249 = tpu.memref_slice %arg2[%dma_wait3A_248, %mul3A_2] : memref<200x4096xi32, #tpu.memory_space<hbm>> -> memref<200x128xi32, #tpu.memory_space<hbm>>
      %dma_wait3A_250 = arith.constant 0 : i32
      %dma_wait3A_251 = tpu.memref_slice %arg2[%dma_wait3A_250, %mul3A_2] : memref<200x4096xi32, #tpu.memory_space<hbm>> -> memref<200x128xi32, #tpu.memory_space<hbm>>
      tpu.wait_dma2 semaphore(%run_scoped3A : memref<!tpu.dma_semaphore, #tpu.memory_space<semaphore_mem>>) src(%dma_wait3A_251 : memref<200x128xi32, #tpu.memory_space<hbm>>) dst(%arg5 : memref<200x128xi32, #tpu.memory_space<vmem>>)
      tpu.yield
    }) : () -> ()
    %iota3A = tpu.iota {dimensions = array<i32: 0>} : vector<16xi32>
    %jit3A = arith.constant 8 : i32
    %div3A = vector.broadcast %jit3A : i32 to vector<16xi32>
    %div3A_3 = arith.divsi %iota3A, %div3A : vector<16xi32>
    %sign3A = arith.constant 0 : i32
    %sign3A_4 = vector.broadcast %sign3A : i32 to vector<16xi32>
    %sign3A_5 = arith.cmpi sgt, %iota3A, %sign3A_4 : vector<16xi32>
    %sign3A_6 = arith.extui %sign3A_5 : vector<16xi1> to vector<16xi32>
    %sign3A_7 = arith.constant 0 : i32
    %sign3A_8 = vector.broadcast %sign3A_7 : i32 to vector<16xi32>
    %sign3A_9 = arith.cmpi slt, %iota3A, %sign3A_8 : vector<16xi32>
    %sign3A_10 = arith.extui %sign3A_9 : vector<16xi1> to vector<16xi32>
    %sign3A_11 = arith.subi %sign3A_6, %sign3A_10 : vector<16xi32>
    %sign3A_12 = arith.constant 0 : i32
    %sign3A_13 = arith.cmpi sgt, %jit3A, %sign3A_12 : i32
    %sign3A_14 = arith.extui %sign3A_13 : i1 to i32
    %sign3A_15 = arith.constant 0 : i32
    %sign3A_16 = arith.cmpi slt, %jit3A, %sign3A_15 : i32
    %sign3A_17 = arith.extui %sign3A_16 : i1 to i32
    %sign3A_18 = arith.subi %sign3A_14, %sign3A_17 : i32
    %ne3A = vector.broadcast %sign3A_18 : i32 to vector<16xi32>
    %ne3A_19 = arith.cmpi ne, %sign3A_11, %ne3A : vector<16xi32>
    %rem3A = vector.broadcast %jit3A : i32 to vector<16xi32>
    %rem3A_20 = arith.remsi %iota3A, %rem3A : vector<16xi32>
    %ne3A_21 = arith.constant 0 : i32
    %ne3A_22 = vector.broadcast %ne3A_21 : i32 to vector<16xi32>
    %ne3A_23 = arith.cmpi ne, %rem3A_20, %ne3A_22 : vector<16xi32>
    %and3A = arith.andi %ne3A_19, %ne3A_23 : vector<16xi1>
    %sub3A = arith.constant 1 : i32
    %sub3A_24 = vector.broadcast %sub3A : i32 to vector<16xi32>
    %sub3A_25 = arith.subi %div3A_3, %sub3A_24 : vector<16xi32>
    %select_n3A = arith.select %and3A, %sub3A_25, %div3A_3 : vector<16xi1>, vector<16xi32>
    %jit3A_26 = arith.constant 8 : i32
    %eq3A = arith.constant 0 : i32
    %eq3A_27 = arith.cmpi eq, %jit3A_26, %eq3A : i32
    %jit3A_28 = arith.constant 1 : i32
    %select_n3A_29 = arith.select %eq3A_27, %jit3A_28, %jit3A_26 : i32
    %rem3A_30 = vector.broadcast %select_n3A_29 : i32 to vector<16xi32>
    %rem3A_31 = arith.remsi %iota3A, %rem3A_30 : vector<16xi32>
    %ne3A_32 = arith.constant 0 : i32
    %ne3A_33 = vector.broadcast %ne3A_32 : i32 to vector<16xi32>
    %ne3A_34 = arith.cmpi ne, %rem3A_31, %ne3A_33 : vector<16xi32>
    %lt3A = arith.constant 0 : i32
    %lt3A_35 = vector.broadcast %lt3A : i32 to vector<16xi32>
    %lt3A_36 = arith.cmpi slt, %rem3A_31, %lt3A_35 : vector<16xi32>
    %lt3A_37 = arith.constant 0 : i32
    %lt3A_38 = arith.cmpi slt, %select_n3A_29, %lt3A_37 : i32
    %ne3A_39 = vector.broadcast %lt3A_38 : i1 to vector<16xi1>
    %ne3A_40 = vector.broadcast %ne3A_39 : vector<16xi1> to vector<16xi1>
    %ne3A_41 = arith.xori %lt3A_36, %ne3A_40 : vector<16xi1>
    %and3A_42 = arith.andi %ne3A_41, %ne3A_34 : vector<16xi1>
    %add3A_43 = vector.broadcast %select_n3A_29 : i32 to vector<16xi32>
    %add3A_44 = arith.addi %rem3A_31, %add3A_43 : vector<16xi32>
    %select_n3A_45 = arith.select %and3A_42, %add3A_44, %rem3A_31 : vector<16xi1>, vector<16xi32>
    %mul3A_46 = arith.constant 0 : i32
    %mul3A_47 = vector.broadcast %mul3A_46 : i32 to vector<16xi32>
    %mul3A_48 = arith.muli %iota3A, %mul3A_47 : vector<16xi32>
    %add3A_49 = arith.constant 0 : i32
    %add3A_50 = vector.broadcast %add3A_49 : i32 to vector<16xi32>
    %add3A_51 = arith.addi %select_n3A, %add3A_50 : vector<16xi32>
    %add3A_52 = arith.constant 2 : i32
    %add3A_53 = vector.broadcast %add3A_52 : i32 to vector<16xi32>
    %add3A_54 = arith.addi %select_n3A, %add3A_53 : vector<16xi32>
    %add3A_55 = arith.constant 4 : i32
    %add3A_56 = vector.broadcast %add3A_55 : i32 to vector<16xi32>
    %add3A_57 = arith.addi %select_n3A, %add3A_56 : vector<16xi32>
    %add3A_58 = arith.constant 6 : i32
    %add3A_59 = vector.broadcast %add3A_58 : i32 to vector<16xi32>
    %add3A_60 = arith.addi %select_n3A, %add3A_59 : vector<16xi32>
    %dma_start3A = arith.constant 0 : i32
    %dma_start3A_61 = arith.constant 0 : i32
    %dma_start3A_62 = arith.constant 0 : i32
    %dma_start3A_63 = arith.constant 0 : i32
    %dma_start3A_64 = tpu.memref_slice %arg6[%dma_start3A_61, %dma_start3A_62, %dma_start3A_63] : memref<5x128x64xf32, #tpu.memory_space<vmem>> -> memref<1x128x64xf32, #tpu.memory_space<vmem>>
    %dma_start3A_65 = tpu.memref_squeeze %dma_start3A_64 : memref<1x128x64xf32, #tpu.memory_space<vmem>> -> memref<128x64xf32, #tpu.memory_space<vmem>>
    %dma_start3A_66 = arith.constant 0 : i32
    %dma_start3A_67 = tpu.memref_slice %arg5[%dma_start3A, %dma_start3A_66] : memref<200x128xi32, #tpu.memory_space<vmem>> -> memref<1x128xi32, #tpu.memory_space<vmem>>
    %dma_start3A_68 = tpu.memref_squeeze %dma_start3A_67 : memref<1x128xi32, #tpu.memory_space<vmem>> -> memref<128xi32, #tpu.memory_space<vmem>>
    %dma_start3A_69 = arith.constant 0 : i32
    %dma_start3A_70 = arith.constant 0 : i32
    %dma_start3A_71 = tpu.memref_slice %arg3[%dma_start3A_69, %dma_start3A_70] : memref<1000000x64xf32, #tpu.memory_space<hbm>> -> memref<1000000x64xf32, #tpu.memory_space<hbm>>
    tpu.enqueue_indirect_dma source(%dma_start3A_71 : memref<1000000x64xf32, #tpu.memory_space<hbm>>) target(%dma_start3A_65 : memref<128x64xf32, #tpu.memory_space<vmem>>) offsets(%dma_start3A_68 : memref<128xi32, #tpu.memory_space<vmem>>) semaphore(%arg8 : memref<!tpu.dma_semaphore, #tpu.memory_space<semaphore_mem>>)
    %dma_start3A_72 = arith.constant 1 : i32
    %dma_start3A_73 = arith.constant 1 : i32
    %dma_start3A_74 = arith.constant 0 : i32
    %dma_start3A_75 = arith.constant 0 : i32
    %dma_start3A_76 = tpu.memref_slice %arg6[%dma_start3A_73, %dma_start3A_74, %dma_start3A_75] : memref<5x128x64xf32, #tpu.memory_space<vmem>> -> memref<1x128x64xf32, #tpu.memory_space<vmem>>
    %dma_start3A_77 = tpu.memref_squeeze %dma_start3A_76 : memref<1x128x64xf32, #tpu.memory_space<vmem>> -> memref<128x64xf32, #tpu.memory_space<vmem>>
    %dma_start3A_78 = arith.constant 0 : i32
    %dma_start3A_79 = tpu.memref_slice %arg5[%dma_start3A_72, %dma_start3A_78] : memref<200x128xi32, #tpu.memory_space<vmem>> -> memref<1x128xi32, #tpu.memory_space<vmem>>
    %dma_start3A_80 = tpu.memref_squeeze %dma_start3A_79 : memref<1x128xi32, #tpu.memory_space<vmem>> -> memref<128xi32, #tpu.memory_space<vmem>>
    %dma_start3A_81 = arith.constant 0 : i32
    %dma_start3A_82 = arith.constant 0 : i32
    %dma_start3A_83 = tpu.memref_slice %arg3[%dma_start3A_81, %dma_start3A_82] : memref<1000000x64xf32, #tpu.memory_space<hbm>> -> memref<1000000x64xf32, #tpu.memory_space<hbm>>
    tpu.enqueue_indirect_dma source(%dma_start3A_83 : memref<1000000x64xf32, #tpu.memory_space<hbm>>) target(%dma_start3A_77 : memref<128x64xf32, #tpu.memory_space<vmem>>) offsets(%dma_start3A_80 : memref<128xi32, #tpu.memory_space<vmem>>) semaphore(%arg9 : memref<!tpu.dma_semaphore, #tpu.memory_space<semaphore_mem>>)
    %dma_start3A_84 = arith.constant 2 : i32
    %dma_start3A_85 = arith.constant 2 : i32
    %dma_start3A_86 = arith.constant 0 : i32
    %dma_start3A_87 = arith.constant 0 : i32
    %dma_start3A_88 = tpu.memref_slice %arg6[%dma_start3A_85, %dma_start3A_86, %dma_start3A_87] : memref<5x128x64xf32, #tpu.memory_space<vmem>> -> memref<1x128x64xf32, #tpu.memory_space<vmem>>
    %dma_start3A_89 = tpu.memref_squeeze %dma_start3A_88 : memref<1x128x64xf32, #tpu.memory_space<vmem>> -> memref<128x64xf32, #tpu.memory_space<vmem>>
    %dma_start3A_90 = arith.constant 0 : i32
    %dma_start3A_91 = tpu.memref_slice %arg5[%dma_start3A_84, %dma_start3A_90] : memref<200x128xi32, #tpu.memory_space<vmem>> -> memref<1x128xi32, #tpu.memory_space<vmem>>
    %dma_start3A_92 = tpu.memref_squeeze %dma_start3A_91 : memref<1x128xi32, #tpu.memory_space<vmem>> -> memref<128xi32, #tpu.memory_space<vmem>>
    %dma_start3A_93 = arith.constant 0 : i32
    %dma_start3A_94 = arith.constant 0 : i32
    %dma_start3A_95 = tpu.memref_slice %arg3[%dma_start3A_93, %dma_start3A_94] : memref<1000000x64xf32, #tpu.memory_space<hbm>> -> memref<1000000x64xf32, #tpu.memory_space<hbm>>
    tpu.enqueue_indirect_dma source(%dma_start3A_95 : memref<1000000x64xf32, #tpu.memory_space<hbm>>) target(%dma_start3A_89 : memref<128x64xf32, #tpu.memory_space<vmem>>) offsets(%dma_start3A_92 : memref<128xi32, #tpu.memory_space<vmem>>) semaphore(%arg10 : memref<!tpu.dma_semaphore, #tpu.memory_space<semaphore_mem>>)
    %dma_start3A_96 = arith.constant 3 : i32
    %dma_start3A_97 = arith.constant 3 : i32
    %dma_start3A_98 = arith.constant 0 : i32
    %dma_start3A_99 = arith.constant 0 : i32
    %dma_start3A_100 = tpu.memref_slice %arg6[%dma_start3A_97, %dma_start3A_98, %dma_start3A_99] : memref<5x128x64xf32, #tpu.memory_space<vmem>> -> memref<1x128x64xf32, #tpu.memory_space<vmem>>
    %dma_start3A_101 = tpu.memref_squeeze %dma_start3A_100 : memref<1x128x64xf32, #tpu.memory_space<vmem>> -> memref<128x64xf32, #tpu.memory_space<vmem>>
    %dma_start3A_102 = arith.constant 0 : i32
    %dma_start3A_103 = tpu.memref_slice %arg5[%dma_start3A_96, %dma_start3A_102] : memref<200x128xi32, #tpu.memory_space<vmem>> -> memref<1x128xi32, #tpu.memory_space<vmem>>
    %dma_start3A_104 = tpu.memref_squeeze %dma_start3A_103 : memref<1x128xi32, #tpu.memory_space<vmem>> -> memref<128xi32, #tpu.memory_space<vmem>>
    %dma_start3A_105 = arith.constant 0 : i32
    %dma_start3A_106 = arith.constant 0 : i32
    %dma_start3A_107 = tpu.memref_slice %arg3[%dma_start3A_105, %dma_start3A_106] : memref<1000000x64xf32, #tpu.memory_space<hbm>> -> memref<1000000x64xf32, #tpu.memory_space<hbm>>
    tpu.enqueue_indirect_dma source(%dma_start3A_107 : memref<1000000x64xf32, #tpu.memory_space<hbm>>) target(%dma_start3A_101 : memref<128x64xf32, #tpu.memory_space<vmem>>) offsets(%dma_start3A_104 : memref<128xi32, #tpu.memory_space<vmem>>) semaphore(%arg11 : memref<!tpu.dma_semaphore, #tpu.memory_space<semaphore_mem>>)
    %dma_start3A_108 = arith.constant 4 : i32
    %dma_start3A_109 = arith.constant 4 : i32
    %dma_start3A_110 = arith.constant 0 : i32
    %dma_start3A_111 = arith.constant 0 : i32
    %dma_start3A_112 = tpu.memref_slice %arg6[%dma_start3A_109, %dma_start3A_110, %dma_start3A_111] : memref<5x128x64xf32, #tpu.memory_space<vmem>> -> memref<1x128x64xf32, #tpu.memory_space<vmem>>
    %dma_start3A_113 = tpu.memref_squeeze %dma_start3A_112 : memref<1x128x64xf32, #tpu.memory_space<vmem>> -> memref<128x64xf32, #tpu.memory_space<vmem>>
    %dma_start3A_114 = arith.constant 0 : i32
    %dma_start3A_115 = tpu.memref_slice %arg5[%dma_start3A_108, %dma_start3A_114] : memref<200x128xi32, #tpu.memory_space<vmem>> -> memref<1x128xi32, #tpu.memory_space<vmem>>
    %dma_start3A_116 = tpu.memref_squeeze %dma_start3A_115 : memref<1x128xi32, #tpu.memory_space<vmem>> -> memref<128xi32, #tpu.memory_space<vmem>>
    %dma_start3A_117 = arith.constant 0 : i32
    %dma_start3A_118 = arith.constant 0 : i32
    %dma_start3A_119 = tpu.memref_slice %arg3[%dma_start3A_117, %dma_start3A_118] : memref<1000000x64xf32, #tpu.memory_space<hbm>> -> memref<1000000x64xf32, #tpu.memory_space<hbm>>
    tpu.enqueue_indirect_dma source(%dma_start3A_119 : memref<1000000x64xf32, #tpu.memory_space<hbm>>) target(%dma_start3A_113 : memref<128x64xf32, #tpu.memory_space<vmem>>) offsets(%dma_start3A_116 : memref<128xi32, #tpu.memory_space<vmem>>) semaphore(%arg12 : memref<!tpu.dma_semaphore, #tpu.memory_space<semaphore_mem>>)
    %scan3A = arith.constant 0 : i32
    %scan3A_120 = arith.constant 0 : i32
    %scan3A_121 = arith.constant 40 : i32
    %scan3A_122 = arith.addi %scan3A_120, %scan3A_121 : i32
    %scan3A_123 = arith.constant 1 : i32
    scf.for %scan3A_244 = %scan3A_120 to %scan3A_122 step %scan3A_123  : i32 {
      %mul3A_245 = arith.constant 5 : i32
      %mul3A_246 = arith.muli %scan3A_244, %mul3A_245 : i32
      %add3A_247 = arith.constant 0 : i32
      %add3A_248 = arith.addi %mul3A_246, %add3A_247 : i32
      %dma_wait3A_249 = arith.constant 0 : i32
      %dma_wait3A_250 = arith.constant 0 : i32
      %dma_wait3A_251 = arith.constant 0 : i32
      %dma_wait3A_252 = tpu.memref_slice %arg6[%dma_wait3A_249, %dma_wait3A_250, %dma_wait3A_251] : memref<5x128x64xf32, #tpu.memory_space<vmem>> -> memref<1x128x64xf32, #tpu.memory_space<vmem>>
      %dma_wait3A_253 = tpu.memref_squeeze %dma_wait3A_252 : memref<1x128x64xf32, #tpu.memory_space<vmem>> -> memref<128x64xf32, #tpu.memory_space<vmem>>
      %dma_wait3A_254 = arith.constant 0 : i32
      %dma_wait3A_255 = tpu.memref_slice %arg5[%add3A_248, %dma_wait3A_254] : memref<200x128xi32, #tpu.memory_space<vmem>> -> memref<1x128xi32, #tpu.memory_space<vmem>>
      %dma_wait3A_256 = tpu.memref_squeeze %dma_wait3A_255 : memref<1x128xi32, #tpu.memory_space<vmem>> -> memref<128xi32, #tpu.memory_space<vmem>>
      %dma_wait3A_257 = arith.constant 0 : i32
      %dma_wait3A_258 = arith.constant 0 : i32
      %dma_wait3A_259 = tpu.memref_slice %arg3[%dma_wait3A_257, %dma_wait3A_258] : memref<1000000x64xf32, #tpu.memory_space<hbm>> -> memref<1000000x64xf32, #tpu.memory_space<hbm>>
      tpu.wait_indirect_dma semaphore(%arg8 : memref<!tpu.dma_semaphore, #tpu.memory_space<semaphore_mem>>) src(%dma_wait3A_259 : memref<1000000x64xf32, #tpu.memory_space<hbm>>) dst(%dma_wait3A_253 : memref<128x64xf32, #tpu.memory_space<vmem>>)
      %gt3A = arith.constant 0 : i32
      %gt3A_260 = arith.cmpi sgt, %scan3A_244, %gt3A : i32
      %convert_element_type3A = arith.extui %gt3A_260 : i1 to i32
      %cond3A = arith.constant 0 : i32
      %cond3A_261 = arith.cmpi ne, %convert_element_type3A, %cond3A : i32
      scf.if %cond3A_261 {
        %sub3A_506 = arith.constant 5 : i32
        %sub3A_507 = arith.subi %add3A_248, %sub3A_506 : i32
        %dma_wait3A_508 = arith.constant 0 : i32
        %dma_wait3A_509 = arith.constant 0 : i32
        %dma_wait3A_510 = arith.constant 0 : i32
        %dma_wait3A_511 = arith.constant 0 : i32
        %dma_wait3A_512 = arith.constant 0 : i32
        %dma_wait3A_513 = tpu.memref_slice %arg7[%dma_wait3A_508, %dma_wait3A_509, %dma_wait3A_510, %dma_wait3A_511, %dma_wait3A_512] : memref<5x8x1x8x133xf32, #tpu.memory_space<vmem>> -> memref<1x8x1x8x128xf32, #tpu.memory_space<vmem>>
        %dma_wait3A_514 = tpu.memref_squeeze %dma_wait3A_513 : memref<1x8x1x8x128xf32, #tpu.memory_space<vmem>> -> memref<8x1x8x128xf32, #tpu.memory_space<vmem>>
        %dma_wait3A_515 = arith.constant 0 : i32
        %dma_wait3A_516 = arith.constant 0 : i32
        %dma_wait3A_517 = arith.constant 0 : i32
        %dma_wait3A_518 = tpu.memref_slice %arg4[%sub3A_507, %dma_wait3A_515, %add3A, %dma_wait3A_516, %dma_wait3A_517] : memref<200x8x32x8x128xf32, #tpu.memory_space<hbm>> -> memref<1x8x1x8x128xf32, #tpu.memory_space<hbm>>
        %dma_wait3A_519 = tpu.memref_squeeze %dma_wait3A_518 : memref<1x8x1x8x128xf32, #tpu.memory_space<hbm>> -> memref<8x1x8x128xf32, #tpu.memory_space<hbm>>
        %dma_wait3A_520 = arith.constant 0 : i32
        %dma_wait3A_521 = arith.constant 0 : i32
        %dma_wait3A_522 = arith.constant 0 : i32
        %dma_wait3A_523 = tpu.memref_slice %arg4[%sub3A_507, %dma_wait3A_520, %add3A, %dma_wait3A_521, %dma_wait3A_522] : memref<200x8x32x8x128xf32, #tpu.memory_space<hbm>> -> memref<1x8x1x8x128xf32, #tpu.memory_space<hbm>>
        %dma_wait3A_524 = tpu.memref_squeeze %dma_wait3A_523 : memref<1x8x1x8x128xf32, #tpu.memory_space<hbm>> -> memref<8x1x8x128xf32, #tpu.memory_space<hbm>>
        %dma_wait3A_525 = arith.constant 0 : i32
        %dma_wait3A_526 = arith.constant 0 : i32
        %dma_wait3A_527 = arith.constant 0 : i32
        %dma_wait3A_528 = arith.constant 0 : i32
        %dma_wait3A_529 = tpu.memref_slice %arg7[%dma_wait3A_508, %dma_wait3A_525, %dma_wait3A_526, %dma_wait3A_527, %dma_wait3A_528] : memref<5x8x1x8x133xf32, #tpu.memory_space<vmem>> -> memref<1x8x1x8x128xf32, #tpu.memory_space<vmem>>
        %dma_wait3A_530 = tpu.memref_squeeze %dma_wait3A_529 : memref<1x8x1x8x128xf32, #tpu.memory_space<vmem>> -> memref<8x1x8x128xf32, #tpu.memory_space<vmem>>
        tpu.wait_dma2 semaphore(%arg13 : memref<!tpu.dma_semaphore, #tpu.memory_space<semaphore_mem>>) src(%dma_wait3A_530 : memref<8x1x8x128xf32, #tpu.memory_space<vmem>>) dst(%dma_wait3A_524 : memref<8x1x8x128xf32, #tpu.memory_space<hbm>>)
      } else {
      }
      %parallel_loop3A = arith.constant 0 : i32
      %parallel_loop3A_262 = arith.constant 128 : i32
      %parallel_loop3A_263 = arith.constant 1 : i32
      scf.for %parallel_loop3A_506 = %parallel_loop3A to %parallel_loop3A_262 step %parallel_loop3A_263  : i32 {
        %parallel_loop3A_507 = vector.broadcast %parallel_loop3A_506 : i32 to vector<16xi32>
        %parallel_loop3A_508 = arith.addi %mul3A_48, %parallel_loop3A_507 : vector<16xi32>
        %parallel_loop3A_509 = arith.constant 0 : i32
        %parallel_loop3A_510 = arith.index_cast %parallel_loop3A_509 : i32 to index
        %parallel_loop3A_511 = arith.index_cast %parallel_loop3A_506 : i32 to index
        %parallel_loop3A_512 = arith.constant 0 : index
        %parallel_loop3A_513 = tpu.vector_load %arg6[%parallel_loop3A_510, %parallel_loop3A_511, %parallel_loop3A_512] {strides = array<i32>} : memref<5x128x64xf32, #tpu.memory_space<vmem>>, vector<16xf32>,
        %parallel_loop3A_514 = arith.constant 0 : i32
        %parallel_loop3A_515 = arith.constant 0 : i32
        %parallel_loop3A_516 = arith.constant 0 : i32
        %parallel_loop3A_517 = arith.constant 0 : i32
        %parallel_loop3A_518 = arith.constant 0 : i32
        %parallel_loop3A_519 = tpu.memref_slice %arg7[%parallel_loop3A_514, %parallel_loop3A_515, %parallel_loop3A_516, %parallel_loop3A_517, %parallel_loop3A_518] : memref<5x8x1x8x133xf32, #tpu.memory_space<vmem>> -> memref<1x8x1x8x133xf32, #tpu.memory_space<vmem>>
        %parallel_loop3A_520 = tpu.memref_squeeze %parallel_loop3A_519 : memref<1x8x1x8x133xf32, #tpu.memory_space<vmem>> -> memref<8x1x8x133xf32, #tpu.memory_space<vmem>>
        tpu.vector_store_idx %parallel_loop3A_520[%add3A_51, %mul3A_48, %select_n3A_45, %parallel_loop3A_508], %parallel_loop3A_513 : memref<8x1x8x133xf32, #tpu.memory_space<vmem>>[vector<16xi32>, vector<16xi32>, vector<16xi32>, vector<16xi32>], vector<16xf32>,
        %parallel_loop3A_521 = arith.constant 0 : i32
        %parallel_loop3A_522 = arith.index_cast %parallel_loop3A_521 : i32 to index
        %parallel_loop3A_523 = arith.index_cast %parallel_loop3A_506 : i32 to index
        %parallel_loop3A_524 = arith.constant 16 : index
        %parallel_loop3A_525 = tpu.vector_load %arg6[%parallel_loop3A_522, %parallel_loop3A_523, %parallel_loop3A_524] {strides = array<i32>} : memref<5x128x64xf32, #tpu.memory_space<vmem>>, vector<16xf32>,
        %parallel_loop3A_526 = arith.constant 0 : i32
        %parallel_loop3A_527 = arith.constant 0 : i32
        %parallel_loop3A_528 = arith.constant 0 : i32
        %parallel_loop3A_529 = arith.constant 0 : i32
        %parallel_loop3A_530 = arith.constant 0 : i32
        %parallel_loop3A_531 = tpu.memref_slice %arg7[%parallel_loop3A_526, %parallel_loop3A_527, %parallel_loop3A_528, %parallel_loop3A_529, %parallel_loop3A_530] : memref<5x8x1x8x133xf32, #tpu.memory_space<vmem>> -> memref<1x8x1x8x133xf32, #tpu.memory_space<vmem>>
        %parallel_loop3A_532 = tpu.memref_squeeze %parallel_loop3A_531 : memref<1x8x1x8x133xf32, #tpu.memory_space<vmem>> -> memref<8x1x8x133xf32, #tpu.memory_space<vmem>>
        tpu.vector_store_idx %parallel_loop3A_532[%add3A_54, %mul3A_48, %select_n3A_45, %parallel_loop3A_508], %parallel_loop3A_525 : memref<8x1x8x133xf32, #tpu.memory_space<vmem>>[vector<16xi32>, vector<16xi32>, vector<16xi32>, vector<16xi32>], vector<16xf32>,
        %parallel_loop3A_533 = arith.constant 0 : i32
        %parallel_loop3A_534 = arith.index_cast %parallel_loop3A_533 : i32 to index
        %parallel_loop3A_535 = arith.index_cast %parallel_loop3A_506 : i32 to index
        %parallel_loop3A_536 = arith.constant 32 : index
        %parallel_loop3A_537 = tpu.vector_load %arg6[%parallel_loop3A_534, %parallel_loop3A_535, %parallel_loop3A_536] {strides = array<i32>} : memref<5x128x64xf32, #tpu.memory_space<vmem>>, vector<16xf32>,
        %parallel_loop3A_538 = arith.constant 0 : i32
        %parallel_loop3A_539 = arith.constant 0 : i32
        %parallel_loop3A_540 = arith.constant 0 : i32
        %parallel_loop3A_541 = arith.constant 0 : i32
        %parallel_loop3A_542 = arith.constant 0 : i32
        %parallel_loop3A_543 = tpu.memref_slice %arg7[%parallel_loop3A_538, %parallel_loop3A_539, %parallel_loop3A_540, %parallel_loop3A_541, %parallel_loop3A_542] : memref<5x8x1x8x133xf32, #tpu.memory_space<vmem>> -> memref<1x8x1x8x133xf32, #tpu.memory_space<vmem>>
        %parallel_loop3A_544 = tpu.memref_squeeze %parallel_loop3A_543 : memref<1x8x1x8x133xf32, #tpu.memory_space<vmem>> -> memref<8x1x8x133xf32, #tpu.memory_space<vmem>>
        tpu.vector_store_idx %parallel_loop3A_544[%add3A_57, %mul3A_48, %select_n3A_45, %parallel_loop3A_508], %parallel_loop3A_537 : memref<8x1x8x133xf32, #tpu.memory_space<vmem>>[vector<16xi32>, vector<16xi32>, vector<16xi32>, vector<16xi32>], vector<16xf32>,
        %parallel_loop3A_545 = arith.constant 0 : i32
        %parallel_loop3A_546 = arith.index_cast %parallel_loop3A_545 : i32 to index
        %parallel_loop3A_547 = arith.index_cast %parallel_loop3A_506 : i32 to index
        %parallel_loop3A_548 = arith.constant 48 : index
        %parallel_loop3A_549 = tpu.vector_load %arg6[%parallel_loop3A_546, %parallel_loop3A_547, %parallel_loop3A_548] {strides = array<i32>} : memref<5x128x64xf32, #tpu.memory_space<vmem>>, vector<16xf32>,
        %parallel_loop3A_550 = arith.constant 0 : i32
        %parallel_loop3A_551 = arith.constant 0 : i32
        %parallel_loop3A_552 = arith.constant 0 : i32
        %parallel_loop3A_553 = arith.constant 0 : i32
        %parallel_loop3A_554 = arith.constant 0 : i32
        %parallel_loop3A_555 = tpu.memref_slice %arg7[%parallel_loop3A_550, %parallel_loop3A_551, %parallel_loop3A_552, %parallel_loop3A_553, %parallel_loop3A_554] : memref<5x8x1x8x133xf32, #tpu.memory_space<vmem>> -> memref<1x8x1x8x133xf32, #tpu.memory_space<vmem>>
        %parallel_loop3A_556 = tpu.memref_squeeze %parallel_loop3A_555 : memref<1x8x1x8x133xf32, #tpu.memory_space<vmem>> -> memref<8x1x8x133xf32, #tpu.memory_space<vmem>>
        tpu.vector_store_idx %parallel_loop3A_556[%add3A_60, %mul3A_48, %select_n3A_45, %parallel_loop3A_508], %parallel_loop3A_549 : memref<8x1x8x133xf32, #tpu.memory_space<vmem>>[vector<16xi32>, vector<16xi32>, vector<16xi32>, vector<16xi32>], vector<16xf32>,
      } {sc.loop_unroll_factor = 8 : i64, sc.parallel_access}
      %dma_start3A_264 = arith.constant 0 : i32
      %dma_start3A_265 = arith.constant 0 : i32
      %dma_start3A_266 = arith.constant 0 : i32
      %dma_start3A_267 = arith.constant 0 : i32
      %dma_start3A_268 = arith.constant 0 : i32
      %dma_start3A_269 = tpu.memref_slice %arg7[%dma_start3A_264, %dma_start3A_265, %dma_start3A_266, %dma_start3A_267, %dma_start3A_268] : memref<5x8x1x8x133xf32, #tpu.memory_space<vmem>> -> memref<1x8x1x8x128xf32, #tpu.memory_space<vmem>>
      %dma_start3A_270 = tpu.memref_squeeze %dma_start3A_269 : memref<1x8x1x8x128xf32, #tpu.memory_space<vmem>> -> memref<8x1x8x128xf32, #tpu.memory_space<vmem>>
      %dma_start3A_271 = arith.constant 0 : i32
      %dma_start3A_272 = arith.constant 0 : i32
      %dma_start3A_273 = arith.constant 0 : i32
      %dma_start3A_274 = tpu.memref_slice %arg4[%add3A_248, %dma_start3A_271, %add3A, %dma_start3A_272, %dma_start3A_273] : memref<200x8x32x8x128xf32, #tpu.memory_space<hbm>> -> memref<1x8x1x8x128xf32, #tpu.memory_space<hbm>>
      %dma_start3A_275 = tpu.memref_squeeze %dma_start3A_274 : memref<1x8x1x8x128xf32, #tpu.memory_space<hbm>> -> memref<8x1x8x128xf32, #tpu.memory_space<hbm>>
      %dma_start3A_276 = arith.constant 0 : i32
      %dma_start3A_277 = arith.constant 0 : i32
      %dma_start3A_278 = arith.constant 0 : i32
      %dma_start3A_279 = tpu.memref_slice %arg4[%add3A_248, %dma_start3A_276, %add3A, %dma_start3A_277, %dma_start3A_278] : memref<200x8x32x8x128xf32, #tpu.memory_space<hbm>> -> memref<1x8x1x8x128xf32, #tpu.memory_space<hbm>>
      %dma_start3A_280 = tpu.memref_squeeze %dma_start3A_279 : memref<1x8x1x8x128xf32, #tpu.memory_space<hbm>> -> memref<8x1x8x128xf32, #tpu.memory_space<hbm>>
      %dma_start3A_281 = arith.constant 0 : i32
      %dma_start3A_282 = arith.constant 0 : i32
      %dma_start3A_283 = arith.constant 0 : i32
      %dma_start3A_284 = arith.constant 0 : i32
      %dma_start3A_285 = tpu.memref_slice %arg7[%dma_start3A_264, %dma_start3A_281, %dma_start3A_282, %dma_start3A_283, %dma_start3A_284] : memref<5x8x1x8x133xf32, #tpu.memory_space<vmem>> -> memref<1x8x1x8x128xf32, #tpu.memory_space<vmem>>
      %dma_start3A_286 = tpu.memref_squeeze %dma_start3A_285 : memref<1x8x1x8x128xf32, #tpu.memory_space<vmem>> -> memref<8x1x8x128xf32, #tpu.memory_space<vmem>>
      tpu.enqueue_dma source(%dma_start3A_286 : memref<8x1x8x128xf32, #tpu.memory_space<vmem>>) target(%dma_start3A_280 : memref<8x1x8x128xf32, #tpu.memory_space<hbm>>) target_semaphore(%arg13 : memref<!tpu.dma_semaphore, #tpu.memory_space<semaphore_mem>>)
      %add3A_287 = arith.constant 5 : i32
      %add3A_288 = arith.addi %add3A_248, %add3A_287 : i32
      %lt3A_289 = arith.constant 200 : i32
      %lt3A_290 = arith.cmpi slt, %add3A_288, %lt3A_289 : i32
      %convert_element_type3A_291 = arith.extui %lt3A_290 : i1 to i32
      %cond3A_292 = arith.constant 0 : i32
      %cond3A_293 = arith.cmpi ne, %convert_element_type3A_291, %cond3A_292 : i32
      scf.if %cond3A_293 {
        %add3A_506 = arith.constant 5 : i32
        %add3A_507 = arith.addi %add3A_248, %add3A_506 : i32
        %dma_start3A_508 = arith.constant 0 : i32
        %dma_start3A_509 = arith.constant 0 : i32
        %dma_start3A_510 = arith.constant 0 : i32
        %dma_start3A_511 = tpu.memref_slice %arg6[%dma_start3A_508, %dma_start3A_509, %dma_start3A_510] : memref<5x128x64xf32, #tpu.memory_space<vmem>> -> memref<1x128x64xf32, #tpu.memory_space<vmem>>
        %dma_start3A_512 = tpu.memref_squeeze %dma_start3A_511 : memref<1x128x64xf32, #tpu.memory_space<vmem>> -> memref<128x64xf32, #tpu.memory_space<vmem>>
        %dma_start3A_513 = arith.constant 0 : i32
        %dma_start3A_514 = tpu.memref_slice %arg5[%add3A_507, %dma_start3A_513] : memref<200x128xi32, #tpu.memory_space<vmem>> -> memref<1x128xi32, #tpu.memory_space<vmem>>
        %dma_start3A_515 = tpu.memref_squeeze %dma_start3A_514 : memref<1x128xi32, #tpu.memory_space<vmem>> -> memref<128xi32, #tpu.memory_space<vmem>>
        %dma_start3A_516 = arith.constant 0 : i32
        %dma_start3A_517 = arith.constant 0 : i32
        %dma_start3A_518 = tpu.memref_slice %arg3[%dma_start3A_516, %dma_start3A_517] : memref<1000000x64xf32, #tpu.memory_space<hbm>> -> memref<1000000x64xf32, #tpu.memory_space<hbm>>
        tpu.enqueue_indirect_dma source(%dma_start3A_518 : memref<1000000x64xf32, #tpu.memory_space<hbm>>) target(%dma_start3A_512 : memref<128x64xf32, #tpu.memory_space<vmem>>) offsets(%dma_start3A_515 : memref<128xi32, #tpu.memory_space<vmem>>) semaphore(%arg8 : memref<!tpu.dma_semaphore, #tpu.memory_space<semaphore_mem>>)
      } else {
      }
      %mul3A_294 = arith.constant 5 : i32
      %mul3A_295 = arith.muli %scan3A_244, %mul3A_294 : i32
      %add3A_296 = arith.constant 1 : i32
      %add3A_297 = arith.addi %mul3A_295, %add3A_296 : i32
      %dma_wait3A_298 = arith.constant 1 : i32
      %dma_wait3A_299 = arith.constant 0 : i32
      %dma_wait3A_300 = arith.constant 0 : i32
      %dma_wait3A_301 = tpu.memref_slice %arg6[%dma_wait3A_298, %dma_wait3A_299, %dma_wait3A_300] : memref<5x128x64xf32, #tpu.memory_space<vmem>> -> memref<1x128x64xf32, #tpu.memory_space<vmem>>
      %dma_wait3A_302 = tpu.memref_squeeze %dma_wait3A_301 : memref<1x128x64xf32, #tpu.memory_space<vmem>> -> memref<128x64xf32, #tpu.memory_space<vmem>>
      %dma_wait3A_303 = arith.constant 0 : i32
      %dma_wait3A_304 = tpu.memref_slice %arg5[%add3A_297, %dma_wait3A_303] : memref<200x128xi32, #tpu.memory_space<vmem>> -> memref<1x128xi32, #tpu.memory_space<vmem>>
      %dma_wait3A_305 = tpu.memref_squeeze %dma_wait3A_304 : memref<1x128xi32, #tpu.memory_space<vmem>> -> memref<128xi32, #tpu.memory_space<vmem>>
      %dma_wait3A_306 = arith.constant 0 : i32
      %dma_wait3A_307 = arith.constant 0 : i32
      %dma_wait3A_308 = tpu.memref_slice %arg3[%dma_wait3A_306, %dma_wait3A_307] : memref<1000000x64xf32, #tpu.memory_space<hbm>> -> memref<1000000x64xf32, #tpu.memory_space<hbm>>
      tpu.wait_indirect_dma semaphore(%arg9 : memref<!tpu.dma_semaphore, #tpu.memory_space<semaphore_mem>>) src(%dma_wait3A_308 : memref<1000000x64xf32, #tpu.memory_space<hbm>>) dst(%dma_wait3A_302 : memref<128x64xf32, #tpu.memory_space<vmem>>)
      %gt3A_309 = arith.constant 0 : i32
      %gt3A_310 = arith.cmpi sgt, %scan3A_244, %gt3A_309 : i32
      %convert_element_type3A_311 = arith.extui %gt3A_310 : i1 to i32
      %cond3A_312 = arith.constant 0 : i32
      %cond3A_313 = arith.cmpi ne, %convert_element_type3A_311, %cond3A_312 : i32
      scf.if %cond3A_313 {
        %sub3A_506 = arith.constant 5 : i32
        %sub3A_507 = arith.subi %add3A_297, %sub3A_506 : i32
        %dma_wait3A_508 = arith.constant 1 : i32
        %dma_wait3A_509 = arith.constant 0 : i32
        %dma_wait3A_510 = arith.constant 0 : i32
        %dma_wait3A_511 = arith.constant 0 : i32
        %dma_wait3A_512 = arith.constant 0 : i32
        %dma_wait3A_513 = tpu.memref_slice %arg7[%dma_wait3A_508, %dma_wait3A_509, %dma_wait3A_510, %dma_wait3A_511, %dma_wait3A_512] : memref<5x8x1x8x133xf32, #tpu.memory_space<vmem>> -> memref<1x8x1x8x128xf32, #tpu.memory_space<vmem>>
        %dma_wait3A_514 = tpu.memref_squeeze %dma_wait3A_513 : memref<1x8x1x8x128xf32, #tpu.memory_space<vmem>> -> memref<8x1x8x128xf32, #tpu.memory_space<vmem>>
        %dma_wait3A_515 = arith.constant 0 : i32
        %dma_wait3A_516 = arith.constant 0 : i32
        %dma_wait3A_517 = arith.constant 0 : i32
        %dma_wait3A_518 = tpu.memref_slice %arg4[%sub3A_507, %dma_wait3A_515, %add3A, %dma_wait3A_516, %dma_wait3A_517] : memref<200x8x32x8x128xf32, #tpu.memory_space<hbm>> -> memref<1x8x1x8x128xf32, #tpu.memory_space<hbm>>
        %dma_wait3A_519 = tpu.memref_squeeze %dma_wait3A_518 : memref<1x8x1x8x128xf32, #tpu.memory_space<hbm>> -> memref<8x1x8x128xf32, #tpu.memory_space<hbm>>
        %dma_wait3A_520 = arith.constant 0 : i32
        %dma_wait3A_521 = arith.constant 0 : i32
        %dma_wait3A_522 = arith.constant 0 : i32
        %dma_wait3A_523 = tpu.memref_slice %arg4[%sub3A_507, %dma_wait3A_520, %add3A, %dma_wait3A_521, %dma_wait3A_522] : memref<200x8x32x8x128xf32, #tpu.memory_space<hbm>> -> memref<1x8x1x8x128xf32, #tpu.memory_space<hbm>>
        %dma_wait3A_524 = tpu.memref_squeeze %dma_wait3A_523 : memref<1x8x1x8x128xf32, #tpu.memory_space<hbm>> -> memref<8x1x8x128xf32, #tpu.memory_space<hbm>>
        %dma_wait3A_525 = arith.constant 0 : i32
        %dma_wait3A_526 = arith.constant 0 : i32
        %dma_wait3A_527 = arith.constant 0 : i32
        %dma_wait3A_528 = arith.constant 0 : i32
        %dma_wait3A_529 = tpu.memref_slice %arg7[%dma_wait3A_508, %dma_wait3A_525, %dma_wait3A_526, %dma_wait3A_527, %dma_wait3A_528] : memref<5x8x1x8x133xf32, #tpu.memory_space<vmem>> -> memref<1x8x1x8x128xf32, #tpu.memory_space<vmem>>
        %dma_wait3A_530 = tpu.memref_squeeze %dma_wait3A_529 : memref<1x8x1x8x128xf32, #tpu.memory_space<vmem>> -> memref<8x1x8x128xf32, #tpu.memory_space<vmem>>
        tpu.wait_dma2 semaphore(%arg14 : memref<!tpu.dma_semaphore, #tpu.memory_space<semaphore_mem>>) src(%dma_wait3A_530 : memref<8x1x8x128xf32, #tpu.memory_space<vmem>>) dst(%dma_wait3A_524 : memref<8x1x8x128xf32, #tpu.memory_space<hbm>>)
      } else {
      }
      %parallel_loop3A_314 = arith.constant 0 : i32
      %parallel_loop3A_315 = arith.constant 128 : i32
      %parallel_loop3A_316 = arith.constant 1 : i32
      scf.for %parallel_loop3A_506 = %parallel_loop3A_314 to %parallel_loop3A_315 step %parallel_loop3A_316  : i32 {
        %parallel_loop3A_507 = vector.broadcast %parallel_loop3A_506 : i32 to vector<16xi32>
        %parallel_loop3A_508 = arith.addi %mul3A_48, %parallel_loop3A_507 : vector<16xi32>
        %parallel_loop3A_509 = arith.constant 1 : i32
        %parallel_loop3A_510 = arith.index_cast %parallel_loop3A_509 : i32 to index
        %parallel_loop3A_511 = arith.index_cast %parallel_loop3A_506 : i32 to index
        %parallel_loop3A_512 = arith.constant 0 : index
        %parallel_loop3A_513 = tpu.vector_load %arg6[%parallel_loop3A_510, %parallel_loop3A_511, %parallel_loop3A_512] {strides = array<i32>} : memref<5x128x64xf32, #tpu.memory_space<vmem>>, vector<16xf32>,
        %parallel_loop3A_514 = arith.constant 1 : i32
        %parallel_loop3A_515 = arith.constant 0 : i32
        %parallel_loop3A_516 = arith.constant 0 : i32
        %parallel_loop3A_517 = arith.constant 0 : i32
        %parallel_loop3A_518 = arith.constant 0 : i32
        %parallel_loop3A_519 = tpu.memref_slice %arg7[%parallel_loop3A_514, %parallel_loop3A_515, %parallel_loop3A_516, %parallel_loop3A_517, %parallel_loop3A_518] : memref<5x8x1x8x133xf32, #tpu.memory_space<vmem>> -> memref<1x8x1x8x133xf32, #tpu.memory_space<vmem>>
        %parallel_loop3A_520 = tpu.memref_squeeze %parallel_loop3A_519 : memref<1x8x1x8x133xf32, #tpu.memory_space<vmem>> -> memref<8x1x8x133xf32, #tpu.memory_space<vmem>>
        tpu.vector_store_idx %parallel_loop3A_520[%add3A_51, %mul3A_48, %select_n3A_45, %parallel_loop3A_508], %parallel_loop3A_513 : memref<8x1x8x133xf32, #tpu.memory_space<vmem>>[vector<16xi32>, vector<16xi32>, vector<16xi32>, vector<16xi32>], vector<16xf32>,
        %parallel_loop3A_521 = arith.constant 1 : i32
        %parallel_loop3A_522 = arith.index_cast %parallel_loop3A_521 : i32 to index
        %parallel_loop3A_523 = arith.index_cast %parallel_loop3A_506 : i32 to index
        %parallel_loop3A_524 = arith.constant 16 : index
        %parallel_loop3A_525 = tpu.vector_load %arg6[%parallel_loop3A_522, %parallel_loop3A_523, %parallel_loop3A_524] {strides = array<i32>} : memref<5x128x64xf32, #tpu.memory_space<vmem>>, vector<16xf32>,
        %parallel_loop3A_526 = arith.constant 1 : i32
        %parallel_loop3A_527 = arith.constant 0 : i32
        %parallel_loop3A_528 = arith.constant 0 : i32
        %parallel_loop3A_529 = arith.constant 0 : i32
        %parallel_loop3A_530 = arith.constant 0 : i32
        %parallel_loop3A_531 = tpu.memref_slice %arg7[%parallel_loop3A_526, %parallel_loop3A_527, %parallel_loop3A_528, %parallel_loop3A_529, %parallel_loop3A_530] : memref<5x8x1x8x133xf32, #tpu.memory_space<vmem>> -> memref<1x8x1x8x133xf32, #tpu.memory_space<vmem>>
        %parallel_loop3A_532 = tpu.memref_squeeze %parallel_loop3A_531 : memref<1x8x1x8x133xf32, #tpu.memory_space<vmem>> -> memref<8x1x8x133xf32, #tpu.memory_space<vmem>>
        tpu.vector_store_idx %parallel_loop3A_532[%add3A_54, %mul3A_48, %select_n3A_45, %parallel_loop3A_508], %parallel_loop3A_525 : memref<8x1x8x133xf32, #tpu.memory_space<vmem>>[vector<16xi32>, vector<16xi32>, vector<16xi32>, vector<16xi32>], vector<16xf32>,
        %parallel_loop3A_533 = arith.constant 1 : i32
        %parallel_loop3A_534 = arith.index_cast %parallel_loop3A_533 : i32 to index
        %parallel_loop3A_535 = arith.index_cast %parallel_loop3A_506 : i32 to index
        %parallel_loop3A_536 = arith.constant 32 : index
        %parallel_loop3A_537 = tpu.vector_load %arg6[%parallel_loop3A_534, %parallel_loop3A_535, %parallel_loop3A_536] {strides = array<i32>} : memref<5x128x64xf32, #tpu.memory_space<vmem>>, vector<16xf32>,
        %parallel_loop3A_538 = arith.constant 1 : i32
        %parallel_loop3A_539 = arith.constant 0 : i32
        %parallel_loop3A_540 = arith.constant 0 : i32
        %parallel_loop3A_541 = arith.constant 0 : i32
        %parallel_loop3A_542 = arith.constant 0 : i32
        %parallel_loop3A_543 = tpu.memref_slice %arg7[%parallel_loop3A_538, %parallel_loop3A_539, %parallel_loop3A_540, %parallel_loop3A_541, %parallel_loop3A_542] : memref<5x8x1x8x133xf32, #tpu.memory_space<vmem>> -> memref<1x8x1x8x133xf32, #tpu.memory_space<vmem>>
        %parallel_loop3A_544 = tpu.memref_squeeze %parallel_loop3A_543 : memref<1x8x1x8x133xf32, #tpu.memory_space<vmem>> -> memref<8x1x8x133xf32, #tpu.memory_space<vmem>>
        tpu.vector_store_idx %parallel_loop3A_544[%add3A_57, %mul3A_48, %select_n3A_45, %parallel_loop3A_508], %parallel_loop3A_537 : memref<8x1x8x133xf32, #tpu.memory_space<vmem>>[vector<16xi32>, vector<16xi32>, vector<16xi32>, vector<16xi32>], vector<16xf32>,
        %parallel_loop3A_545 = arith.constant 1 : i32
        %parallel_loop3A_546 = arith.index_cast %parallel_loop3A_545 : i32 to index
        %parallel_loop3A_547 = arith.index_cast %parallel_loop3A_506 : i32 to index
        %parallel_loop3A_548 = arith.constant 48 : index
        %parallel_loop3A_549 = tpu.vector_load %arg6[%parallel_loop3A_546, %parallel_loop3A_547, %parallel_loop3A_548] {strides = array<i32>} : memref<5x128x64xf32, #tpu.memory_space<vmem>>, vector<16xf32>,
        %parallel_loop3A_550 = arith.constant 1 : i32
        %parallel_loop3A_551 = arith.constant 0 : i32
        %parallel_loop3A_552 = arith.constant 0 : i32
        %parallel_loop3A_553 = arith.constant 0 : i32
        %parallel_loop3A_554 = arith.constant 0 : i32
        %parallel_loop3A_555 = tpu.memref_slice %arg7[%parallel_loop3A_550, %parallel_loop3A_551, %parallel_loop3A_552, %parallel_loop3A_553, %parallel_loop3A_554] : memref<5x8x1x8x133xf32, #tpu.memory_space<vmem>> -> memref<1x8x1x8x133xf32, #tpu.memory_space<vmem>>
        %parallel_loop3A_556 = tpu.memref_squeeze %parallel_loop3A_555 : memref<1x8x1x8x133xf32, #tpu.memory_space<vmem>> -> memref<8x1x8x133xf32, #tpu.memory_space<vmem>>
        tpu.vector_store_idx %parallel_loop3A_556[%add3A_60, %mul3A_48, %select_n3A_45, %parallel_loop3A_508], %parallel_loop3A_549 : memref<8x1x8x133xf32, #tpu.memory_space<vmem>>[vector<16xi32>, vector<16xi32>, vector<16xi32>, vector<16xi32>], vector<16xf32>,
      } {sc.loop_unroll_factor = 8 : i64, sc.parallel_access}
      %dma_start3A_317 = arith.constant 1 : i32
      %dma_start3A_318 = arith.constant 0 : i32
      %dma_start3A_319 = arith.constant 0 : i32
      %dma_start3A_320 = arith.constant 0 : i32
      %dma_start3A_321 = arith.constant 0 : i32
      %dma_start3A_322 = tpu.memref_slice %arg7[%dma_start3A_317, %dma_start3A_318, %dma_start3A_319, %dma_start3A_320, %dma_start3A_321] : memref<5x8x1x8x133xf32, #tpu.memory_space<vmem>> -> memref<1x8x1x8x128xf32, #tpu.memory_space<vmem>>
      %dma_start3A_323 = tpu.memref_squeeze %dma_start3A_322 : memref<1x8x1x8x128xf32, #tpu.memory_space<vmem>> -> memref<8x1x8x128xf32, #tpu.memory_space<vmem>>
      %dma_start3A_324 = arith.constant 0 : i32
      %dma_start3A_325 = arith.constant 0 : i32
      %dma_start3A_326 = arith.constant 0 : i32
      %dma_start3A_327 = tpu.memref_slice %arg4[%add3A_297, %dma_start3A_324, %add3A, %dma_start3A_325, %dma_start3A_326] : memref<200x8x32x8x128xf32, #tpu.memory_space<hbm>> -> memref<1x8x1x8x128xf32, #tpu.memory_space<hbm>>
      %dma_start3A_328 = tpu.memref_squeeze %dma_start3A_327 : memref<1x8x1x8x128xf32, #tpu.memory_space<hbm>> -> memref<8x1x8x128xf32, #tpu.memory_space<hbm>>
      %dma_start3A_329 = arith.constant 0 : i32
      %dma_start3A_330 = arith.constant 0 : i32
      %dma_start3A_331 = arith.constant 0 : i32
      %dma_start3A_332 = tpu.memref_slice %arg4[%add3A_297, %dma_start3A_329, %add3A, %dma_start3A_330, %dma_start3A_331] : memref<200x8x32x8x128xf32, #tpu.memory_space<hbm>> -> memref<1x8x1x8x128xf32, #tpu.memory_space<hbm>>
      %dma_start3A_333 = tpu.memref_squeeze %dma_start3A_332 : memref<1x8x1x8x128xf32, #tpu.memory_space<hbm>> -> memref<8x1x8x128xf32, #tpu.memory_space<hbm>>
      %dma_start3A_334 = arith.constant 0 : i32
      %dma_start3A_335 = arith.constant 0 : i32
      %dma_start3A_336 = arith.constant 0 : i32
      %dma_start3A_337 = arith.constant 0 : i32
      %dma_start3A_338 = tpu.memref_slice %arg7[%dma_start3A_317, %dma_start3A_334, %dma_start3A_335, %dma_start3A_336, %dma_start3A_337] : memref<5x8x1x8x133xf32, #tpu.memory_space<vmem>> -> memref<1x8x1x8x128xf32, #tpu.memory_space<vmem>>
      %dma_start3A_339 = tpu.memref_squeeze %dma_start3A_338 : memref<1x8x1x8x128xf32, #tpu.memory_space<vmem>> -> memref<8x1x8x128xf32, #tpu.memory_space<vmem>>
      tpu.enqueue_dma source(%dma_start3A_339 : memref<8x1x8x128xf32, #tpu.memory_space<vmem>>) target(%dma_start3A_333 : memref<8x1x8x128xf32, #tpu.memory_space<hbm>>) target_semaphore(%arg14 : memref<!tpu.dma_semaphore, #tpu.memory_space<semaphore_mem>>)
      %add3A_340 = arith.constant 5 : i32
      %add3A_341 = arith.addi %add3A_297, %add3A_340 : i32
      %lt3A_342 = arith.constant 200 : i32
      %lt3A_343 = arith.cmpi slt, %add3A_341, %lt3A_342 : i32
      %convert_element_type3A_344 = arith.extui %lt3A_343 : i1 to i32
      %cond3A_345 = arith.constant 0 : i32
      %cond3A_346 = arith.cmpi ne, %convert_element_type3A_344, %cond3A_345 : i32
      scf.if %cond3A_346 {
        %add3A_506 = arith.constant 5 : i32
        %add3A_507 = arith.addi %add3A_297, %add3A_506 : i32
        %dma_start3A_508 = arith.constant 1 : i32
        %dma_start3A_509 = arith.constant 0 : i32
        %dma_start3A_510 = arith.constant 0 : i32
        %dma_start3A_511 = tpu.memref_slice %arg6[%dma_start3A_508, %dma_start3A_509, %dma_start3A_510] : memref<5x128x64xf32, #tpu.memory_space<vmem>> -> memref<1x128x64xf32, #tpu.memory_space<vmem>>
        %dma_start3A_512 = tpu.memref_squeeze %dma_start3A_511 : memref<1x128x64xf32, #tpu.memory_space<vmem>> -> memref<128x64xf32, #tpu.memory_space<vmem>>
        %dma_start3A_513 = arith.constant 0 : i32
        %dma_start3A_514 = tpu.memref_slice %arg5[%add3A_507, %dma_start3A_513] : memref<200x128xi32, #tpu.memory_space<vmem>> -> memref<1x128xi32, #tpu.memory_space<vmem>>
        %dma_start3A_515 = tpu.memref_squeeze %dma_start3A_514 : memref<1x128xi32, #tpu.memory_space<vmem>> -> memref<128xi32, #tpu.memory_space<vmem>>
        %dma_start3A_516 = arith.constant 0 : i32
        %dma_start3A_517 = arith.constant 0 : i32
        %dma_start3A_518 = tpu.memref_slice %arg3[%dma_start3A_516, %dma_start3A_517] : memref<1000000x64xf32, #tpu.memory_space<hbm>> -> memref<1000000x64xf32, #tpu.memory_space<hbm>>
        tpu.enqueue_indirect_dma source(%dma_start3A_518 : memref<1000000x64xf32, #tpu.memory_space<hbm>>) target(%dma_start3A_512 : memref<128x64xf32, #tpu.memory_space<vmem>>) offsets(%dma_start3A_515 : memref<128xi32, #tpu.memory_space<vmem>>) semaphore(%arg9 : memref<!tpu.dma_semaphore, #tpu.memory_space<semaphore_mem>>)
      } else {
      }
      %mul3A_347 = arith.constant 5 : i32
      %mul3A_348 = arith.muli %scan3A_244, %mul3A_347 : i32
      %add3A_349 = arith.constant 2 : i32
      %add3A_350 = arith.addi %mul3A_348, %add3A_349 : i32
      %dma_wait3A_351 = arith.constant 2 : i32
      %dma_wait3A_352 = arith.constant 0 : i32
      %dma_wait3A_353 = arith.constant 0 : i32
      %dma_wait3A_354 = tpu.memref_slice %arg6[%dma_wait3A_351, %dma_wait3A_352, %dma_wait3A_353] : memref<5x128x64xf32, #tpu.memory_space<vmem>> -> memref<1x128x64xf32, #tpu.memory_space<vmem>>
      %dma_wait3A_355 = tpu.memref_squeeze %dma_wait3A_354 : memref<1x128x64xf32, #tpu.memory_space<vmem>> -> memref<128x64xf32, #tpu.memory_space<vmem>>
      %dma_wait3A_356 = arith.constant 0 : i32
      %dma_wait3A_357 = tpu.memref_slice %arg5[%add3A_350, %dma_wait3A_356] : memref<200x128xi32, #tpu.memory_space<vmem>> -> memref<1x128xi32, #tpu.memory_space<vmem>>
      %dma_wait3A_358 = tpu.memref_squeeze %dma_wait3A_357 : memref<1x128xi32, #tpu.memory_space<vmem>> -> memref<128xi32, #tpu.memory_space<vmem>>
      %dma_wait3A_359 = arith.constant 0 : i32
      %dma_wait3A_360 = arith.constant 0 : i32
      %dma_wait3A_361 = tpu.memref_slice %arg3[%dma_wait3A_359, %dma_wait3A_360] : memref<1000000x64xf32, #tpu.memory_space<hbm>> -> memref<1000000x64xf32, #tpu.memory_space<hbm>>
      tpu.wait_indirect_dma semaphore(%arg10 : memref<!tpu.dma_semaphore, #tpu.memory_space<semaphore_mem>>) src(%dma_wait3A_361 : memref<1000000x64xf32, #tpu.memory_space<hbm>>) dst(%dma_wait3A_355 : memref<128x64xf32, #tpu.memory_space<vmem>>)
      %gt3A_362 = arith.constant 0 : i32
      %gt3A_363 = arith.cmpi sgt, %scan3A_244, %gt3A_362 : i32
      %convert_element_type3A_364 = arith.extui %gt3A_363 : i1 to i32
      %cond3A_365 = arith.constant 0 : i32
      %cond3A_366 = arith.cmpi ne, %convert_element_type3A_364, %cond3A_365 : i32
      scf.if %cond3A_366 {
        %sub3A_506 = arith.constant 5 : i32
        %sub3A_507 = arith.subi %add3A_350, %sub3A_506 : i32
        %dma_wait3A_508 = arith.constant 2 : i32
        %dma_wait3A_509 = arith.constant 0 : i32
        %dma_wait3A_510 = arith.constant 0 : i32
        %dma_wait3A_511 = arith.constant 0 : i32
        %dma_wait3A_512 = arith.constant 0 : i32
        %dma_wait3A_513 = tpu.memref_slice %arg7[%dma_wait3A_508, %dma_wait3A_509, %dma_wait3A_510, %dma_wait3A_511, %dma_wait3A_512] : memref<5x8x1x8x133xf32, #tpu.memory_space<vmem>> -> memref<1x8x1x8x128xf32, #tpu.memory_space<vmem>>
        %dma_wait3A_514 = tpu.memref_squeeze %dma_wait3A_513 : memref<1x8x1x8x128xf32, #tpu.memory_space<vmem>> -> memref<8x1x8x128xf32, #tpu.memory_space<vmem>>
        %dma_wait3A_515 = arith.constant 0 : i32
        %dma_wait3A_516 = arith.constant 0 : i32
        %dma_wait3A_517 = arith.constant 0 : i32
        %dma_wait3A_518 = tpu.memref_slice %arg4[%sub3A_507, %dma_wait3A_515, %add3A, %dma_wait3A_516, %dma_wait3A_517] : memref<200x8x32x8x128xf32, #tpu.memory_space<hbm>> -> memref<1x8x1x8x128xf32, #tpu.memory_space<hbm>>
        %dma_wait3A_519 = tpu.memref_squeeze %dma_wait3A_518 : memref<1x8x1x8x128xf32, #tpu.memory_space<hbm>> -> memref<8x1x8x128xf32, #tpu.memory_space<hbm>>
        %dma_wait3A_520 = arith.constant 0 : i32
        %dma_wait3A_521 = arith.constant 0 : i32
        %dma_wait3A_522 = arith.constant 0 : i32
        %dma_wait3A_523 = tpu.memref_slice %arg4[%sub3A_507, %dma_wait3A_520, %add3A, %dma_wait3A_521, %dma_wait3A_522] : memref<200x8x32x8x128xf32, #tpu.memory_space<hbm>> -> memref<1x8x1x8x128xf32, #tpu.memory_space<hbm>>
        %dma_wait3A_524 = tpu.memref_squeeze %dma_wait3A_523 : memref<1x8x1x8x128xf32, #tpu.memory_space<hbm>> -> memref<8x1x8x128xf32, #tpu.memory_space<hbm>>
        %dma_wait3A_525 = arith.constant 0 : i32
        %dma_wait3A_526 = arith.constant 0 : i32
        %dma_wait3A_527 = arith.constant 0 : i32
        %dma_wait3A_528 = arith.constant 0 : i32
        %dma_wait3A_529 = tpu.memref_slice %arg7[%dma_wait3A_508, %dma_wait3A_525, %dma_wait3A_526, %dma_wait3A_527, %dma_wait3A_528] : memref<5x8x1x8x133xf32, #tpu.memory_space<vmem>> -> memref<1x8x1x8x128xf32, #tpu.memory_space<vmem>>
        %dma_wait3A_530 = tpu.memref_squeeze %dma_wait3A_529 : memref<1x8x1x8x128xf32, #tpu.memory_space<vmem>> -> memref<8x1x8x128xf32, #tpu.memory_space<vmem>>
        tpu.wait_dma2 semaphore(%arg15 : memref<!tpu.dma_semaphore, #tpu.memory_space<semaphore_mem>>) src(%dma_wait3A_530 : memref<8x1x8x128xf32, #tpu.memory_space<vmem>>) dst(%dma_wait3A_524 : memref<8x1x8x128xf32, #tpu.memory_space<hbm>>)
      } else {
      }
      %parallel_loop3A_367 = arith.constant 0 : i32
      %parallel_loop3A_368 = arith.constant 128 : i32
      %parallel_loop3A_369 = arith.constant 1 : i32
      scf.for %parallel_loop3A_506 = %parallel_loop3A_367 to %parallel_loop3A_368 step %parallel_loop3A_369  : i32 {
        %parallel_loop3A_507 = vector.broadcast %parallel_loop3A_506 : i32 to vector<16xi32>
        %parallel_loop3A_508 = arith.addi %mul3A_48, %parallel_loop3A_507 : vector<16xi32>
        %parallel_loop3A_509 = arith.constant 2 : i32
        %parallel_loop3A_510 = arith.index_cast %parallel_loop3A_509 : i32 to index
        %parallel_loop3A_511 = arith.index_cast %parallel_loop3A_506 : i32 to index
        %parallel_loop3A_512 = arith.constant 0 : index
        %parallel_loop3A_513 = tpu.vector_load %arg6[%parallel_loop3A_510, %parallel_loop3A_511, %parallel_loop3A_512] {strides = array<i32>} : memref<5x128x64xf32, #tpu.memory_space<vmem>>, vector<16xf32>,
        %parallel_loop3A_514 = arith.constant 2 : i32
        %parallel_loop3A_515 = arith.constant 0 : i32
        %parallel_loop3A_516 = arith.constant 0 : i32
        %parallel_loop3A_517 = arith.constant 0 : i32
        %parallel_loop3A_518 = arith.constant 0 : i32
        %parallel_loop3A_519 = tpu.memref_slice %arg7[%parallel_loop3A_514, %parallel_loop3A_515, %parallel_loop3A_516, %parallel_loop3A_517, %parallel_loop3A_518] : memref<5x8x1x8x133xf32, #tpu.memory_space<vmem>> -> memref<1x8x1x8x133xf32, #tpu.memory_space<vmem>>
        %parallel_loop3A_520 = tpu.memref_squeeze %parallel_loop3A_519 : memref<1x8x1x8x133xf32, #tpu.memory_space<vmem>> -> memref<8x1x8x133xf32, #tpu.memory_space<vmem>>
        tpu.vector_store_idx %parallel_loop3A_520[%add3A_51, %mul3A_48, %select_n3A_45, %parallel_loop3A_508], %parallel_loop3A_513 : memref<8x1x8x133xf32, #tpu.memory_space<vmem>>[vector<16xi32>, vector<16xi32>, vector<16xi32>, vector<16xi32>], vector<16xf32>,
        %parallel_loop3A_521 = arith.constant 2 : i32
        %parallel_loop3A_522 = arith.index_cast %parallel_loop3A_521 : i32 to index
        %parallel_loop3A_523 = arith.index_cast %parallel_loop3A_506 : i32 to index
        %parallel_loop3A_524 = arith.constant 16 : index
        %parallel_loop3A_525 = tpu.vector_load %arg6[%parallel_loop3A_522, %parallel_loop3A_523, %parallel_loop3A_524] {strides = array<i32>} : memref<5x128x64xf32, #tpu.memory_space<vmem>>, vector<16xf32>,
        %parallel_loop3A_526 = arith.constant 2 : i32
        %parallel_loop3A_527 = arith.constant 0 : i32
        %parallel_loop3A_528 = arith.constant 0 : i32
        %parallel_loop3A_529 = arith.constant 0 : i32
        %parallel_loop3A_530 = arith.constant 0 : i32
        %parallel_loop3A_531 = tpu.memref_slice %arg7[%parallel_loop3A_526, %parallel_loop3A_527, %parallel_loop3A_528, %parallel_loop3A_529, %parallel_loop3A_530] : memref<5x8x1x8x133xf32, #tpu.memory_space<vmem>> -> memref<1x8x1x8x133xf32, #tpu.memory_space<vmem>>
        %parallel_loop3A_532 = tpu.memref_squeeze %parallel_loop3A_531 : memref<1x8x1x8x133xf32, #tpu.memory_space<vmem>> -> memref<8x1x8x133xf32, #tpu.memory_space<vmem>>
        tpu.vector_store_idx %parallel_loop3A_532[%add3A_54, %mul3A_48, %select_n3A_45, %parallel_loop3A_508], %parallel_loop3A_525 : memref<8x1x8x133xf32, #tpu.memory_space<vmem>>[vector<16xi32>, vector<16xi32>, vector<16xi32>, vector<16xi32>], vector<16xf32>,
        %parallel_loop3A_533 = arith.constant 2 : i32
        %parallel_loop3A_534 = arith.index_cast %parallel_loop3A_533 : i32 to index
        %parallel_loop3A_535 = arith.index_cast %parallel_loop3A_506 : i32 to index
        %parallel_loop3A_536 = arith.constant 32 : index
        %parallel_loop3A_537 = tpu.vector_load %arg6[%parallel_loop3A_534, %parallel_loop3A_535, %parallel_loop3A_536] {strides = array<i32>} : memref<5x128x64xf32, #tpu.memory_space<vmem>>, vector<16xf32>,
        %parallel_loop3A_538 = arith.constant 2 : i32
        %parallel_loop3A_539 = arith.constant 0 : i32
        %parallel_loop3A_540 = arith.constant 0 : i32
        %parallel_loop3A_541 = arith.constant 0 : i32
        %parallel_loop3A_542 = arith.constant 0 : i32
        %parallel_loop3A_543 = tpu.memref_slice %arg7[%parallel_loop3A_538, %parallel_loop3A_539, %parallel_loop3A_540, %parallel_loop3A_541, %parallel_loop3A_542] : memref<5x8x1x8x133xf32, #tpu.memory_space<vmem>> -> memref<1x8x1x8x133xf32, #tpu.memory_space<vmem>>
        %parallel_loop3A_544 = tpu.memref_squeeze %parallel_loop3A_543 : memref<1x8x1x8x133xf32, #tpu.memory_space<vmem>> -> memref<8x1x8x133xf32, #tpu.memory_space<vmem>>
        tpu.vector_store_idx %parallel_loop3A_544[%add3A_57, %mul3A_48, %select_n3A_45, %parallel_loop3A_508], %parallel_loop3A_537 : memref<8x1x8x133xf32, #tpu.memory_space<vmem>>[vector<16xi32>, vector<16xi32>, vector<16xi32>, vector<16xi32>], vector<16xf32>,
        %parallel_loop3A_545 = arith.constant 2 : i32
        %parallel_loop3A_546 = arith.index_cast %parallel_loop3A_545 : i32 to index
        %parallel_loop3A_547 = arith.index_cast %parallel_loop3A_506 : i32 to index
        %parallel_loop3A_548 = arith.constant 48 : index
        %parallel_loop3A_549 = tpu.vector_load %arg6[%parallel_loop3A_546, %parallel_loop3A_547, %parallel_loop3A_548] {strides = array<i32>} : memref<5x128x64xf32, #tpu.memory_space<vmem>>, vector<16xf32>,
        %parallel_loop3A_550 = arith.constant 2 : i32
        %parallel_loop3A_551 = arith.constant 0 : i32
        %parallel_loop3A_552 = arith.constant 0 : i32
        %parallel_loop3A_553 = arith.constant 0 : i32
        %parallel_loop3A_554 = arith.constant 0 : i32
        %parallel_loop3A_555 = tpu.memref_slice %arg7[%parallel_loop3A_550, %parallel_loop3A_551, %parallel_loop3A_552, %parallel_loop3A_553, %parallel_loop3A_554] : memref<5x8x1x8x133xf32, #tpu.memory_space<vmem>> -> memref<1x8x1x8x133xf32, #tpu.memory_space<vmem>>
        %parallel_loop3A_556 = tpu.memref_squeeze %parallel_loop3A_555 : memref<1x8x1x8x133xf32, #tpu.memory_space<vmem>> -> memref<8x1x8x133xf32, #tpu.memory_space<vmem>>
        tpu.vector_store_idx %parallel_loop3A_556[%add3A_60, %mul3A_48, %select_n3A_45, %parallel_loop3A_508], %parallel_loop3A_549 : memref<8x1x8x133xf32, #tpu.memory_space<vmem>>[vector<16xi32>, vector<16xi32>, vector<16xi32>, vector<16xi32>], vector<16xf32>,
      } {sc.loop_unroll_factor = 8 : i64, sc.parallel_access}
      %dma_start3A_370 = arith.constant 2 : i32
      %dma_start3A_371 = arith.constant 0 : i32
      %dma_start3A_372 = arith.constant 0 : i32
      %dma_start3A_373 = arith.constant 0 : i32
      %dma_start3A_374 = arith.constant 0 : i32
      %dma_start3A_375 = tpu.memref_slice %arg7[%dma_start3A_370, %dma_start3A_371, %dma_start3A_372, %dma_start3A_373, %dma_start3A_374] : memref<5x8x1x8x133xf32, #tpu.memory_space<vmem>> -> memref<1x8x1x8x128xf32, #tpu.memory_space<vmem>>
      %dma_start3A_376 = tpu.memref_squeeze %dma_start3A_375 : memref<1x8x1x8x128xf32, #tpu.memory_space<vmem>> -> memref<8x1x8x128xf32, #tpu.memory_space<vmem>>
      %dma_start3A_377 = arith.constant 0 : i32
      %dma_start3A_378 = arith.constant 0 : i32
      %dma_start3A_379 = arith.constant 0 : i32
      %dma_start3A_380 = tpu.memref_slice %arg4[%add3A_350, %dma_start3A_377, %add3A, %dma_start3A_378, %dma_start3A_379] : memref<200x8x32x8x128xf32, #tpu.memory_space<hbm>> -> memref<1x8x1x8x128xf32, #tpu.memory_space<hbm>>
      %dma_start3A_381 = tpu.memref_squeeze %dma_start3A_380 : memref<1x8x1x8x128xf32, #tpu.memory_space<hbm>> -> memref<8x1x8x128xf32, #tpu.memory_space<hbm>>
      %dma_start3A_382 = arith.constant 0 : i32
      %dma_start3A_383 = arith.constant 0 : i32
      %dma_start3A_384 = arith.constant 0 : i32
      %dma_start3A_385 = tpu.memref_slice %arg4[%add3A_350, %dma_start3A_382, %add3A, %dma_start3A_383, %dma_start3A_384] : memref<200x8x32x8x128xf32, #tpu.memory_space<hbm>> -> memref<1x8x1x8x128xf32, #tpu.memory_space<hbm>>
      %dma_start3A_386 = tpu.memref_squeeze %dma_start3A_385 : memref<1x8x1x8x128xf32, #tpu.memory_space<hbm>> -> memref<8x1x8x128xf32, #tpu.memory_space<hbm>>
      %dma_start3A_387 = arith.constant 0 : i32
      %dma_start3A_388 = arith.constant 0 : i32
      %dma_start3A_389 = arith.constant 0 : i32
      %dma_start3A_390 = arith.constant 0 : i32
      %dma_start3A_391 = tpu.memref_slice %arg7[%dma_start3A_370, %dma_start3A_387, %dma_start3A_388, %dma_start3A_389, %dma_start3A_390] : memref<5x8x1x8x133xf32, #tpu.memory_space<vmem>> -> memref<1x8x1x8x128xf32, #tpu.memory_space<vmem>>
      %dma_start3A_392 = tpu.memref_squeeze %dma_start3A_391 : memref<1x8x1x8x128xf32, #tpu.memory_space<vmem>> -> memref<8x1x8x128xf32, #tpu.memory_space<vmem>>
      tpu.enqueue_dma source(%dma_start3A_392 : memref<8x1x8x128xf32, #tpu.memory_space<vmem>>) target(%dma_start3A_386 : memref<8x1x8x128xf32, #tpu.memory_space<hbm>>) target_semaphore(%arg15 : memref<!tpu.dma_semaphore, #tpu.memory_space<semaphore_mem>>)
      %add3A_393 = arith.constant 5 : i32
      %add3A_394 = arith.addi %add3A_350, %add3A_393 : i32
      %lt3A_395 = arith.constant 200 : i32
      %lt3A_396 = arith.cmpi slt, %add3A_394, %lt3A_395 : i32
      %convert_element_type3A_397 = arith.extui %lt3A_396 : i1 to i32
      %cond3A_398 = arith.constant 0 : i32
      %cond3A_399 = arith.cmpi ne, %convert_element_type3A_397, %cond3A_398 : i32
      scf.if %cond3A_399 {
        %add3A_506 = arith.constant 5 : i32
        %add3A_507 = arith.addi %add3A_350, %add3A_506 : i32
        %dma_start3A_508 = arith.constant 2 : i32
        %dma_start3A_509 = arith.constant 0 : i32
        %dma_start3A_510 = arith.constant 0 : i32
        %dma_start3A_511 = tpu.memref_slice %arg6[%dma_start3A_508, %dma_start3A_509, %dma_start3A_510] : memref<5x128x64xf32, #tpu.memory_space<vmem>> -> memref<1x128x64xf32, #tpu.memory_space<vmem>>
        %dma_start3A_512 = tpu.memref_squeeze %dma_start3A_511 : memref<1x128x64xf32, #tpu.memory_space<vmem>> -> memref<128x64xf32, #tpu.memory_space<vmem>>
        %dma_start3A_513 = arith.constant 0 : i32
        %dma_start3A_514 = tpu.memref_slice %arg5[%add3A_507, %dma_start3A_513] : memref<200x128xi32, #tpu.memory_space<vmem>> -> memref<1x128xi32, #tpu.memory_space<vmem>>
        %dma_start3A_515 = tpu.memref_squeeze %dma_start3A_514 : memref<1x128xi32, #tpu.memory_space<vmem>> -> memref<128xi32, #tpu.memory_space<vmem>>
        %dma_start3A_516 = arith.constant 0 : i32
        %dma_start3A_517 = arith.constant 0 : i32
        %dma_start3A_518 = tpu.memref_slice %arg3[%dma_start3A_516, %dma_start3A_517] : memref<1000000x64xf32, #tpu.memory_space<hbm>> -> memref<1000000x64xf32, #tpu.memory_space<hbm>>
        tpu.enqueue_indirect_dma source(%dma_start3A_518 : memref<1000000x64xf32, #tpu.memory_space<hbm>>) target(%dma_start3A_512 : memref<128x64xf32, #tpu.memory_space<vmem>>) offsets(%dma_start3A_515 : memref<128xi32, #tpu.memory_space<vmem>>) semaphore(%arg10 : memref<!tpu.dma_semaphore, #tpu.memory_space<semaphore_mem>>)
      } else {
      }
      %mul3A_400 = arith.constant 5 : i32
      %mul3A_401 = arith.muli %scan3A_244, %mul3A_400 : i32
      %add3A_402 = arith.constant 3 : i32
      %add3A_403 = arith.addi %mul3A_401, %add3A_402 : i32
      %dma_wait3A_404 = arith.constant 3 : i32
      %dma_wait3A_405 = arith.constant 0 : i32
      %dma_wait3A_406 = arith.constant 0 : i32
      %dma_wait3A_407 = tpu.memref_slice %arg6[%dma_wait3A_404, %dma_wait3A_405, %dma_wait3A_406] : memref<5x128x64xf32, #tpu.memory_space<vmem>> -> memref<1x128x64xf32, #tpu.memory_space<vmem>>
      %dma_wait3A_408 = tpu.memref_squeeze %dma_wait3A_407 : memref<1x128x64xf32, #tpu.memory_space<vmem>> -> memref<128x64xf32, #tpu.memory_space<vmem>>
      %dma_wait3A_409 = arith.constant 0 : i32
      %dma_wait3A_410 = tpu.memref_slice %arg5[%add3A_403, %dma_wait3A_409] : memref<200x128xi32, #tpu.memory_space<vmem>> -> memref<1x128xi32, #tpu.memory_space<vmem>>
      %dma_wait3A_411 = tpu.memref_squeeze %dma_wait3A_410 : memref<1x128xi32, #tpu.memory_space<vmem>> -> memref<128xi32, #tpu.memory_space<vmem>>
      %dma_wait3A_412 = arith.constant 0 : i32
      %dma_wait3A_413 = arith.constant 0 : i32
      %dma_wait3A_414 = tpu.memref_slice %arg3[%dma_wait3A_412, %dma_wait3A_413] : memref<1000000x64xf32, #tpu.memory_space<hbm>> -> memref<1000000x64xf32, #tpu.memory_space<hbm>>
      tpu.wait_indirect_dma semaphore(%arg11 : memref<!tpu.dma_semaphore, #tpu.memory_space<semaphore_mem>>) src(%dma_wait3A_414 : memref<1000000x64xf32, #tpu.memory_space<hbm>>) dst(%dma_wait3A_408 : memref<128x64xf32, #tpu.memory_space<vmem>>)
      %gt3A_415 = arith.constant 0 : i32
      %gt3A_416 = arith.cmpi sgt, %scan3A_244, %gt3A_415 : i32
      %convert_element_type3A_417 = arith.extui %gt3A_416 : i1 to i32
      %cond3A_418 = arith.constant 0 : i32
      %cond3A_419 = arith.cmpi ne, %convert_element_type3A_417, %cond3A_418 : i32
      scf.if %cond3A_419 {
        %sub3A_506 = arith.constant 5 : i32
        %sub3A_507 = arith.subi %add3A_403, %sub3A_506 : i32
        %dma_wait3A_508 = arith.constant 3 : i32
        %dma_wait3A_509 = arith.constant 0 : i32
        %dma_wait3A_510 = arith.constant 0 : i32
        %dma_wait3A_511 = arith.constant 0 : i32
        %dma_wait3A_512 = arith.constant 0 : i32
        %dma_wait3A_513 = tpu.memref_slice %arg7[%dma_wait3A_508, %dma_wait3A_509, %dma_wait3A_510, %dma_wait3A_511, %dma_wait3A_512] : memref<5x8x1x8x133xf32, #tpu.memory_space<vmem>> -> memref<1x8x1x8x128xf32, #tpu.memory_space<vmem>>
        %dma_wait3A_514 = tpu.memref_squeeze %dma_wait3A_513 : memref<1x8x1x8x128xf32, #tpu.memory_space<vmem>> -> memref<8x1x8x128xf32, #tpu.memory_space<vmem>>
        %dma_wait3A_515 = arith.constant 0 : i32
        %dma_wait3A_516 = arith.constant 0 : i32
        %dma_wait3A_517 = arith.constant 0 : i32
        %dma_wait3A_518 = tpu.memref_slice %arg4[%sub3A_507, %dma_wait3A_515, %add3A, %dma_wait3A_516, %dma_wait3A_517] : memref<200x8x32x8x128xf32, #tpu.memory_space<hbm>> -> memref<1x8x1x8x128xf32, #tpu.memory_space<hbm>>
        %dma_wait3A_519 = tpu.memref_squeeze %dma_wait3A_518 : memref<1x8x1x8x128xf32, #tpu.memory_space<hbm>> -> memref<8x1x8x128xf32, #tpu.memory_space<hbm>>
        %dma_wait3A_520 = arith.constant 0 : i32
        %dma_wait3A_521 = arith.constant 0 : i32
        %dma_wait3A_522 = arith.constant 0 : i32
        %dma_wait3A_523 = tpu.memref_slice %arg4[%sub3A_507, %dma_wait3A_520, %add3A, %dma_wait3A_521, %dma_wait3A_522] : memref<200x8x32x8x128xf32, #tpu.memory_space<hbm>> -> memref<1x8x1x8x128xf32, #tpu.memory_space<hbm>>
        %dma_wait3A_524 = tpu.memref_squeeze %dma_wait3A_523 : memref<1x8x1x8x128xf32, #tpu.memory_space<hbm>> -> memref<8x1x8x128xf32, #tpu.memory_space<hbm>>
        %dma_wait3A_525 = arith.constant 0 : i32
        %dma_wait3A_526 = arith.constant 0 : i32
        %dma_wait3A_527 = arith.constant 0 : i32
        %dma_wait3A_528 = arith.constant 0 : i32
        %dma_wait3A_529 = tpu.memref_slice %arg7[%dma_wait3A_508, %dma_wait3A_525, %dma_wait3A_526, %dma_wait3A_527, %dma_wait3A_528] : memref<5x8x1x8x133xf32, #tpu.memory_space<vmem>> -> memref<1x8x1x8x128xf32, #tpu.memory_space<vmem>>
        %dma_wait3A_530 = tpu.memref_squeeze %dma_wait3A_529 : memref<1x8x1x8x128xf32, #tpu.memory_space<vmem>> -> memref<8x1x8x128xf32, #tpu.memory_space<vmem>>
        tpu.wait_dma2 semaphore(%arg16 : memref<!tpu.dma_semaphore, #tpu.memory_space<semaphore_mem>>) src(%dma_wait3A_530 : memref<8x1x8x128xf32, #tpu.memory_space<vmem>>) dst(%dma_wait3A_524 : memref<8x1x8x128xf32, #tpu.memory_space<hbm>>)
      } else {
      }
      %parallel_loop3A_420 = arith.constant 0 : i32
      %parallel_loop3A_421 = arith.constant 128 : i32
      %parallel_loop3A_422 = arith.constant 1 : i32
      scf.for %parallel_loop3A_506 = %parallel_loop3A_420 to %parallel_loop3A_421 step %parallel_loop3A_422  : i32 {
        %parallel_loop3A_507 = vector.broadcast %parallel_loop3A_506 : i32 to vector<16xi32>
        %parallel_loop3A_508 = arith.addi %mul3A_48, %parallel_loop3A_507 : vector<16xi32>
        %parallel_loop3A_509 = arith.constant 3 : i32
        %parallel_loop3A_510 = arith.index_cast %parallel_loop3A_509 : i32 to index
        %parallel_loop3A_511 = arith.index_cast %parallel_loop3A_506 : i32 to index
        %parallel_loop3A_512 = arith.constant 0 : index
        %parallel_loop3A_513 = tpu.vector_load %arg6[%parallel_loop3A_510, %parallel_loop3A_511, %parallel_loop3A_512] {strides = array<i32>} : memref<5x128x64xf32, #tpu.memory_space<vmem>>, vector<16xf32>,
        %parallel_loop3A_514 = arith.constant 3 : i32
        %parallel_loop3A_515 = arith.constant 0 : i32
        %parallel_loop3A_516 = arith.constant 0 : i32
        %parallel_loop3A_517 = arith.constant 0 : i32
        %parallel_loop3A_518 = arith.constant 0 : i32
        %parallel_loop3A_519 = tpu.memref_slice %arg7[%parallel_loop3A_514, %parallel_loop3A_515, %parallel_loop3A_516, %parallel_loop3A_517, %parallel_loop3A_518] : memref<5x8x1x8x133xf32, #tpu.memory_space<vmem>> -> memref<1x8x1x8x133xf32, #tpu.memory_space<vmem>>
        %parallel_loop3A_520 = tpu.memref_squeeze %parallel_loop3A_519 : memref<1x8x1x8x133xf32, #tpu.memory_space<vmem>> -> memref<8x1x8x133xf32, #tpu.memory_space<vmem>>
        tpu.vector_store_idx %parallel_loop3A_520[%add3A_51, %mul3A_48, %select_n3A_45, %parallel_loop3A_508], %parallel_loop3A_513 : memref<8x1x8x133xf32, #tpu.memory_space<vmem>>[vector<16xi32>, vector<16xi32>, vector<16xi32>, vector<16xi32>], vector<16xf32>,
        %parallel_loop3A_521 = arith.constant 3 : i32
        %parallel_loop3A_522 = arith.index_cast %parallel_loop3A_521 : i32 to index
        %parallel_loop3A_523 = arith.index_cast %parallel_loop3A_506 : i32 to index
        %parallel_loop3A_524 = arith.constant 16 : index
        %parallel_loop3A_525 = tpu.vector_load %arg6[%parallel_loop3A_522, %parallel_loop3A_523, %parallel_loop3A_524] {strides = array<i32>} : memref<5x128x64xf32, #tpu.memory_space<vmem>>, vector<16xf32>,
        %parallel_loop3A_526 = arith.constant 3 : i32
        %parallel_loop3A_527 = arith.constant 0 : i32
        %parallel_loop3A_528 = arith.constant 0 : i32
        %parallel_loop3A_529 = arith.constant 0 : i32
        %parallel_loop3A_530 = arith.constant 0 : i32
        %parallel_loop3A_531 = tpu.memref_slice %arg7[%parallel_loop3A_526, %parallel_loop3A_527, %parallel_loop3A_528, %parallel_loop3A_529, %parallel_loop3A_530] : memref<5x8x1x8x133xf32, #tpu.memory_space<vmem>> -> memref<1x8x1x8x133xf32, #tpu.memory_space<vmem>>
        %parallel_loop3A_532 = tpu.memref_squeeze %parallel_loop3A_531 : memref<1x8x1x8x133xf32, #tpu.memory_space<vmem>> -> memref<8x1x8x133xf32, #tpu.memory_space<vmem>>
        tpu.vector_store_idx %parallel_loop3A_532[%add3A_54, %mul3A_48, %select_n3A_45, %parallel_loop3A_508], %parallel_loop3A_525 : memref<8x1x8x133xf32, #tpu.memory_space<vmem>>[vector<16xi32>, vector<16xi32>, vector<16xi32>, vector<16xi32>], vector<16xf32>,
        %parallel_loop3A_533 = arith.constant 3 : i32
        %parallel_loop3A_534 = arith.index_cast %parallel_loop3A_533 : i32 to index
        %parallel_loop3A_535 = arith.index_cast %parallel_loop3A_506 : i32 to index
        %parallel_loop3A_536 = arith.constant 32 : index
        %parallel_loop3A_537 = tpu.vector_load %arg6[%parallel_loop3A_534, %parallel_loop3A_535, %parallel_loop3A_536] {strides = array<i32>} : memref<5x128x64xf32, #tpu.memory_space<vmem>>, vector<16xf32>,
        %parallel_loop3A_538 = arith.constant 3 : i32
        %parallel_loop3A_539 = arith.constant 0 : i32
        %parallel_loop3A_540 = arith.constant 0 : i32
        %parallel_loop3A_541 = arith.constant 0 : i32
        %parallel_loop3A_542 = arith.constant 0 : i32
        %parallel_loop3A_543 = tpu.memref_slice %arg7[%parallel_loop3A_538, %parallel_loop3A_539, %parallel_loop3A_540, %parallel_loop3A_541, %parallel_loop3A_542] : memref<5x8x1x8x133xf32, #tpu.memory_space<vmem>> -> memref<1x8x1x8x133xf32, #tpu.memory_space<vmem>>
        %parallel_loop3A_544 = tpu.memref_squeeze %parallel_loop3A_543 : memref<1x8x1x8x133xf32, #tpu.memory_space<vmem>> -> memref<8x1x8x133xf32, #tpu.memory_space<vmem>>
        tpu.vector_store_idx %parallel_loop3A_544[%add3A_57, %mul3A_48, %select_n3A_45, %parallel_loop3A_508], %parallel_loop3A_537 : memref<8x1x8x133xf32, #tpu.memory_space<vmem>>[vector<16xi32>, vector<16xi32>, vector<16xi32>, vector<16xi32>], vector<16xf32>,
        %parallel_loop3A_545 = arith.constant 3 : i32
        %parallel_loop3A_546 = arith.index_cast %parallel_loop3A_545 : i32 to index
        %parallel_loop3A_547 = arith.index_cast %parallel_loop3A_506 : i32 to index
        %parallel_loop3A_548 = arith.constant 48 : index
        %parallel_loop3A_549 = tpu.vector_load %arg6[%parallel_loop3A_546, %parallel_loop3A_547, %parallel_loop3A_548] {strides = array<i32>} : memref<5x128x64xf32, #tpu.memory_space<vmem>>, vector<16xf32>,
        %parallel_loop3A_550 = arith.constant 3 : i32
        %parallel_loop3A_551 = arith.constant 0 : i32
        %parallel_loop3A_552 = arith.constant 0 : i32
        %parallel_loop3A_553 = arith.constant 0 : i32
        %parallel_loop3A_554 = arith.constant 0 : i32
        %parallel_loop3A_555 = tpu.memref_slice %arg7[%parallel_loop3A_550, %parallel_loop3A_551, %parallel_loop3A_552, %parallel_loop3A_553, %parallel_loop3A_554] : memref<5x8x1x8x133xf32, #tpu.memory_space<vmem>> -> memref<1x8x1x8x133xf32, #tpu.memory_space<vmem>>
        %parallel_loop3A_556 = tpu.memref_squeeze %parallel_loop3A_555 : memref<1x8x1x8x133xf32, #tpu.memory_space<vmem>> -> memref<8x1x8x133xf32, #tpu.memory_space<vmem>>
        tpu.vector_store_idx %parallel_loop3A_556[%add3A_60, %mul3A_48, %select_n3A_45, %parallel_loop3A_508], %parallel_loop3A_549 : memref<8x1x8x133xf32, #tpu.memory_space<vmem>>[vector<16xi32>, vector<16xi32>, vector<16xi32>, vector<16xi32>], vector<16xf32>,
      } {sc.loop_unroll_factor = 8 : i64, sc.parallel_access}
      %dma_start3A_423 = arith.constant 3 : i32
      %dma_start3A_424 = arith.constant 0 : i32
      %dma_start3A_425 = arith.constant 0 : i32
      %dma_start3A_426 = arith.constant 0 : i32
      %dma_start3A_427 = arith.constant 0 : i32
      %dma_start3A_428 = tpu.memref_slice %arg7[%dma_start3A_423, %dma_start3A_424, %dma_start3A_425, %dma_start3A_426, %dma_start3A_427] : memref<5x8x1x8x133xf32, #tpu.memory_space<vmem>> -> memref<1x8x1x8x128xf32, #tpu.memory_space<vmem>>
      %dma_start3A_429 = tpu.memref_squeeze %dma_start3A_428 : memref<1x8x1x8x128xf32, #tpu.memory_space<vmem>> -> memref<8x1x8x128xf32, #tpu.memory_space<vmem>>
      %dma_start3A_430 = arith.constant 0 : i32
      %dma_start3A_431 = arith.constant 0 : i32
      %dma_start3A_432 = arith.constant 0 : i32
      %dma_start3A_433 = tpu.memref_slice %arg4[%add3A_403, %dma_start3A_430, %add3A, %dma_start3A_431, %dma_start3A_432] : memref<200x8x32x8x128xf32, #tpu.memory_space<hbm>> -> memref<1x8x1x8x128xf32, #tpu.memory_space<hbm>>
      %dma_start3A_434 = tpu.memref_squeeze %dma_start3A_433 : memref<1x8x1x8x128xf32, #tpu.memory_space<hbm>> -> memref<8x1x8x128xf32, #tpu.memory_space<hbm>>
      %dma_start3A_435 = arith.constant 0 : i32
      %dma_start3A_436 = arith.constant 0 : i32
      %dma_start3A_437 = arith.constant 0 : i32
      %dma_start3A_438 = tpu.memref_slice %arg4[%add3A_403, %dma_start3A_435, %add3A, %dma_start3A_436, %dma_start3A_437] : memref<200x8x32x8x128xf32, #tpu.memory_space<hbm>> -> memref<1x8x1x8x128xf32, #tpu.memory_space<hbm>>
      %dma_start3A_439 = tpu.memref_squeeze %dma_start3A_438 : memref<1x8x1x8x128xf32, #tpu.memory_space<hbm>> -> memref<8x1x8x128xf32, #tpu.memory_space<hbm>>
      %dma_start3A_440 = arith.constant 0 : i32
      %dma_start3A_441 = arith.constant 0 : i32
      %dma_start3A_442 = arith.constant 0 : i32
      %dma_start3A_443 = arith.constant 0 : i32
      %dma_start3A_444 = tpu.memref_slice %arg7[%dma_start3A_423, %dma_start3A_440, %dma_start3A_441, %dma_start3A_442, %dma_start3A_443] : memref<5x8x1x8x133xf32, #tpu.memory_space<vmem>> -> memref<1x8x1x8x128xf32, #tpu.memory_space<vmem>>
      %dma_start3A_445 = tpu.memref_squeeze %dma_start3A_444 : memref<1x8x1x8x128xf32, #tpu.memory_space<vmem>> -> memref<8x1x8x128xf32, #tpu.memory_space<vmem>>
      tpu.enqueue_dma source(%dma_start3A_445 : memref<8x1x8x128xf32, #tpu.memory_space<vmem>>) target(%dma_start3A_439 : memref<8x1x8x128xf32, #tpu.memory_space<hbm>>) target_semaphore(%arg16 : memref<!tpu.dma_semaphore, #tpu.memory_space<semaphore_mem>>)
      %add3A_446 = arith.constant 5 : i32
      %add3A_447 = arith.addi %add3A_403, %add3A_446 : i32
      %lt3A_448 = arith.constant 200 : i32
      %lt3A_449 = arith.cmpi slt, %add3A_447, %lt3A_448 : i32
      %convert_element_type3A_450 = arith.extui %lt3A_449 : i1 to i32
      %cond3A_451 = arith.constant 0 : i32
      %cond3A_452 = arith.cmpi ne, %convert_element_type3A_450, %cond3A_451 : i32
      scf.if %cond3A_452 {
        %add3A_506 = arith.constant 5 : i32
        %add3A_507 = arith.addi %add3A_403, %add3A_506 : i32
        %dma_start3A_508 = arith.constant 3 : i32
        %dma_start3A_509 = arith.constant 0 : i32
        %dma_start3A_510 = arith.constant 0 : i32
        %dma_start3A_511 = tpu.memref_slice %arg6[%dma_start3A_508, %dma_start3A_509, %dma_start3A_510] : memref<5x128x64xf32, #tpu.memory_space<vmem>> -> memref<1x128x64xf32, #tpu.memory_space<vmem>>
        %dma_start3A_512 = tpu.memref_squeeze %dma_start3A_511 : memref<1x128x64xf32, #tpu.memory_space<vmem>> -> memref<128x64xf32, #tpu.memory_space<vmem>>
        %dma_start3A_513 = arith.constant 0 : i32
        %dma_start3A_514 = tpu.memref_slice %arg5[%add3A_507, %dma_start3A_513] : memref<200x128xi32, #tpu.memory_space<vmem>> -> memref<1x128xi32, #tpu.memory_space<vmem>>
        %dma_start3A_515 = tpu.memref_squeeze %dma_start3A_514 : memref<1x128xi32, #tpu.memory_space<vmem>> -> memref<128xi32, #tpu.memory_space<vmem>>
        %dma_start3A_516 = arith.constant 0 : i32
        %dma_start3A_517 = arith.constant 0 : i32
        %dma_start3A_518 = tpu.memref_slice %arg3[%dma_start3A_516, %dma_start3A_517] : memref<1000000x64xf32, #tpu.memory_space<hbm>> -> memref<1000000x64xf32, #tpu.memory_space<hbm>>
        tpu.enqueue_indirect_dma source(%dma_start3A_518 : memref<1000000x64xf32, #tpu.memory_space<hbm>>) target(%dma_start3A_512 : memref<128x64xf32, #tpu.memory_space<vmem>>) offsets(%dma_start3A_515 : memref<128xi32, #tpu.memory_space<vmem>>) semaphore(%arg11 : memref<!tpu.dma_semaphore, #tpu.memory_space<semaphore_mem>>)
      } else {
      }
      %mul3A_453 = arith.constant 5 : i32
      %mul3A_454 = arith.muli %scan3A_244, %mul3A_453 : i32
      %add3A_455 = arith.constant 4 : i32
      %add3A_456 = arith.addi %mul3A_454, %add3A_455 : i32
      %dma_wait3A_457 = arith.constant 4 : i32
      %dma_wait3A_458 = arith.constant 0 : i32
      %dma_wait3A_459 = arith.constant 0 : i32
      %dma_wait3A_460 = tpu.memref_slice %arg6[%dma_wait3A_457, %dma_wait3A_458, %dma_wait3A_459] : memref<5x128x64xf32, #tpu.memory_space<vmem>> -> memref<1x128x64xf32, #tpu.memory_space<vmem>>
      %dma_wait3A_461 = tpu.memref_squeeze %dma_wait3A_460 : memref<1x128x64xf32, #tpu.memory_space<vmem>> -> memref<128x64xf32, #tpu.memory_space<vmem>>
      %dma_wait3A_462 = arith.constant 0 : i32
      %dma_wait3A_463 = tpu.memref_slice %arg5[%add3A_456, %dma_wait3A_462] : memref<200x128xi32, #tpu.memory_space<vmem>> -> memref<1x128xi32, #tpu.memory_space<vmem>>
      %dma_wait3A_464 = tpu.memref_squeeze %dma_wait3A_463 : memref<1x128xi32, #tpu.memory_space<vmem>> -> memref<128xi32, #tpu.memory_space<vmem>>
      %dma_wait3A_465 = arith.constant 0 : i32
      %dma_wait3A_466 = arith.constant 0 : i32
      %dma_wait3A_467 = tpu.memref_slice %arg3[%dma_wait3A_465, %dma_wait3A_466] : memref<1000000x64xf32, #tpu.memory_space<hbm>> -> memref<1000000x64xf32, #tpu.memory_space<hbm>>
      tpu.wait_indirect_dma semaphore(%arg12 : memref<!tpu.dma_semaphore, #tpu.memory_space<semaphore_mem>>) src(%dma_wait3A_467 : memref<1000000x64xf32, #tpu.memory_space<hbm>>) dst(%dma_wait3A_461 : memref<128x64xf32, #tpu.memory_space<vmem>>)
      %gt3A_468 = arith.constant 0 : i32
      %gt3A_469 = arith.cmpi sgt, %scan3A_244, %gt3A_468 : i32
      %convert_element_type3A_470 = arith.extui %gt3A_469 : i1 to i32
      %cond3A_471 = arith.constant 0 : i32
      %cond3A_472 = arith.cmpi ne, %convert_element_type3A_470, %cond3A_471 : i32
      scf.if %cond3A_472 {
        %sub3A_506 = arith.constant 5 : i32
        %sub3A_507 = arith.subi %add3A_456, %sub3A_506 : i32
        %dma_wait3A_508 = arith.constant 4 : i32
        %dma_wait3A_509 = arith.constant 0 : i32
        %dma_wait3A_510 = arith.constant 0 : i32
        %dma_wait3A_511 = arith.constant 0 : i32
        %dma_wait3A_512 = arith.constant 0 : i32
        %dma_wait3A_513 = tpu.memref_slice %arg7[%dma_wait3A_508, %dma_wait3A_509, %dma_wait3A_510, %dma_wait3A_511, %dma_wait3A_512] : memref<5x8x1x8x133xf32, #tpu.memory_space<vmem>> -> memref<1x8x1x8x128xf32, #tpu.memory_space<vmem>>
        %dma_wait3A_514 = tpu.memref_squeeze %dma_wait3A_513 : memref<1x8x1x8x128xf32, #tpu.memory_space<vmem>> -> memref<8x1x8x128xf32, #tpu.memory_space<vmem>>
        %dma_wait3A_515 = arith.constant 0 : i32
        %dma_wait3A_516 = arith.constant 0 : i32
        %dma_wait3A_517 = arith.constant 0 : i32
        %dma_wait3A_518 = tpu.memref_slice %arg4[%sub3A_507, %dma_wait3A_515, %add3A, %dma_wait3A_516, %dma_wait3A_517] : memref<200x8x32x8x128xf32, #tpu.memory_space<hbm>> -> memref<1x8x1x8x128xf32, #tpu.memory_space<hbm>>
        %dma_wait3A_519 = tpu.memref_squeeze %dma_wait3A_518 : memref<1x8x1x8x128xf32, #tpu.memory_space<hbm>> -> memref<8x1x8x128xf32, #tpu.memory_space<hbm>>
        %dma_wait3A_520 = arith.constant 0 : i32
        %dma_wait3A_521 = arith.constant 0 : i32
        %dma_wait3A_522 = arith.constant 0 : i32
        %dma_wait3A_523 = tpu.memref_slice %arg4[%sub3A_507, %dma_wait3A_520, %add3A, %dma_wait3A_521, %dma_wait3A_522] : memref<200x8x32x8x128xf32, #tpu.memory_space<hbm>> -> memref<1x8x1x8x128xf32, #tpu.memory_space<hbm>>
        %dma_wait3A_524 = tpu.memref_squeeze %dma_wait3A_523 : memref<1x8x1x8x128xf32, #tpu.memory_space<hbm>> -> memref<8x1x8x128xf32, #tpu.memory_space<hbm>>
        %dma_wait3A_525 = arith.constant 0 : i32
        %dma_wait3A_526 = arith.constant 0 : i32
        %dma_wait3A_527 = arith.constant 0 : i32
        %dma_wait3A_528 = arith.constant 0 : i32
        %dma_wait3A_529 = tpu.memref_slice %arg7[%dma_wait3A_508, %dma_wait3A_525, %dma_wait3A_526, %dma_wait3A_527, %dma_wait3A_528] : memref<5x8x1x8x133xf32, #tpu.memory_space<vmem>> -> memref<1x8x1x8x128xf32, #tpu.memory_space<vmem>>
        %dma_wait3A_530 = tpu.memref_squeeze %dma_wait3A_529 : memref<1x8x1x8x128xf32, #tpu.memory_space<vmem>> -> memref<8x1x8x128xf32, #tpu.memory_space<vmem>>
        tpu.wait_dma2 semaphore(%arg17 : memref<!tpu.dma_semaphore, #tpu.memory_space<semaphore_mem>>) src(%dma_wait3A_530 : memref<8x1x8x128xf32, #tpu.memory_space<vmem>>) dst(%dma_wait3A_524 : memref<8x1x8x128xf32, #tpu.memory_space<hbm>>)
      } else {
      }
      %parallel_loop3A_473 = arith.constant 0 : i32
      %parallel_loop3A_474 = arith.constant 128 : i32
      %parallel_loop3A_475 = arith.constant 1 : i32
      scf.for %parallel_loop3A_506 = %parallel_loop3A_473 to %parallel_loop3A_474 step %parallel_loop3A_475  : i32 {
        %parallel_loop3A_507 = vector.broadcast %parallel_loop3A_506 : i32 to vector<16xi32>
        %parallel_loop3A_508 = arith.addi %mul3A_48, %parallel_loop3A_507 : vector<16xi32>
        %parallel_loop3A_509 = arith.constant 4 : i32
        %parallel_loop3A_510 = arith.index_cast %parallel_loop3A_509 : i32 to index
        %parallel_loop3A_511 = arith.index_cast %parallel_loop3A_506 : i32 to index
        %parallel_loop3A_512 = arith.constant 0 : index
        %parallel_loop3A_513 = tpu.vector_load %arg6[%parallel_loop3A_510, %parallel_loop3A_511, %parallel_loop3A_512] {strides = array<i32>} : memref<5x128x64xf32, #tpu.memory_space<vmem>>, vector<16xf32>,
        %parallel_loop3A_514 = arith.constant 4 : i32
        %parallel_loop3A_515 = arith.constant 0 : i32
        %parallel_loop3A_516 = arith.constant 0 : i32
        %parallel_loop3A_517 = arith.constant 0 : i32
        %parallel_loop3A_518 = arith.constant 0 : i32
        %parallel_loop3A_519 = tpu.memref_slice %arg7[%parallel_loop3A_514, %parallel_loop3A_515, %parallel_loop3A_516, %parallel_loop3A_517, %parallel_loop3A_518] : memref<5x8x1x8x133xf32, #tpu.memory_space<vmem>> -> memref<1x8x1x8x133xf32, #tpu.memory_space<vmem>>
        %parallel_loop3A_520 = tpu.memref_squeeze %parallel_loop3A_519 : memref<1x8x1x8x133xf32, #tpu.memory_space<vmem>> -> memref<8x1x8x133xf32, #tpu.memory_space<vmem>>
        tpu.vector_store_idx %parallel_loop3A_520[%add3A_51, %mul3A_48, %select_n3A_45, %parallel_loop3A_508], %parallel_loop3A_513 : memref<8x1x8x133xf32, #tpu.memory_space<vmem>>[vector<16xi32>, vector<16xi32>, vector<16xi32>, vector<16xi32>], vector<16xf32>,
        %parallel_loop3A_521 = arith.constant 4 : i32
        %parallel_loop3A_522 = arith.index_cast %parallel_loop3A_521 : i32 to index
        %parallel_loop3A_523 = arith.index_cast %parallel_loop3A_506 : i32 to index
        %parallel_loop3A_524 = arith.constant 16 : index
        %parallel_loop3A_525 = tpu.vector_load %arg6[%parallel_loop3A_522, %parallel_loop3A_523, %parallel_loop3A_524] {strides = array<i32>} : memref<5x128x64xf32, #tpu.memory_space<vmem>>, vector<16xf32>,
        %parallel_loop3A_526 = arith.constant 4 : i32
        %parallel_loop3A_527 = arith.constant 0 : i32
        %parallel_loop3A_528 = arith.constant 0 : i32
        %parallel_loop3A_529 = arith.constant 0 : i32
        %parallel_loop3A_530 = arith.constant 0 : i32
        %parallel_loop3A_531 = tpu.memref_slice %arg7[%parallel_loop3A_526, %parallel_loop3A_527, %parallel_loop3A_528, %parallel_loop3A_529, %parallel_loop3A_530] : memref<5x8x1x8x133xf32, #tpu.memory_space<vmem>> -> memref<1x8x1x8x133xf32, #tpu.memory_space<vmem>>
        %parallel_loop3A_532 = tpu.memref_squeeze %parallel_loop3A_531 : memref<1x8x1x8x133xf32, #tpu.memory_space<vmem>> -> memref<8x1x8x133xf32, #tpu.memory_space<vmem>>
        tpu.vector_store_idx %parallel_loop3A_532[%add3A_54, %mul3A_48, %select_n3A_45, %parallel_loop3A_508], %parallel_loop3A_525 : memref<8x1x8x133xf32, #tpu.memory_space<vmem>>[vector<16xi32>, vector<16xi32>, vector<16xi32>, vector<16xi32>], vector<16xf32>,
        %parallel_loop3A_533 = arith.constant 4 : i32
        %parallel_loop3A_534 = arith.index_cast %parallel_loop3A_533 : i32 to index
        %parallel_loop3A_535 = arith.index_cast %parallel_loop3A_506 : i32 to index
        %parallel_loop3A_536 = arith.constant 32 : index
        %parallel_loop3A_537 = tpu.vector_load %arg6[%parallel_loop3A_534, %parallel_loop3A_535, %parallel_loop3A_536] {strides = array<i32>} : memref<5x128x64xf32, #tpu.memory_space<vmem>>, vector<16xf32>,
        %parallel_loop3A_538 = arith.constant 4 : i32
        %parallel_loop3A_539 = arith.constant 0 : i32
        %parallel_loop3A_540 = arith.constant 0 : i32
        %parallel_loop3A_541 = arith.constant 0 : i32
        %parallel_loop3A_542 = arith.constant 0 : i32
        %parallel_loop3A_543 = tpu.memref_slice %arg7[%parallel_loop3A_538, %parallel_loop3A_539, %parallel_loop3A_540, %parallel_loop3A_541, %parallel_loop3A_542] : memref<5x8x1x8x133xf32, #tpu.memory_space<vmem>> -> memref<1x8x1x8x133xf32, #tpu.memory_space<vmem>>
        %parallel_loop3A_544 = tpu.memref_squeeze %parallel_loop3A_543 : memref<1x8x1x8x133xf32, #tpu.memory_space<vmem>> -> memref<8x1x8x133xf32, #tpu.memory_space<vmem>>
        tpu.vector_store_idx %parallel_loop3A_544[%add3A_57, %mul3A_48, %select_n3A_45, %parallel_loop3A_508], %parallel_loop3A_537 : memref<8x1x8x133xf32, #tpu.memory_space<vmem>>[vector<16xi32>, vector<16xi32>, vector<16xi32>, vector<16xi32>], vector<16xf32>,
        %parallel_loop3A_545 = arith.constant 4 : i32
        %parallel_loop3A_546 = arith.index_cast %parallel_loop3A_545 : i32 to index
        %parallel_loop3A_547 = arith.index_cast %parallel_loop3A_506 : i32 to index
        %parallel_loop3A_548 = arith.constant 48 : index
        %parallel_loop3A_549 = tpu.vector_load %arg6[%parallel_loop3A_546, %parallel_loop3A_547, %parallel_loop3A_548] {strides = array<i32>} : memref<5x128x64xf32, #tpu.memory_space<vmem>>, vector<16xf32>,
        %parallel_loop3A_550 = arith.constant 4 : i32
        %parallel_loop3A_551 = arith.constant 0 : i32
        %parallel_loop3A_552 = arith.constant 0 : i32
        %parallel_loop3A_553 = arith.constant 0 : i32
        %parallel_loop3A_554 = arith.constant 0 : i32
        %parallel_loop3A_555 = tpu.memref_slice %arg7[%parallel_loop3A_550, %parallel_loop3A_551, %parallel_loop3A_552, %parallel_loop3A_553, %parallel_loop3A_554] : memref<5x8x1x8x133xf32, #tpu.memory_space<vmem>> -> memref<1x8x1x8x133xf32, #tpu.memory_space<vmem>>
        %parallel_loop3A_556 = tpu.memref_squeeze %parallel_loop3A_555 : memref<1x8x1x8x133xf32, #tpu.memory_space<vmem>> -> memref<8x1x8x133xf32, #tpu.memory_space<vmem>>
        tpu.vector_store_idx %parallel_loop3A_556[%add3A_60, %mul3A_48, %select_n3A_45, %parallel_loop3A_508], %parallel_loop3A_549 : memref<8x1x8x133xf32, #tpu.memory_space<vmem>>[vector<16xi32>, vector<16xi32>, vector<16xi32>, vector<16xi32>], vector<16xf32>,
      } {sc.loop_unroll_factor = 8 : i64, sc.parallel_access}
      %dma_start3A_476 = arith.constant 4 : i32
      %dma_start3A_477 = arith.constant 0 : i32
      %dma_start3A_478 = arith.constant 0 : i32
      %dma_start3A_479 = arith.constant 0 : i32
      %dma_start3A_480 = arith.constant 0 : i32
      %dma_start3A_481 = tpu.memref_slice %arg7[%dma_start3A_476, %dma_start3A_477, %dma_start3A_478, %dma_start3A_479, %dma_start3A_480] : memref<5x8x1x8x133xf32, #tpu.memory_space<vmem>> -> memref<1x8x1x8x128xf32, #tpu.memory_space<vmem>>
      %dma_start3A_482 = tpu.memref_squeeze %dma_start3A_481 : memref<1x8x1x8x128xf32, #tpu.memory_space<vmem>> -> memref<8x1x8x128xf32, #tpu.memory_space<vmem>>
      %dma_start3A_483 = arith.constant 0 : i32
      %dma_start3A_484 = arith.constant 0 : i32
      %dma_start3A_485 = arith.constant 0 : i32
      %dma_start3A_486 = tpu.memref_slice %arg4[%add3A_456, %dma_start3A_483, %add3A, %dma_start3A_484, %dma_start3A_485] : memref<200x8x32x8x128xf32, #tpu.memory_space<hbm>> -> memref<1x8x1x8x128xf32, #tpu.memory_space<hbm>>
      %dma_start3A_487 = tpu.memref_squeeze %dma_start3A_486 : memref<1x8x1x8x128xf32, #tpu.memory_space<hbm>> -> memref<8x1x8x128xf32, #tpu.memory_space<hbm>>
      %dma_start3A_488 = arith.constant 0 : i32
      %dma_start3A_489 = arith.constant 0 : i32
      %dma_start3A_490 = arith.constant 0 : i32
      %dma_start3A_491 = tpu.memref_slice %arg4[%add3A_456, %dma_start3A_488, %add3A, %dma_start3A_489, %dma_start3A_490] : memref<200x8x32x8x128xf32, #tpu.memory_space<hbm>> -> memref<1x8x1x8x128xf32, #tpu.memory_space<hbm>>
      %dma_start3A_492 = tpu.memref_squeeze %dma_start3A_491 : memref<1x8x1x8x128xf32, #tpu.memory_space<hbm>> -> memref<8x1x8x128xf32, #tpu.memory_space<hbm>>
      %dma_start3A_493 = arith.constant 0 : i32
      %dma_start3A_494 = arith.constant 0 : i32
      %dma_start3A_495 = arith.constant 0 : i32
      %dma_start3A_496 = arith.constant 0 : i32
      %dma_start3A_497 = tpu.memref_slice %arg7[%dma_start3A_476, %dma_start3A_493, %dma_start3A_494, %dma_start3A_495, %dma_start3A_496] : memref<5x8x1x8x133xf32, #tpu.memory_space<vmem>> -> memref<1x8x1x8x128xf32, #tpu.memory_space<vmem>>
      %dma_start3A_498 = tpu.memref_squeeze %dma_start3A_497 : memref<1x8x1x8x128xf32, #tpu.memory_space<vmem>> -> memref<8x1x8x128xf32, #tpu.memory_space<vmem>>
      tpu.enqueue_dma source(%dma_start3A_498 : memref<8x1x8x128xf32, #tpu.memory_space<vmem>>) target(%dma_start3A_492 : memref<8x1x8x128xf32, #tpu.memory_space<hbm>>) target_semaphore(%arg17 : memref<!tpu.dma_semaphore, #tpu.memory_space<semaphore_mem>>)
      %add3A_499 = arith.constant 5 : i32
      %add3A_500 = arith.addi %add3A_456, %add3A_499 : i32
      %lt3A_501 = arith.constant 200 : i32
      %lt3A_502 = arith.cmpi slt, %add3A_500, %lt3A_501 : i32
      %convert_element_type3A_503 = arith.extui %lt3A_502 : i1 to i32
      %cond3A_504 = arith.constant 0 : i32
      %cond3A_505 = arith.cmpi ne, %convert_element_type3A_503, %cond3A_504 : i32
      scf.if %cond3A_505 {
        %add3A_506 = arith.constant 5 : i32
        %add3A_507 = arith.addi %add3A_456, %add3A_506 : i32
        %dma_start3A_508 = arith.constant 4 : i32
        %dma_start3A_509 = arith.constant 0 : i32
        %dma_start3A_510 = arith.constant 0 : i32
        %dma_start3A_511 = tpu.memref_slice %arg6[%dma_start3A_508, %dma_start3A_509, %dma_start3A_510] : memref<5x128x64xf32, #tpu.memory_space<vmem>> -> memref<1x128x64xf32, #tpu.memory_space<vmem>>
        %dma_start3A_512 = tpu.memref_squeeze %dma_start3A_511 : memref<1x128x64xf32, #tpu.memory_space<vmem>> -> memref<128x64xf32, #tpu.memory_space<vmem>>
        %dma_start3A_513 = arith.constant 0 : i32
        %dma_start3A_514 = tpu.memref_slice %arg5[%add3A_507, %dma_start3A_513] : memref<200x128xi32, #tpu.memory_space<vmem>> -> memref<1x128xi32, #tpu.memory_space<vmem>>
        %dma_start3A_515 = tpu.memref_squeeze %dma_start3A_514 : memref<1x128xi32, #tpu.memory_space<vmem>> -> memref<128xi32, #tpu.memory_space<vmem>>
        %dma_start3A_516 = arith.constant 0 : i32
        %dma_start3A_517 = arith.constant 0 : i32
        %dma_start3A_518 = tpu.memref_slice %arg3[%dma_start3A_516, %dma_start3A_517] : memref<1000000x64xf32, #tpu.memory_space<hbm>> -> memref<1000000x64xf32, #tpu.memory_space<hbm>>
        tpu.enqueue_indirect_dma source(%dma_start3A_518 : memref<1000000x64xf32, #tpu.memory_space<hbm>>) target(%dma_start3A_512 : memref<128x64xf32, #tpu.memory_space<vmem>>) offsets(%dma_start3A_515 : memref<128xi32, #tpu.memory_space<vmem>>) semaphore(%arg12 : memref<!tpu.dma_semaphore, #tpu.memory_space<semaphore_mem>>)
      } else {
      }
    }
    %scan3A_124 = arith.constant 40 : i32
    %dma_wait3A = arith.constant 0 : i32
    %dma_wait3A_125 = arith.constant 195 : i32
    %dma_wait3A_126 = arith.constant 0 : i32
    %dma_wait3A_127 = arith.constant 0 : i32
    %dma_wait3A_128 = arith.constant 0 : i32
    %dma_wait3A_129 = arith.constant 0 : i32
    %dma_wait3A_130 = tpu.memref_slice %arg7[%dma_wait3A, %dma_wait3A_126, %dma_wait3A_127, %dma_wait3A_128, %dma_wait3A_129] : memref<5x8x1x8x133xf32, #tpu.memory_space<vmem>> -> memref<1x8x1x8x128xf32, #tpu.memory_space<vmem>>
    %dma_wait3A_131 = tpu.memref_squeeze %dma_wait3A_130 : memref<1x8x1x8x128xf32, #tpu.memory_space<vmem>> -> memref<8x1x8x128xf32, #tpu.memory_space<vmem>>
    %dma_wait3A_132 = arith.constant 0 : i32
    %dma_wait3A_133 = arith.constant 0 : i32
    %dma_wait3A_134 = arith.constant 0 : i32
    %dma_wait3A_135 = tpu.memref_slice %arg4[%dma_wait3A_125, %dma_wait3A_132, %add3A, %dma_wait3A_133, %dma_wait3A_134] : memref<200x8x32x8x128xf32, #tpu.memory_space<hbm>> -> memref<1x8x1x8x128xf32, #tpu.memory_space<hbm>>
    %dma_wait3A_136 = tpu.memref_squeeze %dma_wait3A_135 : memref<1x8x1x8x128xf32, #tpu.memory_space<hbm>> -> memref<8x1x8x128xf32, #tpu.memory_space<hbm>>
    %dma_wait3A_137 = arith.constant 0 : i32
    %dma_wait3A_138 = arith.constant 0 : i32
    %dma_wait3A_139 = arith.constant 0 : i32
    %dma_wait3A_140 = tpu.memref_slice %arg4[%dma_wait3A_125, %dma_wait3A_137, %add3A, %dma_wait3A_138, %dma_wait3A_139] : memref<200x8x32x8x128xf32, #tpu.memory_space<hbm>> -> memref<1x8x1x8x128xf32, #tpu.memory_space<hbm>>
    %dma_wait3A_141 = tpu.memref_squeeze %dma_wait3A_140 : memref<1x8x1x8x128xf32, #tpu.memory_space<hbm>> -> memref<8x1x8x128xf32, #tpu.memory_space<hbm>>
    %dma_wait3A_142 = arith.constant 0 : i32
    %dma_wait3A_143 = arith.constant 0 : i32
    %dma_wait3A_144 = arith.constant 0 : i32
    %dma_wait3A_145 = arith.constant 0 : i32
    %dma_wait3A_146 = tpu.memref_slice %arg7[%dma_wait3A, %dma_wait3A_142, %dma_wait3A_143, %dma_wait3A_144, %dma_wait3A_145] : memref<5x8x1x8x133xf32, #tpu.memory_space<vmem>> -> memref<1x8x1x8x128xf32, #tpu.memory_space<vmem>>
    %dma_wait3A_147 = tpu.memref_squeeze %dma_wait3A_146 : memref<1x8x1x8x128xf32, #tpu.memory_space<vmem>> -> memref<8x1x8x128xf32, #tpu.memory_space<vmem>>
    tpu.wait_dma2 semaphore(%arg13 : memref<!tpu.dma_semaphore, #tpu.memory_space<semaphore_mem>>) src(%dma_wait3A_147 : memref<8x1x8x128xf32, #tpu.memory_space<vmem>>) dst(%dma_wait3A_141 : memref<8x1x8x128xf32, #tpu.memory_space<hbm>>)
    %dma_wait3A_148 = arith.constant 1 : i32
    %dma_wait3A_149 = arith.constant 196 : i32
    %dma_wait3A_150 = arith.constant 0 : i32
    %dma_wait3A_151 = arith.constant 0 : i32
    %dma_wait3A_152 = arith.constant 0 : i32
    %dma_wait3A_153 = arith.constant 0 : i32
    %dma_wait3A_154 = tpu.memref_slice %arg7[%dma_wait3A_148, %dma_wait3A_150, %dma_wait3A_151, %dma_wait3A_152, %dma_wait3A_153] : memref<5x8x1x8x133xf32, #tpu.memory_space<vmem>> -> memref<1x8x1x8x128xf32, #tpu.memory_space<vmem>>
    %dma_wait3A_155 = tpu.memref_squeeze %dma_wait3A_154 : memref<1x8x1x8x128xf32, #tpu.memory_space<vmem>> -> memref<8x1x8x128xf32, #tpu.memory_space<vmem>>
    %dma_wait3A_156 = arith.constant 0 : i32
    %dma_wait3A_157 = arith.constant 0 : i32
    %dma_wait3A_158 = arith.constant 0 : i32
    %dma_wait3A_159 = tpu.memref_slice %arg4[%dma_wait3A_149, %dma_wait3A_156, %add3A, %dma_wait3A_157, %dma_wait3A_158] : memref<200x8x32x8x128xf32, #tpu.memory_space<hbm>> -> memref<1x8x1x8x128xf32, #tpu.memory_space<hbm>>
    %dma_wait3A_160 = tpu.memref_squeeze %dma_wait3A_159 : memref<1x8x1x8x128xf32, #tpu.memory_space<hbm>> -> memref<8x1x8x128xf32, #tpu.memory_space<hbm>>
    %dma_wait3A_161 = arith.constant 0 : i32
    %dma_wait3A_162 = arith.constant 0 : i32
    %dma_wait3A_163 = arith.constant 0 : i32
    %dma_wait3A_164 = tpu.memref_slice %arg4[%dma_wait3A_149, %dma_wait3A_161, %add3A, %dma_wait3A_162, %dma_wait3A_163] : memref<200x8x32x8x128xf32, #tpu.memory_space<hbm>> -> memref<1x8x1x8x128xf32, #tpu.memory_space<hbm>>
    %dma_wait3A_165 = tpu.memref_squeeze %dma_wait3A_164 : memref<1x8x1x8x128xf32, #tpu.memory_space<hbm>> -> memref<8x1x8x128xf32, #tpu.memory_space<hbm>>
    %dma_wait3A_166 = arith.constant 0 : i32
    %dma_wait3A_167 = arith.constant 0 : i32
    %dma_wait3A_168 = arith.constant 0 : i32
    %dma_wait3A_169 = arith.constant 0 : i32
    %dma_wait3A_170 = tpu.memref_slice %arg7[%dma_wait3A_148, %dma_wait3A_166, %dma_wait3A_167, %dma_wait3A_168, %dma_wait3A_169] : memref<5x8x1x8x133xf32, #tpu.memory_space<vmem>> -> memref<1x8x1x8x128xf32, #tpu.memory_space<vmem>>
    %dma_wait3A_171 = tpu.memref_squeeze %dma_wait3A_170 : memref<1x8x1x8x128xf32, #tpu.memory_space<vmem>> -> memref<8x1x8x128xf32, #tpu.memory_space<vmem>>
    tpu.wait_dma2 semaphore(%arg14 : memref<!tpu.dma_semaphore, #tpu.memory_space<semaphore_mem>>) src(%dma_wait3A_171 : memref<8x1x8x128xf32, #tpu.memory_space<vmem>>) dst(%dma_wait3A_165 : memref<8x1x8x128xf32, #tpu.memory_space<hbm>>)
    %dma_wait3A_172 = arith.constant 2 : i32
    %dma_wait3A_173 = arith.constant 197 : i32
    %dma_wait3A_174 = arith.constant 0 : i32
    %dma_wait3A_175 = arith.constant 0 : i32
    %dma_wait3A_176 = arith.constant 0 : i32
    %dma_wait3A_177 = arith.constant 0 : i32
    %dma_wait3A_178 = tpu.memref_slice %arg7[%dma_wait3A_172, %dma_wait3A_174, %dma_wait3A_175, %dma_wait3A_176, %dma_wait3A_177] : memref<5x8x1x8x133xf32, #tpu.memory_space<vmem>> -> memref<1x8x1x8x128xf32, #tpu.memory_space<vmem>>
    %dma_wait3A_179 = tpu.memref_squeeze %dma_wait3A_178 : memref<1x8x1x8x128xf32, #tpu.memory_space<vmem>> -> memref<8x1x8x128xf32, #tpu.memory_space<vmem>>
    %dma_wait3A_180 = arith.constant 0 : i32
    %dma_wait3A_181 = arith.constant 0 : i32
    %dma_wait3A_182 = arith.constant 0 : i32
    %dma_wait3A_183 = tpu.memref_slice %arg4[%dma_wait3A_173, %dma_wait3A_180, %add3A, %dma_wait3A_181, %dma_wait3A_182] : memref<200x8x32x8x128xf32, #tpu.memory_space<hbm>> -> memref<1x8x1x8x128xf32, #tpu.memory_space<hbm>>
    %dma_wait3A_184 = tpu.memref_squeeze %dma_wait3A_183 : memref<1x8x1x8x128xf32, #tpu.memory_space<hbm>> -> memref<8x1x8x128xf32, #tpu.memory_space<hbm>>
    %dma_wait3A_185 = arith.constant 0 : i32
    %dma_wait3A_186 = arith.constant 0 : i32
    %dma_wait3A_187 = arith.constant 0 : i32
    %dma_wait3A_188 = tpu.memref_slice %arg4[%dma_wait3A_173, %dma_wait3A_185, %add3A, %dma_wait3A_186, %dma_wait3A_187] : memref<200x8x32x8x128xf32, #tpu.memory_space<hbm>> -> memref<1x8x1x8x128xf32, #tpu.memory_space<hbm>>
    %dma_wait3A_189 = tpu.memref_squeeze %dma_wait3A_188 : memref<1x8x1x8x128xf32, #tpu.memory_space<hbm>> -> memref<8x1x8x128xf32, #tpu.memory_space<hbm>>
    %dma_wait3A_190 = arith.constant 0 : i32
    %dma_wait3A_191 = arith.constant 0 : i32
    %dma_wait3A_192 = arith.constant 0 : i32
    %dma_wait3A_193 = arith.constant 0 : i32
    %dma_wait3A_194 = tpu.memref_slice %arg7[%dma_wait3A_172, %dma_wait3A_190, %dma_wait3A_191, %dma_wait3A_192, %dma_wait3A_193] : memref<5x8x1x8x133xf32, #tpu.memory_space<vmem>> -> memref<1x8x1x8x128xf32, #tpu.memory_space<vmem>>
    %dma_wait3A_195 = tpu.memref_squeeze %dma_wait3A_194 : memref<1x8x1x8x128xf32, #tpu.memory_space<vmem>> -> memref<8x1x8x128xf32, #tpu.memory_space<vmem>>
    tpu.wait_dma2 semaphore(%arg15 : memref<!tpu.dma_semaphore, #tpu.memory_space<semaphore_mem>>) src(%dma_wait3A_195 : memref<8x1x8x128xf32, #tpu.memory_space<vmem>>) dst(%dma_wait3A_189 : memref<8x1x8x128xf32, #tpu.memory_space<hbm>>)
    %dma_wait3A_196 = arith.constant 3 : i32
    %dma_wait3A_197 = arith.constant 198 : i32
    %dma_wait3A_198 = arith.constant 0 : i32
    %dma_wait3A_199 = arith.constant 0 : i32
    %dma_wait3A_200 = arith.constant 0 : i32
    %dma_wait3A_201 = arith.constant 0 : i32
    %dma_wait3A_202 = tpu.memref_slice %arg7[%dma_wait3A_196, %dma_wait3A_198, %dma_wait3A_199, %dma_wait3A_200, %dma_wait3A_201] : memref<5x8x1x8x133xf32, #tpu.memory_space<vmem>> -> memref<1x8x1x8x128xf32, #tpu.memory_space<vmem>>
    %dma_wait3A_203 = tpu.memref_squeeze %dma_wait3A_202 : memref<1x8x1x8x128xf32, #tpu.memory_space<vmem>> -> memref<8x1x8x128xf32, #tpu.memory_space<vmem>>
    %dma_wait3A_204 = arith.constant 0 : i32
    %dma_wait3A_205 = arith.constant 0 : i32
    %dma_wait3A_206 = arith.constant 0 : i32
    %dma_wait3A_207 = tpu.memref_slice %arg4[%dma_wait3A_197, %dma_wait3A_204, %add3A, %dma_wait3A_205, %dma_wait3A_206] : memref<200x8x32x8x128xf32, #tpu.memory_space<hbm>> -> memref<1x8x1x8x128xf32, #tpu.memory_space<hbm>>
    %dma_wait3A_208 = tpu.memref_squeeze %dma_wait3A_207 : memref<1x8x1x8x128xf32, #tpu.memory_space<hbm>> -> memref<8x1x8x128xf32, #tpu.memory_space<hbm>>
    %dma_wait3A_209 = arith.constant 0 : i32
    %dma_wait3A_210 = arith.constant 0 : i32
    %dma_wait3A_211 = arith.constant 0 : i32
    %dma_wait3A_212 = tpu.memref_slice %arg4[%dma_wait3A_197, %dma_wait3A_209, %add3A, %dma_wait3A_210, %dma_wait3A_211] : memref<200x8x32x8x128xf32, #tpu.memory_space<hbm>> -> memref<1x8x1x8x128xf32, #tpu.memory_space<hbm>>
    %dma_wait3A_213 = tpu.memref_squeeze %dma_wait3A_212 : memref<1x8x1x8x128xf32, #tpu.memory_space<hbm>> -> memref<8x1x8x128xf32, #tpu.memory_space<hbm>>
    %dma_wait3A_214 = arith.constant 0 : i32
    %dma_wait3A_215 = arith.constant 0 : i32
    %dma_wait3A_216 = arith.constant 0 : i32
    %dma_wait3A_217 = arith.constant 0 : i32
    %dma_wait3A_218 = tpu.memref_slice %arg7[%dma_wait3A_196, %dma_wait3A_214, %dma_wait3A_215, %dma_wait3A_216, %dma_wait3A_217] : memref<5x8x1x8x133xf32, #tpu.memory_space<vmem>> -> memref<1x8x1x8x128xf32, #tpu.memory_space<vmem>>
    %dma_wait3A_219 = tpu.memref_squeeze %dma_wait3A_218 : memref<1x8x1x8x128xf32, #tpu.memory_space<vmem>> -> memref<8x1x8x128xf32, #tpu.memory_space<vmem>>
    tpu.wait_dma2 semaphore(%arg16 : memref<!tpu.dma_semaphore, #tpu.memory_space<semaphore_mem>>) src(%dma_wait3A_219 : memref<8x1x8x128xf32, #tpu.memory_space<vmem>>) dst(%dma_wait3A_213 : memref<8x1x8x128xf32, #tpu.memory_space<hbm>>)
    %dma_wait3A_220 = arith.constant 4 : i32
    %dma_wait3A_221 = arith.constant 199 : i32
    %dma_wait3A_222 = arith.constant 0 : i32
    %dma_wait3A_223 = arith.constant 0 : i32
    %dma_wait3A_224 = arith.constant 0 : i32
    %dma_wait3A_225 = arith.constant 0 : i32
    %dma_wait3A_226 = tpu.memref_slice %arg7[%dma_wait3A_220, %dma_wait3A_222, %dma_wait3A_223, %dma_wait3A_224, %dma_wait3A_225] : memref<5x8x1x8x133xf32, #tpu.memory_space<vmem>> -> memref<1x8x1x8x128xf32, #tpu.memory_space<vmem>>
    %dma_wait3A_227 = tpu.memref_squeeze %dma_wait3A_226 : memref<1x8x1x8x128xf32, #tpu.memory_space<vmem>> -> memref<8x1x8x128xf32, #tpu.memory_space<vmem>>
    %dma_wait3A_228 = arith.constant 0 : i32
    %dma_wait3A_229 = arith.constant 0 : i32
    %dma_wait3A_230 = arith.constant 0 : i32
    %dma_wait3A_231 = tpu.memref_slice %arg4[%dma_wait3A_221, %dma_wait3A_228, %add3A, %dma_wait3A_229, %dma_wait3A_230] : memref<200x8x32x8x128xf32, #tpu.memory_space<hbm>> -> memref<1x8x1x8x128xf32, #tpu.memory_space<hbm>>
    %dma_wait3A_232 = tpu.memref_squeeze %dma_wait3A_231 : memref<1x8x1x8x128xf32, #tpu.memory_space<hbm>> -> memref<8x1x8x128xf32, #tpu.memory_space<hbm>>
    %dma_wait3A_233 = arith.constant 0 : i32
    %dma_wait3A_234 = arith.constant 0 : i32
    %dma_wait3A_235 = arith.constant 0 : i32
    %dma_wait3A_236 = tpu.memref_slice %arg4[%dma_wait3A_221, %dma_wait3A_233, %add3A, %dma_wait3A_234, %dma_wait3A_235] : memref<200x8x32x8x128xf32, #tpu.memory_space<hbm>> -> memref<1x8x1x8x128xf32, #tpu.memory_space<hbm>>
    %dma_wait3A_237 = tpu.memref_squeeze %dma_wait3A_236 : memref<1x8x1x8x128xf32, #tpu.memory_space<hbm>> -> memref<8x1x8x128xf32, #tpu.memory_space<hbm>>
    %dma_wait3A_238 = arith.constant 0 : i32
    %dma_wait3A_239 = arith.constant 0 : i32
    %dma_wait3A_240 = arith.constant 0 : i32
    %dma_wait3A_241 = arith.constant 0 : i32
    %dma_wait3A_242 = tpu.memref_slice %arg7[%dma_wait3A_220, %dma_wait3A_238, %dma_wait3A_239, %dma_wait3A_240, %dma_wait3A_241] : memref<5x8x1x8x133xf32, #tpu.memory_space<vmem>> -> memref<1x8x1x8x128xf32, #tpu.memory_space<vmem>>
    %dma_wait3A_243 = tpu.memref_squeeze %dma_wait3A_242 : memref<1x8x1x8x128xf32, #tpu.memory_space<vmem>> -> memref<8x1x8x128xf32, #tpu.memory_space<vmem>>
    tpu.wait_dma2 semaphore(%arg17 : memref<!tpu.dma_semaphore, #tpu.memory_space<semaphore_mem>>) src(%dma_wait3A_243 : memref<8x1x8x128xf32, #tpu.memory_space<vmem>>) dst(%dma_wait3A_237 : memref<8x1x8x128xf32, #tpu.memory_space<hbm>>)
    return
  }
}

</mosaic_0001>

<sc_bundles>
// kernel: kernel.3.cloned.1.call-start
scs
__scs_entry_jumppad:
0x0: {  	(pc) =	sbr.rel $0x88, $3  }
0x1: {  	(tag) =	ssettag $0x0;
	lr =	simm.s32 $0x1  }
0x2: {  	[smem:$0x3F9F] =	sst lr;
	_ =	strace $0xD0000000  }
0x3: {  	_ = 	snop  }
0x4: {  	_ = 	snop  }
0x5: {  	_ = 	snop  }
0x6: {  	_ = 	snop  }
0x7: {  	_ = 	snop  }
__scs_overlays_trampoline_lowered:
0x8: {  	[smem:$0x3FAE] =	sst s0  }
0x9: {  	[smem:$0x3FAF] =	sst s1  }
0xa: {  	[smem:$0x3FB0] =	sst s2  }
0xb: {  	[smem:$0x3FB1] =	sst s3  }
0xc: {  	[smem:$0x3FB2] =	sst s4  }
0xd: {  	[smem:$0x3FB3] =	sst s5  }
0xe: {  	[smem:$0x3FB4] =	sst s6  }
0xf: {  	[smem:$0x3FB5] =	sst s7  }
0x10: {  	[smem:$0x3FB6] =	sst s8  }
0x11: {  	[smem:$0x3FB7] =	sst s9;
	s0 =	simm.s32 @!p0 $0x0  }
0x12: {  	s1 =	sld [smem:$0x3F9D];
	s0 =	simm.s32 @p0 $0x1  }
0x13: {  	[smem:$0x3FB8] =	sst s0;
	s0 =	simm.s32 @!p1 $0x0  }
0x14: {  	s2 =	sld [smem:$0x3F9C];
	s0 =	simm.s32 @p1 $0x1  }
0x15: {  	[smem:$0x3FB9] =	sst s0;
	s0 =	simm.s32 @!p2 $0x0  }
0x16: {  	s3 =	sld [smem:$0x3FDB];
	s0 =	simm.s32 @p2 $0x1  }
0x17: {  	s4 =	simm.s32 $0x1BF5;
	[smem:$0x3FBB] =	sst s0  }
0x18: {  	s0 =	sld [smem:$0x3F9E];
	_ =	swait.ge [sflag:s4], $0x0  }
0x19: {  	s7 =	sld [smem:$0x3F9F]  }
0x1a: {  	s8 =	sadd.s32 $0xFFFFE003, lr  }
0x1b: {  	s9 =	sadd.s32 $0xFFFFFEF7, lr;
	s5 =	simm.s32 $0xFFFFFFFF;
	p2 =	slt.u32 s8, $0xFFFFF086  }
0x1c: {  	p1 =	slt.u32 s9, $0xF7A;
	s5 =	simm.s32 @!p2 $0x0  }
0x1d: {  	s5 =	simm.s32 @p1 $0x1;
	p0 =	seq.s32 s7, s2  }
0x1e: {  	s7 =	smul.u32 @!p0 $0xF7A, s2;
	p2 =	seq.s32 @!p0 s5, $0x0  }
0x1f: {  	s9 =	smul.u32 $0xF7A, s1;
	s8 =	simm.s32 @!p0 $0x1BF5;
	p2 =	por !p2, p0  }
0x20: {  	[sflag:s8] =	ssyncset.s32 @!p0 $0xFFFFF086;
	s6 =	sadd.s32 @!p0 s3, s7;
	s7 =	simm.s32 @!p0 $0x108  }
0x21: {  	s3 =	sadd.s32 s3, s9;
	s6 =	sadd.s32 @!p0 $0x88, s6;
	s7 =	simm.s32 @p2 $0x1082  }
0x22: {  	[simem:s7], [sflag:s8] =	dma.local @!p0 [hbm:s6], $0xF7A  }
0x23: {  	s9 =	sor.u32 $0xD0000000, s2;
	s6 =	simm.s32 $0x108;
	_ =	swait.ge @!p0 [sflag:s8], $0x0  }
0x24: {  	s3 =	sadd.s32 $0x88, s3;
	s6 =	simm.s32 @!p1 $0x1082;
	[sflag:s4] =	ssyncset.s32 $0xFFFFF086  }
0x25: {  	[simem:s6], [sflag:s4] =	dma.local [hbm:s3], $0xF7A  }
0x26: {  	[smem:$0x3F9F] =	sst s1;
	(tag) =	ssettag s2;
	_ =	strace s9  }
0x27: {  	s1 =	sld [smem:$0x3FAF]  }
0x28: {  	s2 =	sld [smem:$0x3FB0]  }
0x29: {  	s4 =	sld [smem:$0x3FB2]  }
0x2a: {  	p0 =	seq.s32 s5, $0x0;
	s5 =	sld [smem:$0x3FB3]  }
0x2b: {  	s6 =	sld [smem:$0x3FB4]  }
0x2c: {  	s7 =	sld [smem:$0x3FB5]  }
0x2d: {  	s3 =	simm.s32 $0x108;
	s8 =	sld [smem:$0x3FB6]  }
0x2e: {  	s3 =	simm.s32 @!p0 $0x1082;
	s9 =	sld [smem:$0x3FB7]  }
0x2f: {  	lr =	sadd.s32 s0, s3;
	s0 =	sld [smem:$0x3FAE]  }
0x30: {  	s3 =	sld [smem:$0x3FB1]  }
0x31: {  	[smem:$0x3FBA] =	sst s10  }
0x32: {  	s10 =	sld [smem:$0x3FB8];
	_ =	sdelay $0x3  }
0x33: {  	p0 =	seq.s32 s10, $0x1;
	s10 =	sld [smem:$0x3FBA];
	_ =	sdelay $0x3  }
0x34: {  	[smem:$0x3FBA] =	sst s10  }
0x35: {  	s10 =	sld [smem:$0x3FB9];
	_ =	sdelay $0x3  }
0x36: {  	p1 =	seq.s32 s10, $0x1;
	s10 =	sld [smem:$0x3FBA];
	_ =	sdelay $0x3  }
0x37: {  	[smem:$0x3FBA] =	sst s10  }
0x38: {  	s10 =	sld [smem:$0x3FBB]  }
0x39: {  	_ = 	snop;
	(pc) =	sbr.ind lr, $3  }
0x3a: {  	_ = 	snop  }
0x3b: {  	_ = 	snop  }
0x3c: {  	p2 =	seq.s32 s10, $0x1;
	s10 =	sld [smem:$0x3FBA]  }
0x3d: {  	_ =	shalt  }
0x3e: {  	_ =	shalt  }
0x3f: {  	_ =	shalt  }
0x40: {  	_ =	shalt  }
0x41: {  	_ =	shalt  }
0x42: {  	_ =	shalt  }
0x43: {  	_ =	shalt  }
0x44: {  	_ =	shalt  }
0x45: {  	_ =	shalt  }
0x46: {  	_ =	shalt  }
0x47: {  	_ =	shalt  }
0x48: {  	_ =	shalt  }
0x49: {  	_ =	shalt  }
0x4a: {  	_ =	shalt  }
0x4b: {  	_ =	shalt  }
0x4c: {  	_ =	shalt  }
0x4d: {  	_ =	shalt  }
0x4e: {  	_ =	shalt  }
0x4f: {  	_ =	shalt  }
0x50: {  	_ =	shalt  }
0x51: {  	_ =	shalt  }
0x52: {  	_ =	shalt  }
0x53: {  	_ =	shalt  }
0x54: {  	_ =	shalt  }
0x55: {  	_ =	shalt  }
0x56: {  	_ =	shalt  }
0x57: {  	_ =	shalt  }
0x58: {  	_ =	shalt  }
0x59: {  	_ =	shalt  }
0x5a: {  	_ =	shalt  }
0x5b: {  	_ =	shalt  }
0x5c: {  	_ =	shalt  }
0x5d: {  	_ =	shalt  }
0x5e: {  	_ =	shalt  }
0x5f: {  	_ =	shalt  }
0x60: {  	_ =	shalt  }
0x61: {  	_ =	shalt  }
0x62: {  	_ =	shalt  }
0x63: {  	_ =	shalt  }
0x64: {  	_ =	shalt  }
0x65: {  	_ =	shalt  }
0x66: {  	_ =	shalt  }
0x67: {  	_ =	shalt  }
0x68: {  	_ =	shalt  }
0x69: {  	_ =	shalt  }
0x6a: {  	_ =	shalt  }
0x6b: {  	_ =	shalt  }
0x6c: {  	_ =	shalt  }
0x6d: {  	_ =	shalt  }
0x6e: {  	_ =	shalt  }
0x6f: {  	_ =	shalt  }
0x70: {  	_ =	shalt  }
0x71: {  	_ =	shalt  }
0x72: {  	_ =	shalt  }
0x73: {  	_ =	shalt  }
0x74: {  	_ =	shalt  }
0x75: {  	_ =	shalt  }
0x76: {  	_ =	shalt  }
0x77: {  	_ =	shalt  }
0x78: {  	_ =	shalt  }
0x79: {  	_ =	shalt  }
0x7a: {  	_ =	shalt  }
0x7b: {  	_ =	shalt  }
0x7c: {  	_ =	shalt  }
0x7d: {  	_ =	shalt  }
0x7e: {  	_ =	shalt  }
0x7f: {  	_ =	shalt  }
0x80: {  	_ =	shalt  }
0x81: {  	_ =	shalt  }
0x82: {  	_ =	shalt  }
0x83: {  	_ =	shalt  }
0x84: {  	_ =	shalt  }
0x85: {  	_ =	shalt  }
0x86: {  	_ =	shalt  }
0x87: {  	_ =	shalt  }
.Lfunc_end0:
.L_simem_size_0:
called_computation_lowered:
.L_overlay_start_0:
0x88: {  	s2 =	sld [smem:$0x3FD9]  }
0x89: {  	s3 =	sld [smem:$0x3FFE];
	_ =	sdelay $0x1  }
0x8a: {  	s1 =	srdreg.scid  }
0x8b: {  	s0 =	sand.u32 $0x1, s1  }
0x8c: {  	s17 =	sshll.u32 s0, $0xA;
	s2 =	sadd.s32 s3, s2  }
0x8d: {  	s2 =	sadd.s32 s2, s17  }
0x8e: {  	[smem:$0x3FC6] =	sst s2  }
0x8f: {  	_ = 	snop  }
0x90: {  	s2 =	sld [smem:$0x3FD0];
	(tm) =	ssettm $0x1  }
0x91: {  	s18 =	sld [smem:$0x3FFB];
	_ =	sdelay $0x3  }
0x92: {  	_ =	strace s18  }
0x93: {  	s3 =	sld [smem:$0x3FFC];
	_ =	sdelay $0x3  }
0x94: {  	_ =	strace s3  }
0x95: {  	s3 =	sld [smem:$0x3FFD];
	_ =	sdelay $0x3  }
0x96: {  	_ =	strace s3  }
0x97: {  	_ =	strace $0x8FFFFFFF  }
0x98: {  	s19 =	sld [smem:$0x3FDB];
	_ =	sdelay $0x1  }
0x99: {  	s4 =	simm.s32 $_scs_section_size  }
0x9a: {  	s5 =	simm.s32 $_size__tile_overlayer_lowered;
	s6 =	simm.s32 $_tile_overlayer_lowered  }
0x9b: {  	s22 =	simm.s32 $0x1BFF;
	s21 =	sshll.u32 s6, $0x1;
	s3 =	sadd.s32 s4, s19  }
0x9c: {  	s7 =	simm.s32 $0x0;
	s20 =	sshll.u32 s5, $0x1;
	s5 =	sadd.s32 s21, s3  }
0x9d: {  	[timem:s7], [sflag:s22] =	dma.local [hbm:s5], s20  }
0x9e: {  	_ =	swait.ge [sflag:s22], s20  }
0x9f: {  	s4 =	ssub.s32 $0x0, s20;
	[sflag:s22] =	ssyncset.done $0x0  }
0xa0: {  	[sflag:s22] =	ssyncadd.s32 s4;
	_ =	sdelay $0x1  }
0xa1: {  	s23 =	simm.s32 $0x1B8B  }
0xa2: {  	_ =	swait.ge [sflag:s23], $0x1  }
0xa3: {  	[sflag:s23] =	ssyncset.done $0x0  }
0xa4: {  	s25 =	simm.s32 $0x1B8E;
	s24 =	sld [smem:$0x3FFE];
	[sflag:s23] =	ssyncadd.s32 $0xFFFFFFFF  }
0xa5: {  	s26 =	simm.s32 $execute0_lowered;
	[smem:$0x3FD2] =	sst s25  }
0xa6: {  	s5 =	sshll.u32 s26, $0x1;
	_ =	strace $0x80000046;
	[dreg:$0x1] =	wrdreg $0xFFFFFFFF  }
0xa7: {  	s28 =	simm.s32 $_size_execute0_lowered;
	s3 =	sadd.s32 s3, s5;
	[dreg:$0x0] =	wrdreg $0x0  }
0xa8: {  	s5 =	sshll.u32 s28, $0x1;
	[dreg:$0x2] =	wrdreg s3  }
0xa9: {  	[dreg:$0x3] =	wrdreg s5  }
0xaa: {  	[dreg:$0x4] =	wrdreg $0xC0  }
0xab: {  	_ =	task [dreg:s7], $0x5FFFF  }
0xac: {  	[dreg:$0x1] =	wrdreg $0xFFFFFFFF  }
0xad: {  	[dreg:$0x0] =	wrdreg $0x60  }
0xae: {  	[dreg:$0x2] =	wrdreg s24  }
0xaf: {  	[dreg:$0x3] =	wrdreg s2  }
0xb0: {  	[dreg:$0x4] =	wrdreg $0x9  }
0xb1: {  	_ =	task.clear_ibuf [dreg:s7], $0x5FFFF;
	_ =	strace $0x90000046  }
0xb2: {  	s29 =	simm.s32 $0x9;
	_ =	strace $0x80000048  }
0xb3: {  	_ =	swait.ge [sflag:s29], $0x1  }
0xb4: {  	[sflag:s29] =	ssyncadd.s32 $0xFFFFFFFF  }
0xb5: {  	_ =	strace $0x90000048  }
0xb6: {  	_ =	sfence  }
0xb7: {  	s30 =	sld [smem:$0x0];
	_ =	sdelay $0x2  }
0xb8: {  	s31 =	sshll.u32 s1, $0xD;
	s1 =	sshrl.u32 s1, $0x2  }
0xb9: {  	s3 =	sand.u32 $0x4000, s31;
	s1 =	sadd.s32 s1, s30  }
0xba: {  	s0 =	sor.u32 s3, s0;
	s1 =	sshll.u32 s1, $0x11  }
0xbb: {  	s0 =	sor.u32 s1, s0  }
0xbc: {  	s0 =	sadd.s32 $0x8F2B, s0  }
0xbd: {  	[sflag:s0] =	ssyncadd.remote.s32 $0x1  }
0xbe: {  	_ =	sfence.sel $0xFFFF  }
0xbf: {  	[dreg:$0x0] =	wrdreg $0xFFFFFFFF;
	(pc) =	sbr.abs _section_cstart, $3  }
0xc0: {  	[dreg:$0x1] =	wrdreg $0xFFFFFFFF  }
0xc1: {  	_ =	task.clear_ibuf [dreg:s7], $0x2FFFF;
	_ =	strace $0x9FFFFFFF  }
0xc2: {  	(tm) =	ssettm $0x7FFFFFFF  }
0xc3: {  	_ =	shalt  }
tec
execute0_lowered:
.L_overlay_start_1:
0x0: {  	(tag) =	ssettag $0x1  }
0x1: {  	s0 =	rddreg [dreg:$0x0]  }
0x2: {  	s1 =	srdreg.scid;
	s3 =	stileid.u32;
	v0 =	vlaneseq.u32  }
0x3: {  	s2 =	rddreg [dreg:$0x1];
	s12 =	simm.s32 $0x80;
	s23 =	simm.s32 $0x1;
	v0 =	vmul.u32 $0x88, v0  }
0x4: {  	v1 =	vimm.s32 $0x0;
	vm0 =	vcmask $0x300;
	s24 =	simm.s32 $0x10400;
	s28 =	simm.s32 $0x12600;
	s29 =	simm.s32 $0x3  }
0x5: {  	s30 =	simm.s32 $0x8;
	s31 =	simm.s32 $0x14800;
	s13 =	simm.s32 $0x16A00;
	v1 =	vsel vm0, $0x3, v1;
	v2 =	vadd.s32 $0x880, v0  }
0x6: {  	s17 =	simm.s32 $0x5;
	s19 =	simm.s32 $0xA;
	s21 =	simm.s32 $0x18C00;
	v3 =	vadd.s32 $0x1100, v0;
	v4 =	vadd.s32 $0x1980, v0;
	v5 =	vor.u32 $0x1, v0  }
0x7: {  	s1 =	sand.u32 $0x1, s1;
	s4 =	sshll.u32 s3, $0x1;
	s3 =	simm.s32 $0x0;
	v6 =	vadd.s32 $0x881, v0;
	v7 =	vadd.s32 $0x1101, v0;
	v8 =	vadd.s32 $0x1981, v0  }
0x8: {  	s11 =	simm.s32 $0x0;
	s5 =	sor.u32 s1, s4;
	[smem:$0x7FF] =	sst s3;
	v9 =	vor.u32 $0x2, v0;
	v10 =	vadd.s32 $0x882, v0;
	v11 =	vadd.s32 $0x1102, v0  }
0x9: {  	s1 =	ssub.s32 $0x2, s1;
	s4 =	sshll.u32 s5, $0x4;
	_ =	strace $0x80000047;
	v12 =	vadd.s32 $0x1982, v0;
	v13 =	vor.u32 $0x3, v0;
	v14 =	vadd.s32 $0x883, v0  }
0xa: {  	s7 =	sshrl.u32 s1, $0x1;
	s5 =	sshll.u32 s5, $0xA;
	v15 =	vadd.s32 $0x1103, v0;
	v16 =	vadd.s32 $0x1983, v0;
	v17 =	vor.u32 $0x4, v0;
	s6 =	sadd.s32 s4, s0  }
.Ltmp0:
0xb: {  	v18 =	vadd.s32 $0x884, v0;
	v19 =	vadd.s32 $0x1104, v0;
	v20 =	vadd.s32 $0x1984, v0;
	s4 =	sadd.s32 $0xF42A00, s0;
	s25 =	ssub.s32 s1, s7;
	(pc) =	sbr.rel .LBB2_1-.Ltmp0, $4  }
0xc: {  	v21 =	vor.u32 $0x5, v0;
	v22 =	vadd.s32 $0x885, v0;
	v23 =	vadd.s32 $0x1105, v0;
	s7 =	sor.u32 $0x40000, s5;
	s8 =	sor.u32 $0x80000, s5;
	s9 =	sor.u32 $0xC0000, s5  }
0xd: {  	v24 =	vadd.s32 $0x1985, v0;
	v25 =	vor.u32 $0x6, v0;
	v26 =	vadd.s32 $0x886, v0;
	s10 =	sor.u32 $0x100000, s5;
	s1 =	simm.s32 $0x4;
	s26 =	sadd.s32 $0x600, s6  }
0xe: {  	v27 =	vadd.s32 $0x1106, v0;
	v28 =	vadd.s32 $0x1986, v0;
	v29 =	vor.u32 $0x7, v0;
	s0 =	smax.u32 s25, $0x1;
	s25 =	simm.s32 $0x2;
	[dreg:$0x3] =	wrdreg s26  }
0xf: {  	v30 =	vadd.s32 $0x887, v0;
	v31 =	vadd.s32 $0x1107, v0;
	v32 =	vadd.s32 $0x1987, v0;
	[dreg:$0x4] =	wrdreg s0;
	s26 =	simm.s32 $0x7;
	s0 =	simm.s32 $0x9  }
.LBB2_40:
0x10: {  	s6 =	simm.s32 $0x6  }
0x11: {  	_ =	swait.ge [sflag:s6], $0x2000  }
0x12: {  	[sflag:s6] =	ssyncset.done $0x0  }
0x13: {  	[sflag:s6] =	ssyncadd.s32 $0xFFFFE000  }
0x14: {  	_ =	swait.ge [sflag:s26], $0x2000  }
0x15: {  	[sflag:s26] =	ssyncset.done $0x0  }
0x16: {  	[sflag:s26] =	ssyncadd.s32 $0xFFFFE000  }
0x17: {  	_ =	swait.ge [sflag:s30], $0x2000  }
0x18: {  	[sflag:s30] =	ssyncset.done $0x0  }
0x19: {  	[sflag:s30] =	ssyncadd.s32 $0xFFFFE000  }
0x1a: {  	_ =	swait.ge [sflag:s0], $0x2000  }
0x1b: {  	[sflag:s0] =	ssyncset.done $0x0  }
0x1c: {  	[sflag:s0] =	ssyncadd.s32 $0xFFFFE000  }
0x1d: {  	_ =	swait.ge [sflag:s19], $0x2000  }
0x1e: {  	s11 =	rddreg [dreg:$0x5]  }
0x1f: {  	s22 =	rddreg [dreg:$0x4];
	s11 =	sadd.s32 $0x1, s11  }
0x20: {  	p0 =	sne.s32 s11, s22  }
.Ltmp1:
0x21: {  	_ = 	snop;
	(pc) =	sbr.rel @!p0 .LBB2_41-.Ltmp1, $3  }
0x22: {  	_ =	sdelay $0x1  }
0x23: {  	[sflag:s19] =	ssyncset.done $0x0  }
0x24: {  	[sflag:s19] =	ssyncadd.s32 $0xFFFFE000  }
.LBB2_1:
0x25: {  	[dreg:$0x5] =	wrdreg s11  }
0x26: {  	s6 =	rddreg [dreg:$0x3];
	s18 =	simm.s32 $0x1000;
	s20 =	simm.s32 $0xB  }
0x27: {  	[tilespmem:s3], [sflag:$0xB] =	stream.strided.gather [hbm4b:s6+s12], $0x6400, s18, s12, $0x38;
	[tilespmem:$0x1AE00] =	vst v63  }
0x28: {  	_ =	swait.ge [sflag:s20], $0x6400  }
0x29: {  	[sflag:s20] =	ssyncset.done $0x0  }
0x2a: {  	s22 =	simm.s32 $0x6400;
	[sflag:s20] =	ssyncadd.s32 $0xFFFF9C00  }
0x2b: {  	[tilespmem:s22], [sflag:$0x1] =	stream.indirect.gather [hbm4b:s4+s12], $0x40, s3, s12, $0xb8;
	[tilespmem:$0x1AE00] =	vst v63  }
0x2c: {  	s11 =	simm.s32 $0x8400  }
0x2d: {  	[tilespmem:s11], [sflag:$0x2] =	stream.indirect.gather [hbm4b:s4+s12], $0x40, s12, s12, $0xb8;
	[tilespmem:$0x1AE00] =	vst v63  }
0x2e: {  	s14 =	simm.s32 $0x100;
	s15 =	simm.s32 $0xA400  }
0x2f: {  	[tilespmem:s15], [sflag:$0x3] =	stream.indirect.gather [hbm4b:s4+s12], $0x40, s14, s12, $0xb8;
	[tilespmem:$0x1AE00] =	vst v63  }
0x30: {  	s16 =	simm.s32 $0x180;
	s18 =	simm.s32 $0xC400  }
0x31: {  	[tilespmem:s18], [sflag:$0x4] =	stream.indirect.gather [hbm4b:s4+s12], $0x40, s16, s12, $0xb8;
	[tilespmem:$0x1AE00] =	vst v63  }
0x32: {  	s20 =	simm.s32 $0x200;
	s22 =	simm.s32 $0xE400;
	s14 =	simm.s32 $0x0  }
0x33: {  	[tilespmem:s22], [sflag:$0x5] =	stream.indirect.gather [hbm4b:s4+s12], $0x40, s20, s12, $0xb8;
	[tilespmem:$0x1AE00] =	vst v63  }
.LBB2_2:
0x34: {  	s6 =	simm.s32 $0x0;
	s18 =	simm.s32 $0x1;
	s11 =	simm.s32 $0x2  }
0x35: {  	s20 =	simm.s32 $0x3;
	s22 =	simm.s32 $0x4;
	s15 =	simm.s32 $0x7;
	v33 =	vmov s6;
	v34 =	vmov s18;
	v35 =	vmov s11  }
0x36: {  	_ =	swait.ge [sflag:s23], $0x2000;
	s16 =	simm.s32 $0x5;
	v36 =	vmov s20;
	v37 =	vmov s22;
	v38 =	vmov s15  }
0x37: {  	p0 =	seq.s32 s14, $0x0;
	[sflag:s23] =	ssyncset.done $0x0;
	v39 =	vmov s16;
	s18 =	simm.s32 $0x6;
	v33 =	vshrl.u32 v33, $0x3;
	v38 =	vshrl.u32 v38, $0x3  }
0x38: {  	s11 =	simm.s32 @!p0 $0x6;
	[sflag:s23] =	ssyncadd.s32 $0xFFFFE000;
	v40 =	vmov s18;
	v34 =	vshrl.u32 v34, $0x3;
	v35 =	vshrl.u32 v35, $0x3  }
0x39: {  	v36 =	vshrl.u32 v36, $0x3;
	v37 =	vshrl.u32 v37, $0x3;
	_ =	swait.ge @!p0 [sflag:s11], $0x2000;
	v38 =	vshll.u32 v38, v1  }
0x3a: {  	v55 =	vshrl.u32 v39, $0x3;
	v33 =	vshll.u32 v33, v1;
	[sflag:s11] =	ssyncset.done @!p0 $0x0;
	v38 =	vbroadcast v38, $0x0  }
0x3b: {  	s6 =	simm.s32 $0x6500;
	v34 =	vshll.u32 v34, v1;
	v52 =	vshll.u32 v35, v1;
	v33 =	vbroadcast v33, $0x0;
	[sflag:s11] =	ssyncadd.s32 @!p0 $0xFFFFE000  }
0x3c: {  	v53 =	vshll.u32 v36, v1;
	v45 =	vbroadcast v34, $0x0;
	v41 =	vld [tilespmem:s6+$0xC0];
	v42 =	vadd.s32 v29, v38  }
0x3d: {  	v54 =	vshll.u32 v37, v1;
	v52 =	vbroadcast v52, $0x0;
	v43 =	vld [tilespmem:s6+$0xFFFFFF00];
	v44 =	vadd.s32 v0, v33  }
0x3e: {  	v36 =	vshll.u32 v55, v1;
	v35 =	vbroadcast v53, $0x0;
	v46 =	vld [tilespmem:s6+$0xFFFFFF40];
	v47 =	vadd.s32 v5, v45  }
0x3f: {  	v40 =	vshrl.u32 v40, $0x3;
	v34 =	vbroadcast v54, $0x0;
	v48 =	vld [tilespmem:s6+$0xFFFFFF80];
	v49 =	vadd.s32 v9, v52  }
0x40: {  	v37 =	vbroadcast v36, $0x0;
	v56 =	vshll.u32 v40, v1;
	v39 =	vld [tilespmem:s6+$0xFFFFFFC0];
	v50 =	vadd.s32 v13, v35  }
0x41: {  	v36 =	vbroadcast v56, $0x0;
	v51 =	vld [tilespmem:s6+$0x0];
	v53 =	vadd.s32 v17, v34;
	[tilespmem:v42+s24+$0x0] =	vst.idx.msk $0xffff, v41  }
0x42: {  	v59 =	vld [tilespmem:s6+$0x40];
	v60 =	vadd.s32 v21, v37;
	[tilespmem:v44+s24+$0x0] =	vst.idx.msk $0xffff, v43  }
0x43: {  	v61 =	vld [tilespmem:s6+$0x80];
	v62 =	vadd.s32 v25, v36;
	[tilespmem:v47+s24+$0x0] =	vst.idx.msk $0xffff, v46  }
0x44: {  	v58 =	vadd.s32 v30, v38;
	[tilespmem:v49+s24+$0x0] =	vst.idx.msk $0xffff, v48;
	v57 =	vld [tilespmem:s6+$0xD0]  }
0x45: {  	v63 =	vadd.s32 v6, v45;
	[tilespmem:v50+s24+$0x0] =	vst.idx.msk $0xffff, v39;
	v47 =	vld [tilespmem:s6+$0xFFFFFF50]  }
0x46: {  	v55 =	vadd.s32 v10, v52;
	[tilespmem:v53+s24+$0x0] =	vst.idx.msk $0xffff, v51;
	v54 =	vld [tilespmem:s6+$0xFFFFFF90]  }
0x47: {  	v56 =	vadd.s32 v14, v35;
	[tilespmem:v60+s24+$0x0] =	vst.idx.msk $0xffff, v59;
	v50 =	vld [tilespmem:s6+$0xFFFFFFD0]  }
0x48: {  	v46 =	vadd.s32 v22, v37;
	[tilespmem:v62+s24+$0x0] =	vst.idx.msk $0xffff, v61;
	v44 =	vld [tilespmem:s6+$0x50]  }
0x49: {  	v59 =	vadd.s32 v18, v34;
	[tilespmem:v58+s24+$0x0] =	vst.idx.msk $0xffff, v57;
	v58 =	vld [tilespmem:s6+$0x10]  }
0x4a: {  	v57 =	vadd.s32 v31, v38;
	[tilespmem:v63+s24+$0x0] =	vst.idx.msk $0xffff, v47;
	v40 =	vld [tilespmem:s6+$0xE0]  }
0x4b: {  	v60 =	vadd.s32 v26, v36;
	[tilespmem:v55+s24+$0x0] =	vst.idx.msk $0xffff, v54;
	v63 =	vld [tilespmem:s6+$0x90]  }
0x4c: {  	v61 =	vld [tilespmem:s6+$0xFFFFFF10];
	v62 =	vadd.s32 v2, v33;
	[tilespmem:v56+s24+$0x0] =	vst.idx.msk $0xffff, v50  }
0x4d: {  	v51 =	vadd.s32 v7, v45;
	[tilespmem:v46+s24+$0x0] =	vst.idx.msk $0xffff, v44;
	v50 =	vld [tilespmem:s6+$0xFFFFFF60]  }
0x4e: {  	v56 =	vadd.s32 v11, v52;
	v55 =	vld [tilespmem:s6+$0xFFFFFFA0];
	[tilespmem:v59+s24+$0x0] =	vst.idx.msk $0xffff, v58  }
0x4f: {  	v58 =	vadd.s32 v15, v35;
	[tilespmem:v57+s24+$0x0] =	vst.idx.msk $0xffff, v40;
	v57 =	vld [tilespmem:s6+$0xFFFFFFE0]  }
0x50: {  	[tilespmem:v60+s24+$0x0] =	vst.idx.msk $0xffff, v63;
	v60 =	vadd.s32 v19, v34;
	v59 =	vld [tilespmem:s6+$0x20]  }
0x51: {  	s22 =	simm.s32 $0x9;
	v38 =	vadd.s32 v32, v38;
	[tilespmem:v62+s24+$0x0] =	vst.idx.msk $0xffff, v61;
	v54 =	vld [tilespmem:s6+$0xF0]  }
0x52: {  	s20 =	simm.s32 $0x8;
	v41 =	vadd.s32 v23, v37;
	v53 =	vmov s22;
	[tilespmem:v51+s24+$0x0] =	vst.idx.msk $0xffff, v50;
	v40 =	vld [tilespmem:s6+$0x60]  }
0x53: {  	s16 =	simm.s32 $0xB;
	s18 =	simm.s32 $0xC;
	v43 =	vadd.s32 v27, v36;
	v48 =	vadd.s32 v3, v33;
	v63 =	vmov s20;
	v42 =	vld [tilespmem:s6+$0xA0];
	[tilespmem:v56+s24+$0x0] =	vst.idx.msk $0xffff, v55  }
0x54: {  	s22 =	simm.s32 $0xE;
	v44 =	vmov s16;
	v47 =	vmov s18;
	v46 =	vld [tilespmem:s6+$0xFFFFFF20];
	v39 =	vshrl.u32 v63, $0x3;
	[tilespmem:v58+s24+$0x0] =	vst.idx.msk $0xffff, v57  }
0x55: {  	s15 =	simm.s32 $0xA;
	s20 =	simm.s32 $0xD;
	v51 =	vadd.s32 v8, v45;
	v49 =	vld [tilespmem:s6+$0xFFFFFF70];
	v45 =	vshll.u32 v39, v1;
	v39 =	vmov s22;
	[tilespmem:v60+s24+$0x0] =	vst.idx.msk $0xffff, v59  }
0x56: {  	s11 =	simm.s32 $0x10;
	v52 =	vadd.s32 v12, v52;
	v50 =	vld [tilespmem:s6+$0xFFFFFFB0];
	[tilespmem:v38+s24+$0x0] =	vst.idx.msk $0xffff, v54;
	v54 =	vmov s15;
	v38 =	vmov s20;
	s15 =	simm.s32 $0xF  }
.LBB2_3:
0x57: {  	p1 =	slt.u32 s11, $0x78;
	v53 =	vshrl.u32 v53, $0x3;
	v55 =	vmov s15;
	v56 =	vld [tilespmem:s6+$0xFFFFFFF0];
	v35 =	vadd.s32 v16, v35;
	[tilespmem:v41+s24+$0x0] =	vst.idx.msk $0xffff, v40  }
0x58: {  	v40 =	vshrl.u32 v54, $0x3;
	v34 =	vadd.s32 v20, v34;
	v41 =	vshrl.u32 v55, $0x3;
	v54 =	vld [tilespmem:s6+$0x30];
	[tilespmem:v43+s24+$0x0] =	vst.idx.msk $0xffff, v42  }
0x59: {  	v37 =	vadd.s32 v24, v37;
	v42 =	vshrl.u32 v44, $0x3;
	v41 =	vshll.u32 v41, v1;
	[tilespmem:v48+s24+$0x0] =	vst.idx.msk $0xffff, v46;
	v43 =	vld [tilespmem:s6+$0x70]  }
0x5a: {  	v36 =	vadd.s32 v28, v36;
	v44 =	vshrl.u32 v47, $0x3;
	v41 =	vbroadcast v41, $0x0;
	[tilespmem:v51+s24+$0x0] =	vst.idx.msk $0xffff, v49;
	v46 =	vld [tilespmem:s6+$0xB0]  }
0x5b: {  	v47 =	vshll.u32 v53, v1;
	v49 =	vadd.s32 v4, v33;
	v33 =	vbroadcast v45, $0x0;
	v48 =	vld [tilespmem:s6+$0xFFFFFF30];
	[tilespmem:v52+s24+$0x0] =	vst.idx.msk $0xffff, v50;
	s6 =	sadd.s32 $0x200, s6  }
0x5c: {  	v40 =	vshll.u32 v40, v1;
	v45 =	vbroadcast v47, $0x0;
	v47 =	vld [tilespmem:s6+$0xC0];
	v50 =	vadd.s32 v29, v41;
	[tilespmem:v35+s24+$0x0] =	vst.idx.msk $0xffff, v56  }
0x5d: {  	v55 =	vbroadcast v40, $0x0;
	v52 =	vadd.s32 v0, v33;
	v35 =	vshll.u32 v42, v1;
	v51 =	vld [tilespmem:s6+$0xFFFFFF00];
	[tilespmem:v34+s24+$0x0] =	vst.idx.msk $0xffff, v54  }
0x5e: {  	v42 =	vadd.s32 v5, v45;
	v35 =	vbroadcast v35, $0x0;
	v34 =	vshll.u32 v44, v1;
	v40 =	vld [tilespmem:s6+$0xFFFFFF40];
	[tilespmem:v37+s24+$0x0] =	vst.idx.msk $0xffff, v43  }
0x5f: {  	v44 =	vadd.s32 v9, v55;
	v34 =	vbroadcast v34, $0x0;
	v37 =	vshrl.u32 v38, $0x3;
	v43 =	vld [tilespmem:s6+$0xFFFFFF80];
	[tilespmem:v36+s24+$0x0] =	vst.idx.msk $0xffff, v46  }
0x60: {  	v39 =	vshrl.u32 v39, $0x3;
	v46 =	vadd.s32 v13, v35;
	v36 =	vshll.u32 v37, v1;
	v38 =	vld [tilespmem:s6+$0xFFFFFFC0];
	[tilespmem:v49+s24+$0x0] =	vst.idx.msk $0xffff, v48  }
0x61: {  	v49 =	vadd.s32 v17, v34;
	v37 =	vbroadcast v36, $0x0;
	v36 =	vshll.u32 v39, v1;
	v48 =	vld [tilespmem:s6+$0x0];
	[tilespmem:v50+s24+$0x0] =	vst.idx.msk $0xffff, v47  }
0x62: {  	v36 =	vbroadcast v36, $0x0;
	v47 =	vadd.s32 v30, v41;
	[tilespmem:v52+s24+$0x0] =	vst.idx.msk $0xffff, v51;
	v39 =	vld [tilespmem:s6+$0xD0]  }
0x63: {  	[tilespmem:v42+s24+$0x0] =	vst.idx.msk $0xffff, v40;
	v40 =	vld [tilespmem:s6+$0x40];
	v42 =	vadd.s32 v21, v37  }
0x64: {  	[tilespmem:v44+s24+$0x0] =	vst.idx.msk $0xffff, v43;
	v43 =	vld [tilespmem:s6+$0x80];
	v44 =	vadd.s32 v25, v36  }
0x65: {  	v51 =	vadd.s32 v6, v45;
	v50 =	vld [tilespmem:s6+$0xFFFFFF50];
	[tilespmem:v46+s24+$0x0] =	vst.idx.msk $0xffff, v38  }
0x66: {  	v46 =	vadd.s32 v10, v55;
	v38 =	vld [tilespmem:s6+$0xFFFFFF90];
	[tilespmem:v49+s24+$0x0] =	vst.idx.msk $0xffff, v48  }
0x67: {  	v49 =	vadd.s32 v14, v35;
	v48 =	vld [tilespmem:s6+$0xFFFFFFD0];
	[tilespmem:v47+s24+$0x0] =	vst.idx.msk $0xffff, v39  }
0x68: {  	[tilespmem:v42+s24+$0x0] =	vst.idx.msk $0xffff, v40;
	v39 =	vld [tilespmem:s6+$0xE0];
	v40 =	vadd.s32 v31, v41  }
0x69: {  	v47 =	vadd.s32 v18, v34;
	v42 =	vld [tilespmem:s6+$0x10];
	[tilespmem:v44+s24+$0x0] =	vst.idx.msk $0xffff, v43  }
0x6a: {  	v44 =	vadd.s32 v22, v37;
	[tilespmem:v51+s24+$0x0] =	vst.idx.msk $0xffff, v50;
	v43 =	vld [tilespmem:s6+$0x50]  }
0x6b: {  	[tilespmem:v46+s24+$0x0] =	vst.idx.msk $0xffff, v38;
	v38 =	vld [tilespmem:s6+$0x90];
	v46 =	vadd.s32 v26, v36  }
0x6c: {  	v51 =	vadd.s32 v2, v33;
	v50 =	vld [tilespmem:s6+$0xFFFFFF10];
	[tilespmem:v49+s24+$0x0] =	vst.idx.msk $0xffff, v48  }
0x6d: {  	v49 =	vadd.s32 v7, v45;
	v48 =	vld [tilespmem:s6+$0xFFFFFF60];
	[tilespmem:v40+s24+$0x0] =	vst.idx.msk $0xffff, v39  }
0x6e: {  	[tilespmem:v47+s24+$0x0] =	vst.idx.msk $0xffff, v42;
	v39 =	vld [tilespmem:s6+$0xF0];
	v47 =	vadd.s32 v32, v41  }
0x6f: {  	v56 =	vadd.s32 v11, v55;
	v52 =	vld [tilespmem:s6+$0xFFFFFFA0];
	[tilespmem:v44+s24+$0x0] =	vst.idx.msk $0xffff, v43  }
0x70: {  	v58 =	vadd.s32 v15, v35;
	v57 =	vld [tilespmem:s6+$0xFFFFFFE0];
	[tilespmem:v46+s24+$0x0] =	vst.idx.msk $0xffff, v38  }
0x71: {  	v60 =	vadd.s32 v19, v34;
	[tilespmem:v51+s24+$0x0] =	vst.idx.msk $0xffff, v50;
	v59 =	vld [tilespmem:s6+$0x20]  }
.Ltmp2:
0x72: {  	s15 =	sadd.s32 $0x1, s11;
	v41 =	vadd.s32 v23, v37;
	v38 =	vmov s11;
	[tilespmem:v49+s24+$0x0] =	vst.idx.msk $0xffff, v48;
	v40 =	vld [tilespmem:s6+$0x60];
	(pc) =	sbr.rel @p1 .LBB2_3-.Ltmp2, $4  }
0x73: {  	s16 =	sadd.s32 $0x3, s11;
	v53 =	vmov s15;
	s15 =	sadd.s32 $0x2, s11;
	v43 =	vadd.s32 v27, v36;
	v50 =	vshrl.u32 v38, $0x3;
	v42 =	vld [tilespmem:s6+$0xA0];
	[tilespmem:v47+s24+$0x0] =	vst.idx.msk $0xffff, v39  }
0x74: {  	v54 =	vmov s15;
	s15 =	sadd.s32 $0x4, s11;
	v44 =	vmov s16;
	s16 =	sadd.s32 $0x5, s11;
	v48 =	vadd.s32 v3, v33;
	v46 =	vld [tilespmem:s6+$0xFFFFFF20];
	[tilespmem:v56+s24+$0x0] =	vst.idx.msk $0xffff, v52  }
0x75: {  	v38 =	vmov s16;
	v51 =	vadd.s32 v8, v45;
	v47 =	vmov s15;
	s15 =	sadd.s32 $0x6, s11;
	v49 =	vld [tilespmem:s6+$0xFFFFFF70];
	[tilespmem:v58+s24+$0x0] =	vst.idx.msk $0xffff, v57  }
0x76: {  	v45 =	vshll.u32 v50, v1;
	v39 =	vmov s15;
	s15 =	sadd.s32 $0x7, s11;
	s11 =	sadd.s32 $0x8, s11;
	v52 =	vadd.s32 v12, v55;
	v50 =	vld [tilespmem:s6+$0xFFFFFFB0];
	[tilespmem:v60+s24+$0x0] =	vst.idx.msk $0xffff, v59  }
0x77: {  	_ =	sdelay $0x2  }
0x78: {  	v53 =	vshrl.u32 v53, $0x3  }
0x79: {  	v55 =	vmov s15;
	v56 =	vld [tilespmem:s6+$0xFFFFFFF0];
	v35 =	vadd.s32 v16, v35;
	[tilespmem:v41+s24+$0x0] =	vst.idx.msk $0xffff, v40;
	v57 =	vshrl.u32 v54, $0x3  }
0x7a: {  	v59 =	vld [tilespmem:s6+$0x30];
	v34 =	vadd.s32 v20, v34;
	v60 =	vshrl.u32 v44, $0x3;
	v58 =	vshrl.u32 v55, $0x3;
	[tilespmem:v43+s24+$0x0] =	vst.idx.msk $0xffff, v42  }
0x7b: {  	v37 =	vadd.s32 v24, v37;
	v62 =	vshrl.u32 v47, $0x3;
	v61 =	vld [tilespmem:s6+$0x70];
	v41 =	vshll.u32 v58, v1;
	[tilespmem:v48+s24+$0x0] =	vst.idx.msk $0xffff, v46  }
0x7c: {  	v36 =	vadd.s32 v28, v36;
	v45 =	vbroadcast v45, $0x0;
	v63 =	vld [tilespmem:s6+$0xB0];
	v41 =	vbroadcast v41, $0x0;
	[tilespmem:v51+s24+$0x0] =	vst.idx.msk $0xffff, v49  }
0x7d: {  	v33 =	vadd.s32 v4, v33;
	s15 =	sadd.s32 $0x200, s6;
	v38 =	vshrl.u32 v38, $0x3;
	v55 =	vshll.u32 v53, v1;
	v48 =	vld [tilespmem:s6+$0xFFFFFF30];
	[tilespmem:v52+s24+$0x0] =	vst.idx.msk $0xffff, v50  }
0x7e: {  	v40 =	vshll.u32 v57, v1;
	v47 =	vbroadcast v55, $0x0;
	v49 =	vld [tilespmem:s15+$0xC0];
	v50 =	vadd.s32 v29, v41;
	[tilespmem:v35+s24+$0x0] =	vst.idx.msk $0xffff, v56  }
0x7f: {  	v42 =	vshll.u32 v60, v1;
	v40 =	vbroadcast v40, $0x0;
	v35 =	vld [tilespmem:s15+$0xFFFFFF00];
	v56 =	vadd.s32 v0, v45;
	[tilespmem:v34+s24+$0x0] =	vst.idx.msk $0xffff, v59  }
0x80: {  	v57 =	vld [tilespmem:s15+$0xFFFFFF40];
	v44 =	vshll.u32 v62, v1;
	v42 =	vbroadcast v42, $0x0;
	v58 =	vadd.s32 v5, v47;
	[tilespmem:v37+s24+$0x0] =	vst.idx.msk $0xffff, v61  }
0x81: {  	v38 =	vshll.u32 v38, v1;
	v44 =	vbroadcast v44, $0x0;
	v60 =	vadd.s32 v9, v40;
	v59 =	vld [tilespmem:s15+$0xFFFFFF80];
	[tilespmem:v36+s24+$0x0] =	vst.idx.msk $0xffff, v63  }
0x82: {  	v38 =	vbroadcast v38, $0x0;
	v62 =	vadd.s32 v13, v42;
	v61 =	vld [tilespmem:s15+$0xFFFFFFC0];
	[tilespmem:v33+s24+$0x0] =	vst.idx.msk $0xffff, v48  }
0x83: {  	v39 =	vshrl.u32 v39, $0x3;
	v63 =	vadd.s32 v17, v44;
	v33 =	vld [tilespmem:s15+$0x0];
	[tilespmem:v50+s24+$0x0] =	vst.idx.msk $0xffff, v49  }
0x84: {  	v39 =	vshll.u32 v39, v1;
	v34 =	vld [tilespmem:s15+$0x40];
	[tilespmem:v56+s24+$0x0] =	vst.idx.msk $0xffff, v35;
	v56 =	vadd.s32 v21, v38  }
0x85: {  	[tilespmem:v58+s24+$0x0] =	vst.idx.msk $0xffff, v57;
	v35 =	vbroadcast v39, $0x0;
	v49 =	vadd.s32 v30, v41;
	v39 =	vld [tilespmem:s15+$0xD0]  }
0x86: {  	[tilespmem:v60+s24+$0x0] =	vst.idx.msk $0xffff, v59;
	v59 =	vld [tilespmem:s15+$0xFFFFFF50];
	v60 =	vadd.s32 v6, v47  }
0x87: {  	v57 =	vld [tilespmem:s15+$0x80];
	[tilespmem:v62+s24+$0x0] =	vst.idx.msk $0xffff, v61;
	v58 =	vadd.s32 v25, v35  }
0x88: {  	v61 =	vld [tilespmem:s15+$0xFFFFFF90];
	v62 =	vadd.s32 v10, v40;
	[tilespmem:v63+s24+$0x0] =	vst.idx.msk $0xffff, v33  }
0x89: {  	v33 =	vld [tilespmem:s15+$0xFFFFFFD0];
	v63 =	vadd.s32 v14, v42;
	[tilespmem:v56+s24+$0x0] =	vst.idx.msk $0xffff, v34  }
0x8a: {  	v56 =	vadd.s32 v18, v44;
	[tilespmem:v49+s24+$0x0] =	vst.idx.msk $0xffff, v39;
	v49 =	vld [tilespmem:s15+$0x10]  }
0x8b: {  	[tilespmem:v60+s24+$0x0] =	vst.idx.msk $0xffff, v59;
	v39 =	vadd.s32 v31, v41;
	v34 =	vld [tilespmem:s15+$0xE0]  }
0x8c: {  	[tilespmem:v58+s24+$0x0] =	vst.idx.msk $0xffff, v57;
	v57 =	vld [tilespmem:s15+$0x50];
	v58 =	vadd.s32 v22, v38  }
0x8d: {  	[tilespmem:v62+s24+$0x0] =	vst.idx.msk $0xffff, v61;
	v61 =	vld [tilespmem:s15+$0xFFFFFF10];
	v62 =	vadd.s32 v2, v45  }
0x8e: {  	v60 =	vadd.s32 v26, v35;
	v59 =	vld [tilespmem:s15+$0x90];
	[tilespmem:v63+s24+$0x0] =	vst.idx.msk $0xffff, v33  }
0x8f: {  	v55 =	vadd.s32 v11, v40;
	v54 =	vadd.s32 v32, v41;
	v41 =	vld [tilespmem:s15+$0xFFFFFFA0];
	[tilespmem:v56+s24+$0x0] =	vst.idx.msk $0xffff, v49  }
0x90: {  	v53 =	vadd.s32 v7, v47;
	v63 =	vld [tilespmem:s15+$0xFFFFFF60];
	[tilespmem:v39+s24+$0x0] =	vst.idx.msk $0xffff, v34  }
0x91: {  	v56 =	vld [tilespmem:s15+$0xFFFFFFE0];
	[tilespmem:v58+s24+$0x0] =	vst.idx.msk $0xffff, v57;
	v57 =	vadd.s32 v15, v42  }
0x92: {  	[tilespmem:v62+s24+$0x0] =	vst.idx.msk $0xffff, v61;
	v34 =	vld [tilespmem:s15+$0xF0]  }
0x93: {  	v58 =	vld [tilespmem:s15+$0x20];
	[tilespmem:v60+s24+$0x0] =	vst.idx.msk $0xffff, v59;
	v59 =	vadd.s32 v19, v44  }
0x94: {  	v61 =	vadd.s32 v23, v38;
	[tilespmem:v55+s24+$0x0] =	vst.idx.msk $0xffff, v41;
	v60 =	vld [tilespmem:s15+$0x60]  }
0x95: {  	[tilespmem:v53+s24+$0x0] =	vst.idx.msk $0xffff, v63;
	v63 =	vadd.s32 v27, v35;
	v62 =	vld [tilespmem:s15+$0xA0]  }
0x96: {  	v47 =	vadd.s32 v8, v47;
	v55 =	vld [tilespmem:s15+$0xFFFFFF70];
	[tilespmem:v57+s24+$0x0] =	vst.idx.msk $0xffff, v56  }
0x97: {  	v53 =	vld [tilespmem:s15+$0xFFFFFF20];
	[tilespmem:v54+s24+$0x0] =	vst.idx.msk $0xffff, v34;
	v54 =	vadd.s32 v3, v45  }
0x98: {  	v40 =	vadd.s32 v12, v40;
	v56 =	vld [tilespmem:s15+$0xFFFFFFB0];
	[tilespmem:v59+s24+$0x0] =	vst.idx.msk $0xffff, v58  }
0x99: {  	v42 =	vadd.s32 v16, v42;
	v57 =	vld [tilespmem:s15+$0xFFFFFFF0];
	[tilespmem:v61+s24+$0x0] =	vst.idx.msk $0xffff, v60  }
0x9a: {  	v59 =	vadd.s32 v20, v44;
	v58 =	vld [tilespmem:s15+$0x30];
	[tilespmem:v63+s24+$0x0] =	vst.idx.msk $0xffff, v62  }
0x9b: {  	v38 =	vadd.s32 v24, v38;
	v60 =	vld [tilespmem:s15+$0x70];
	[tilespmem:v47+s24+$0x0] =	vst.idx.msk $0xffff, v55  }
0x9c: {  	v35 =	vadd.s32 v28, v35;
	v61 =	vld [tilespmem:s15+$0xB0];
	[tilespmem:v54+s24+$0x0] =	vst.idx.msk $0xffff, v53  }
0x9d: {  	v63 =	vadd.s32 v4, v45;
	[tilespmem:v40+s24+$0x0] =	vst.idx.msk $0xffff, v56;
	v62 =	vld [tilespmem:s15+$0xFFFFFF30]  }
0x9e: {  	s6 =	smul.u32 $0x140000, s14;
	[tilespmem:v42+s24+$0x0] =	vst.idx.msk $0xffff, v57  }
0x9f: {  	[tilespmem:v59+s24+$0x0] =	vst.idx.msk $0xffff, v58  }
0xa0: {  	s11 =	sor.u32 s5, s6;
	[tilespmem:v38+s24+$0x0] =	vst.idx.msk $0xffff, v60  }
0xa1: {  	s11 =	sshrl.u32 s11, $0x3;
	[tilespmem:v35+s24+$0x0] =	vst.idx.msk $0xffff, v61  }
0xa2: {  	s16 =	simm.s32 $0x10400;
	s15 =	sadd.s32 s2, s11;
	[tilespmem:v63+s24+$0x0] =	vst.idx.msk $0xffff, v62  }
0xa3: {  	[hbm4b:s15+s3] =	stream.linear.scatter [tilespmem:s16], [sflag:$0x6], $0x80, $0x38;
	[tilespmem:$0x1AE00] =	vst v63  }
0xa4: {  	s18 =	simm.s32 $0x10488;
	s16 =	sadd.s32 $0x10, s15  }
0xa5: {  	[hbm4b:s16+s3] =	stream.linear.scatter [tilespmem:s18], [sflag:$0x6], $0x80, $0x38;
	[tilespmem:$0x1AE00] =	vst v63  }
0xa6: {  	s20 =	simm.s32 $0x10510;
	s22 =	sadd.s32 $0x20, s15  }
0xa7: {  	[hbm4b:s22+s3] =	stream.linear.scatter [tilespmem:s20], [sflag:$0x6], $0x80, $0x38;
	[tilespmem:$0x1AE00] =	vst v63  }
0xa8: {  	s16 =	simm.s32 $0x10598;
	s18 =	sadd.s32 $0x30, s15  }
0xa9: {  	[hbm4b:s18+s3] =	stream.linear.scatter [tilespmem:s16], [sflag:$0x6], $0x80, $0x38;
	[tilespmem:$0x1AE00] =	vst v63  }
0xaa: {  	s20 =	simm.s32 $0x10620;
	s22 =	sadd.s32 $0x40, s15  }
0xab: {  	[hbm4b:s22+s3] =	stream.linear.scatter [tilespmem:s20], [sflag:$0x6], $0x80, $0x38;
	[tilespmem:$0x1AE00] =	vst v63  }
0xac: {  	s11 =	simm.s32 $0x440;
	s16 =	simm.s32 $0x106A8;
	s18 =	sadd.s32 $0x50, s15  }
0xad: {  	[hbm4b:s18+s3] =	stream.linear.scatter [tilespmem:s16], [sflag:$0x6], $0x80, $0x38;
	[tilespmem:$0x1AE00] =	vst v63  }
0xae: {  	s20 =	simm.s32 $0x10730;
	s22 =	sadd.s32 $0x60, s15;
	s16 =	simm.s32 $0x2200  }
0xaf: {  	[hbm4b:s22+s3] =	stream.linear.scatter [tilespmem:s20], [sflag:$0x6], $0x80, $0x38;
	[tilespmem:$0x1AE00] =	vst v63  }
0xb0: {  	s18 =	simm.s32 $0x107B8;
	s20 =	sadd.s32 $0x70, s15;
	s15 =	sadd.s32 $0x1000, s15  }
.LBB2_5:
0xb1: {  	[hbm4b:s20+s3] =	stream.linear.scatter [tilespmem:s18], [sflag:$0x6], $0x80, $0x38;
	[tilespmem:$0x1AE00] =	vst v63  }
0xb2: {  	s18 =	smov.u32 s11;
	s11 =	smov.u32 s16  }
0xb3: {  	s22 =	sadd.s32 $0x1100, s16;
	s11 =	sshra.s32 s11, $0x2;
	s20 =	sadd.s32 $0x10400, s18  }
0xb4: {  	[hbm4b:s15+s3] =	stream.linear.scatter [tilespmem:s20], [sflag:$0x6], $0x80, $0x38;
	[tilespmem:$0x1AE00] =	vst v63  }
0xb5: {  	p1 =	sne.s32 s16, $0x7700;
	s16 =	sadd.s32 $0x10488, s18;
	s20 =	sadd.s32 $0x10, s15  }
0xb6: {  	[hbm4b:s20+s3] =	stream.linear.scatter [tilespmem:s16], [sflag:$0x6], $0x80, $0x38;
	[tilespmem:$0x1AE00] =	vst v63  }
0xb7: {  	s16 =	sadd.s32 $0x10510, s18;
	s20 =	sadd.s32 $0x20, s15  }
0xb8: {  	[hbm4b:s20+s3] =	stream.linear.scatter [tilespmem:s16], [sflag:$0x6], $0x80, $0x38;
	[tilespmem:$0x1AE00] =	vst v63  }
0xb9: {  	s16 =	sadd.s32 $0x10598, s18;
	s20 =	sadd.s32 $0x30, s15  }
0xba: {  	[hbm4b:s20+s3] =	stream.linear.scatter [tilespmem:s16], [sflag:$0x6], $0x80, $0x38;
	[tilespmem:$0x1AE00] =	vst v63  }
0xbb: {  	s16 =	sadd.s32 $0x10620, s18;
	s20 =	sadd.s32 $0x40, s15  }
0xbc: {  	[hbm4b:s20+s3] =	stream.linear.scatter [tilespmem:s16], [sflag:$0x6], $0x80, $0x38;
	[tilespmem:$0x1AE00] =	vst v63  }
.Ltmp3:
0xbd: {  	s16 =	sadd.s32 $0x106A8, s18;
	s20 =	sadd.s32 $0x50, s15;
	(pc) =	sbr.rel @p1 .LBB2_5-.Ltmp3, $4  }
0xbe: {  	[hbm4b:s20+s3] =	stream.linear.scatter [tilespmem:s16], [sflag:$0x6], $0x80, $0x38;
	[tilespmem:$0x1AE00] =	vst v63  }
0xbf: {  	s16 =	sadd.s32 $0x10730, s18;
	s20 =	sadd.s32 $0x60, s15;
	s18 =	sadd.s32 $0x107B8, s18  }
0xc0: {  	[hbm4b:s20+s3] =	stream.linear.scatter [tilespmem:s16], [sflag:$0x6], $0x80, $0x38;
	[tilespmem:$0x1AE00] =	vst v63  }
0xc1: {  	s20 =	sadd.s32 $0x70, s15;
	s15 =	sadd.s32 $0x1000, s15;
	s16 =	smov.u32 s22  }
0xc2: {  	[hbm4b:s20+s3] =	stream.linear.scatter [tilespmem:s18], [sflag:$0x6], $0x80, $0x38;
	[tilespmem:$0x1AE00] =	vst v63  }
0xc3: {  	s16 =	sadd.s32 $0x10400, s11  }
0xc4: {  	[hbm4b:s15+s3] =	stream.linear.scatter [tilespmem:s16], [sflag:$0x6], $0x80, $0x38;
	[tilespmem:$0x1AE00] =	vst v63  }
0xc5: {  	s20 =	sadd.s32 $0x10488, s11;
	s22 =	sadd.s32 $0x10, s15  }
0xc6: {  	[hbm4b:s22+s3] =	stream.linear.scatter [tilespmem:s20], [sflag:$0x6], $0x80, $0x38;
	[tilespmem:$0x1AE00] =	vst v63  }
0xc7: {  	s20 =	sadd.s32 $0x10510, s11;
	s22 =	sadd.s32 $0x20, s15  }
0xc8: {  	[hbm4b:s22+s3] =	stream.linear.scatter [tilespmem:s20], [sflag:$0x6], $0x80, $0x38;
	[tilespmem:$0x1AE00] =	vst v63  }
0xc9: {  	s20 =	sadd.s32 $0x10598, s11;
	s22 =	sadd.s32 $0x30, s15  }
0xca: {  	[hbm4b:s22+s3] =	stream.linear.scatter [tilespmem:s20], [sflag:$0x6], $0x80, $0x38;
	[tilespmem:$0x1AE00] =	vst v63  }
0xcb: {  	s20 =	sadd.s32 $0x10620, s11;
	s22 =	sadd.s32 $0x40, s15  }
0xcc: {  	[hbm4b:s22+s3] =	stream.linear.scatter [tilespmem:s20], [sflag:$0x6], $0x80, $0x38;
	[tilespmem:$0x1AE00] =	vst v63  }
0xcd: {  	p1 =	sne.s32 s14, $0x27;
	s20 =	sadd.s32 $0x106A8, s11;
	s22 =	sadd.s32 $0x50, s15  }
0xce: {  	[hbm4b:s22+s3] =	stream.linear.scatter [tilespmem:s20], [sflag:$0x6], $0x80, $0x38;
	[tilespmem:$0x1AE00] =	vst v63  }
.Ltmp4:
0xcf: {  	_ = 	snop;
	(pc) =	sbr.rel @p1 .LBB2_8-.Ltmp4, $4  }
0xd0: {  	s20 =	sadd.s32 $0x10730, s11;
	s22 =	sadd.s32 $0x60, s15  }
0xd1: {  	[hbm4b:s22+s3] =	stream.linear.scatter [tilespmem:s20], [sflag:$0x6], $0x80, $0x38;
	[tilespmem:$0x1AE00] =	vst v63  }
0xd2: {  	s20 =	sadd.s32 $0x107B8, s11;
	s22 =	sadd.s32 $0x70, s15  }
0xd3: {  	[hbm4b:s22+s3] =	stream.linear.scatter [tilespmem:s20], [sflag:$0x6], $0x80, $0x38;
	[tilespmem:$0x1AE00] =	vst v63  }
.Ltmp5:
0xd4: {  	(pc) =	sbr.rel .LBB2_9-.Ltmp5, $4  }
0xd5: {  	_ = 	snop  }
0xd6: {  	_ =	swait.ge [sflag:s25], $0x2000  }
0xd7: {  	[sflag:s25] =	ssyncset.done $0x0  }
0xd8: {  	[sflag:s25] =	ssyncadd.s32 $0xFFFFE000  }
.LBB2_8:
0xd9: {  	s11 =	smul.u32 $0xA00, s14;
	_ =	sdelay $0x1  }
0xda: {  	s11 =	sshra.s32 s11, $0x2  }
.Ltmp6:
0xdb: {  	s15 =	simm.s32 $0x6400;
	s11 =	sadd.s32 $0x280, s11;
	(pc) =	sbr.rel @p0 .LBB2_10-.Ltmp6, $4  }
0xdc: {  	[tilespmem:s15], [sflag:$0x1] =	stream.indirect.gather [hbm4b:s4+s12], $0x40, s11, s12, $0xb8;
	[tilespmem:$0x1AE00] =	vst v63  }
0xdd: {  	_ =	swait.ge [sflag:s25], $0x2000  }
0xde: {  	[sflag:s25] =	ssyncset.done $0x0  }
0xdf: {  	[sflag:s25] =	ssyncadd.s32 $0xFFFFE000  }
.LBB2_9:
0xe0: {  	_ =	swait.ge [sflag:s26], $0x2000  }
0xe1: {  	[sflag:s26] =	ssyncset.done $0x0  }
0xe2: {  	[sflag:s26] =	ssyncadd.s32 $0xFFFFE000  }
.LBB2_10:
0xe3: {  	s11 =	simm.s32 $0x0;
	s16 =	simm.s32 $0x1;
	s15 =	simm.s32 $0x2  }
0xe4: {  	s18 =	simm.s32 $0x3;
	s20 =	simm.s32 $0x4;
	s22 =	simm.s32 $0x5;
	v33 =	vmov s11;
	v34 =	vmov s16;
	v35 =	vmov s15  }
0xe5: {  	s16 =	simm.s32 $0x7;
	v36 =	vmov s18;
	v37 =	vmov s20;
	v39 =	vmov s22;
	s15 =	simm.s32 $0x6  }
0xe6: {  	v33 =	vshrl.u32 v33, $0x3;
	v38 =	vmov s16;
	v40 =	vmov s15  }
0xe7: {  	v34 =	vshrl.u32 v34, $0x3;
	v35 =	vshrl.u32 v35, $0x3;
	v36 =	vshrl.u32 v36, $0x3  }
0xe8: {  	v37 =	vshrl.u32 v37, $0x3;
	v55 =	vshrl.u32 v39, $0x3;
	v33 =	vshll.u32 v33, v1  }
0xe9: {  	v38 =	vshrl.u32 v38, $0x3;
	v34 =	vshll.u32 v34, v1;
	v33 =	vbroadcast v33, $0x0  }
0xea: {  	s11 =	simm.s32 $0x85F0;
	v52 =	vshll.u32 v35, v1;
	v38 =	vshll.u32 v38, v1;
	v45 =	vbroadcast v34, $0x0  }
0xeb: {  	v43 =	vld [tilespmem:s11+$0xFFFFFE10];
	v53 =	vshll.u32 v36, v1;
	v38 =	vbroadcast v38, $0x0;
	v44 =	vadd.s32 v0, v33  }
0xec: {  	v46 =	vld [tilespmem:s11+$0xFFFFFE50];
	v54 =	vshll.u32 v37, v1;
	v52 =	vbroadcast v52, $0x0;
	v47 =	vadd.s32 v5, v45  }
0xed: {  	v41 =	vld [tilespmem:s11+$0xFFFFFFD0];
	v36 =	vshll.u32 v55, v1;
	v35 =	vbroadcast v53, $0x0;
	v42 =	vadd.s32 v29, v38  }
0xee: {  	v48 =	vld [tilespmem:s11+$0xFFFFFE90];
	v40 =	vshrl.u32 v40, $0x3;
	v34 =	vbroadcast v54, $0x0;
	v49 =	vadd.s32 v9, v52  }
0xef: {  	v39 =	vld [tilespmem:s11+$0xFFFFFED0];
	v37 =	vbroadcast v36, $0x0;
	v56 =	vshll.u32 v40, v1;
	v50 =	vadd.s32 v13, v35  }
0xf0: {  	v51 =	vld [tilespmem:s11+$0xFFFFFF10];
	v36 =	vbroadcast v56, $0x0;
	v53 =	vadd.s32 v17, v34;
	[tilespmem:v44+s28+$0x0] =	vst.idx.msk $0xffff, v43  }
0xf1: {  	v59 =	vld [tilespmem:s11+$0xFFFFFF50];
	v60 =	vadd.s32 v21, v37;
	[tilespmem:v47+s28+$0x0] =	vst.idx.msk $0xffff, v46  }
0xf2: {  	v61 =	vld [tilespmem:s11+$0xFFFFFF90];
	v62 =	vadd.s32 v25, v36;
	[tilespmem:v42+s28+$0x0] =	vst.idx.msk $0xffff, v41  }
0xf3: {  	v58 =	vadd.s32 v30, v38;
	[tilespmem:v49+s28+$0x0] =	vst.idx.msk $0xffff, v48;
	v57 =	vld [tilespmem:s11+$0xFFFFFFE0]  }
0xf4: {  	v63 =	vadd.s32 v6, v45;
	[tilespmem:v50+s28+$0x0] =	vst.idx.msk $0xffff, v39;
	v47 =	vld [tilespmem:s11+$0xFFFFFE60]  }
0xf5: {  	v55 =	vadd.s32 v10, v52;
	[tilespmem:v53+s28+$0x0] =	vst.idx.msk $0xffff, v51;
	v54 =	vld [tilespmem:s11+$0xFFFFFEA0]  }
0xf6: {  	v56 =	vadd.s32 v14, v35;
	[tilespmem:v60+s28+$0x0] =	vst.idx.msk $0xffff, v59;
	v50 =	vld [tilespmem:s11+$0xFFFFFEE0]  }
0xf7: {  	v46 =	vadd.s32 v22, v37;
	[tilespmem:v62+s28+$0x0] =	vst.idx.msk $0xffff, v61;
	v44 =	vld [tilespmem:s11+$0xFFFFFF60]  }
0xf8: {  	v59 =	vadd.s32 v18, v34;
	[tilespmem:v58+s28+$0x0] =	vst.idx.msk $0xffff, v57;
	v58 =	vld [tilespmem:s11+$0xFFFFFF20]  }
0xf9: {  	[tilespmem:v63+s28+$0x0] =	vst.idx.msk $0xffff, v47;
	v57 =	vadd.s32 v31, v38;
	v40 =	vld [tilespmem:s11+$0xFFFFFFF0]  }
0xfa: {  	v61 =	vld [tilespmem:s11+$0xFFFFFE20];
	v62 =	vadd.s32 v2, v33;
	[tilespmem:v55+s28+$0x0] =	vst.idx.msk $0xffff, v54  }
0xfb: {  	v60 =	vadd.s32 v26, v36;
	v63 =	vld [tilespmem:s11+$0xFFFFFFA0];
	[tilespmem:v56+s28+$0x0] =	vst.idx.msk $0xffff, v50  }
0xfc: {  	v51 =	vadd.s32 v7, v45;
	[tilespmem:v46+s28+$0x0] =	vst.idx.msk $0xffff, v44;
	v50 =	vld [tilespmem:s11+$0xFFFFFE70]  }
0xfd: {  	v56 =	vadd.s32 v11, v52;
	v55 =	vld [tilespmem:s11+$0xFFFFFEB0];
	[tilespmem:v59+s28+$0x0] =	vst.idx.msk $0xffff, v58  }
0xfe: {  	v58 =	vadd.s32 v15, v35;
	[tilespmem:v57+s28+$0x0] =	vst.idx.msk $0xffff, v40;
	v57 =	vld [tilespmem:s11+$0xFFFFFEF0]  }
0xff: {  	[tilespmem:v62+s28+$0x0] =	vst.idx.msk $0xffff, v61;
	v38 =	vadd.s32 v32, v38;
	v54 =	vld [tilespmem:s11+$0x0]  }
0x100: {  	s18 =	simm.s32 $0x9;
	[tilespmem:v60+s28+$0x0] =	vst.idx.msk $0xffff, v63;
	v60 =	vadd.s32 v19, v34;
	v59 =	vld [tilespmem:s11+$0xFFFFFF30]  }
0x101: {  	s22 =	simm.s32 $0xB;
	v53 =	vmov s18;
	v41 =	vadd.s32 v23, v37;
	[tilespmem:v51+s28+$0x0] =	vst.idx.msk $0xffff, v50;
	v40 =	vld [tilespmem:s11+$0xFFFFFF70]  }
0x102: {  	s16 =	simm.s32 $0x8;
	v43 =	vadd.s32 v27, v36;
	s18 =	simm.s32 $0xC;
	v48 =	vadd.s32 v3, v33;
	v44 =	vmov s22;
	v42 =	vld [tilespmem:s11+$0xFFFFFFB0];
	[tilespmem:v56+s28+$0x0] =	vst.idx.msk $0xffff, v55  }
0x103: {  	s20 =	simm.s32 $0xA;
	v47 =	vmov s18;
	v52 =	vadd.s32 v12, v52;
	v46 =	vld [tilespmem:s11+$0xFFFFFE30];
	v63 =	vmov s16;
	[tilespmem:v58+s28+$0x0] =	vst.idx.msk $0xffff, v57  }
0x104: {  	s22 =	simm.s32 $0xE;
	v39 =	vshrl.u32 v63, $0x3;
	v51 =	vadd.s32 v8, v45;
	v49 =	vld [tilespmem:s11+$0xFFFFFE80];
	[tilespmem:v38+s28+$0x0] =	vst.idx.msk $0xffff, v54;
	v54 =	vmov s20;
	s20 =	simm.s32 $0xD  }
0x105: {  	s15 =	simm.s32 $0x10;
	s16 =	simm.s32 $0xF;
	v45 =	vshll.u32 v39, v1;
	v39 =	vmov s22;
	v50 =	vld [tilespmem:s11+$0xFFFFFEC0];
	[tilespmem:v60+s28+$0x0] =	vst.idx.msk $0xffff, v59;
	v38 =	vmov s20  }
.LBB2_11:
0x106: {  	p2 =	slt.u32 s15, $0x78;
	v53 =	vshrl.u32 v53, $0x3;
	v55 =	vmov s16;
	v56 =	vld [tilespmem:s11+$0xFFFFFF00];
	v35 =	vadd.s32 v16, v35;
	[tilespmem:v41+s28+$0x0] =	vst.idx.msk $0xffff, v40  }
0x107: {  	v40 =	vshrl.u32 v54, $0x3;
	v34 =	vadd.s32 v20, v34;
	v41 =	vshrl.u32 v55, $0x3;
	v54 =	vld [tilespmem:s11+$0xFFFFFF40];
	[tilespmem:v43+s28+$0x0] =	vst.idx.msk $0xffff, v42  }
0x108: {  	v37 =	vadd.s32 v24, v37;
	v42 =	vshrl.u32 v44, $0x3;
	v41 =	vshll.u32 v41, v1;
	[tilespmem:v48+s28+$0x0] =	vst.idx.msk $0xffff, v46;
	v43 =	vld [tilespmem:s11+$0xFFFFFF80]  }
0x109: {  	v36 =	vadd.s32 v28, v36;
	v44 =	vshrl.u32 v47, $0x3;
	v41 =	vbroadcast v41, $0x0;
	[tilespmem:v51+s28+$0x0] =	vst.idx.msk $0xffff, v49;
	v46 =	vld [tilespmem:s11+$0xFFFFFFC0]  }
0x10a: {  	v47 =	vshll.u32 v53, v1;
	v49 =	vadd.s32 v4, v33;
	v33 =	vbroadcast v45, $0x0;
	v48 =	vld [tilespmem:s11+$0xFFFFFE40];
	[tilespmem:v52+s28+$0x0] =	vst.idx.msk $0xffff, v50;
	s11 =	sadd.s32 $0x200, s11  }
0x10b: {  	v40 =	vshll.u32 v40, v1;
	v45 =	vbroadcast v47, $0x0;
	v47 =	vld [tilespmem:s11+$0xFFFFFFD0];
	v50 =	vadd.s32 v29, v41;
	[tilespmem:v35+s28+$0x0] =	vst.idx.msk $0xffff, v56  }
0x10c: {  	v55 =	vbroadcast v40, $0x0;
	v52 =	vadd.s32 v0, v33;
	v35 =	vshll.u32 v42, v1;
	v51 =	vld [tilespmem:s11+$0xFFFFFE10];
	[tilespmem:v34+s28+$0x0] =	vst.idx.msk $0xffff, v54  }
0x10d: {  	v42 =	vadd.s32 v5, v45;
	v35 =	vbroadcast v35, $0x0;
	v34 =	vshll.u32 v44, v1;
	v40 =	vld [tilespmem:s11+$0xFFFFFE50];
	[tilespmem:v37+s28+$0x0] =	vst.idx.msk $0xffff, v43  }
0x10e: {  	v44 =	vadd.s32 v9, v55;
	v34 =	vbroadcast v34, $0x0;
	v37 =	vshrl.u32 v38, $0x3;
	v43 =	vld [tilespmem:s11+$0xFFFFFE90];
	[tilespmem:v36+s28+$0x0] =	vst.idx.msk $0xffff, v46  }
0x10f: {  	v39 =	vshrl.u32 v39, $0x3;
	v46 =	vadd.s32 v13, v35;
	v36 =	vshll.u32 v37, v1;
	v38 =	vld [tilespmem:s11+$0xFFFFFED0];
	[tilespmem:v49+s28+$0x0] =	vst.idx.msk $0xffff, v48  }
0x110: {  	v49 =	vadd.s32 v17, v34;
	v37 =	vbroadcast v36, $0x0;
	v36 =	vshll.u32 v39, v1;
	v48 =	vld [tilespmem:s11+$0xFFFFFF10];
	[tilespmem:v50+s28+$0x0] =	vst.idx.msk $0xffff, v47  }
0x111: {  	v36 =	vbroadcast v36, $0x0;
	v47 =	vadd.s32 v30, v41;
	[tilespmem:v52+s28+$0x0] =	vst.idx.msk $0xffff, v51;
	v39 =	vld [tilespmem:s11+$0xFFFFFFE0]  }
0x112: {  	[tilespmem:v42+s28+$0x0] =	vst.idx.msk $0xffff, v40;
	v40 =	vld [tilespmem:s11+$0xFFFFFF50];
	v42 =	vadd.s32 v21, v37  }
0x113: {  	[tilespmem:v44+s28+$0x0] =	vst.idx.msk $0xffff, v43;
	v43 =	vld [tilespmem:s11+$0xFFFFFF90];
	v44 =	vadd.s32 v25, v36  }
0x114: {  	v51 =	vadd.s32 v6, v45;
	v50 =	vld [tilespmem:s11+$0xFFFFFE60];
	[tilespmem:v46+s28+$0x0] =	vst.idx.msk $0xffff, v38  }
0x115: {  	v46 =	vadd.s32 v10, v55;
	v38 =	vld [tilespmem:s11+$0xFFFFFEA0];
	[tilespmem:v49+s28+$0x0] =	vst.idx.msk $0xffff, v48  }
0x116: {  	v49 =	vadd.s32 v14, v35;
	v48 =	vld [tilespmem:s11+$0xFFFFFEE0];
	[tilespmem:v47+s28+$0x0] =	vst.idx.msk $0xffff, v39  }
0x117: {  	[tilespmem:v42+s28+$0x0] =	vst.idx.msk $0xffff, v40;
	v39 =	vld [tilespmem:s11+$0xFFFFFFF0];
	v40 =	vadd.s32 v31, v41  }
0x118: {  	v47 =	vadd.s32 v18, v34;
	v42 =	vld [tilespmem:s11+$0xFFFFFF20];
	[tilespmem:v44+s28+$0x0] =	vst.idx.msk $0xffff, v43  }
0x119: {  	v44 =	vadd.s32 v22, v37;
	[tilespmem:v51+s28+$0x0] =	vst.idx.msk $0xffff, v50;
	v43 =	vld [tilespmem:s11+$0xFFFFFF60]  }
0x11a: {  	[tilespmem:v46+s28+$0x0] =	vst.idx.msk $0xffff, v38;
	v38 =	vld [tilespmem:s11+$0xFFFFFFA0];
	v46 =	vadd.s32 v26, v36  }
0x11b: {  	v51 =	vadd.s32 v2, v33;
	v50 =	vld [tilespmem:s11+$0xFFFFFE20];
	[tilespmem:v49+s28+$0x0] =	vst.idx.msk $0xffff, v48  }
0x11c: {  	v49 =	vadd.s32 v7, v45;
	v48 =	vld [tilespmem:s11+$0xFFFFFE70];
	[tilespmem:v40+s28+$0x0] =	vst.idx.msk $0xffff, v39  }
0x11d: {  	[tilespmem:v47+s28+$0x0] =	vst.idx.msk $0xffff, v42;
	v39 =	vld [tilespmem:s11+$0x0];
	v47 =	vadd.s32 v32, v41  }
0x11e: {  	v56 =	vadd.s32 v11, v55;
	v52 =	vld [tilespmem:s11+$0xFFFFFEB0];
	[tilespmem:v44+s28+$0x0] =	vst.idx.msk $0xffff, v43  }
0x11f: {  	v58 =	vadd.s32 v15, v35;
	v57 =	vld [tilespmem:s11+$0xFFFFFEF0];
	[tilespmem:v46+s28+$0x0] =	vst.idx.msk $0xffff, v38  }
0x120: {  	v60 =	vadd.s32 v19, v34;
	[tilespmem:v51+s28+$0x0] =	vst.idx.msk $0xffff, v50;
	v59 =	vld [tilespmem:s11+$0xFFFFFF30]  }
.Ltmp7:
0x121: {  	s16 =	sadd.s32 $0x1, s15;
	v41 =	vadd.s32 v23, v37;
	v38 =	vmov s15;
	[tilespmem:v49+s28+$0x0] =	vst.idx.msk $0xffff, v48;
	v40 =	vld [tilespmem:s11+$0xFFFFFF70];
	(pc) =	sbr.rel @p2 .LBB2_11-.Ltmp7, $4  }
0x122: {  	s18 =	sadd.s32 $0x3, s15;
	v53 =	vmov s16;
	s16 =	sadd.s32 $0x2, s15;
	v43 =	vadd.s32 v27, v36;
	v50 =	vshrl.u32 v38, $0x3;
	v42 =	vld [tilespmem:s11+$0xFFFFFFB0];
	[tilespmem:v47+s28+$0x0] =	vst.idx.msk $0xffff, v39  }
0x123: {  	v54 =	vmov s16;
	s16 =	sadd.s32 $0x4, s15;
	v44 =	vmov s18;
	s18 =	sadd.s32 $0x5, s15;
	v48 =	vadd.s32 v3, v33;
	v46 =	vld [tilespmem:s11+$0xFFFFFE30];
	[tilespmem:v56+s28+$0x0] =	vst.idx.msk $0xffff, v52  }
0x124: {  	v38 =	vmov s18;
	v51 =	vadd.s32 v8, v45;
	v47 =	vmov s16;
	s16 =	sadd.s32 $0x6, s15;
	v49 =	vld [tilespmem:s11+$0xFFFFFE80];
	[tilespmem:v58+s28+$0x0] =	vst.idx.msk $0xffff, v57  }
0x125: {  	v45 =	vshll.u32 v50, v1;
	v39 =	vmov s16;
	s16 =	sadd.s32 $0x7, s15;
	s15 =	sadd.s32 $0x8, s15;
	v52 =	vadd.s32 v12, v55;
	v50 =	vld [tilespmem:s11+$0xFFFFFEC0];
	[tilespmem:v60+s28+$0x0] =	vst.idx.msk $0xffff, v59  }
0x126: {  	_ =	sdelay $0x2  }
0x127: {  	v53 =	vshrl.u32 v53, $0x3  }
0x128: {  	v55 =	vmov s16;
	v56 =	vld [tilespmem:s11+$0xFFFFFF00];
	v35 =	vadd.s32 v16, v35;
	[tilespmem:v41+s28+$0x0] =	vst.idx.msk $0xffff, v40;
	v57 =	vshrl.u32 v54, $0x3  }
0x129: {  	v59 =	vld [tilespmem:s11+$0xFFFFFF40];
	v34 =	vadd.s32 v20, v34;
	v60 =	vshrl.u32 v44, $0x3;
	v58 =	vshrl.u32 v55, $0x3;
	[tilespmem:v43+s28+$0x0] =	vst.idx.msk $0xffff, v42  }
0x12a: {  	v37 =	vadd.s32 v24, v37;
	v62 =	vshrl.u32 v47, $0x3;
	v61 =	vld [tilespmem:s11+$0xFFFFFF80];
	v41 =	vshll.u32 v58, v1;
	[tilespmem:v48+s28+$0x0] =	vst.idx.msk $0xffff, v46  }
0x12b: {  	v36 =	vadd.s32 v28, v36;
	v45 =	vbroadcast v45, $0x0;
	v63 =	vld [tilespmem:s11+$0xFFFFFFC0];
	v41 =	vbroadcast v41, $0x0;
	[tilespmem:v51+s28+$0x0] =	vst.idx.msk $0xffff, v49  }
0x12c: {  	v33 =	vadd.s32 v4, v33;
	s18 =	sadd.s32 $0x200, s11;
	v38 =	vshrl.u32 v38, $0x3;
	v55 =	vshll.u32 v53, v1;
	v48 =	vld [tilespmem:s11+$0xFFFFFE40];
	[tilespmem:v52+s28+$0x0] =	vst.idx.msk $0xffff, v50  }
0x12d: {  	v40 =	vshll.u32 v57, v1;
	v47 =	vbroadcast v55, $0x0;
	v49 =	vld [tilespmem:s18+$0xFFFFFFD0];
	v50 =	vadd.s32 v29, v41;
	[tilespmem:v35+s28+$0x0] =	vst.idx.msk $0xffff, v56  }
0x12e: {  	v42 =	vshll.u32 v60, v1;
	v40 =	vbroadcast v40, $0x0;
	v35 =	vld [tilespmem:s18+$0xFFFFFE10];
	v56 =	vadd.s32 v0, v45;
	[tilespmem:v34+s28+$0x0] =	vst.idx.msk $0xffff, v59  }
0x12f: {  	v57 =	vld [tilespmem:s18+$0xFFFFFE50];
	v44 =	vshll.u32 v62, v1;
	v42 =	vbroadcast v42, $0x0;
	v58 =	vadd.s32 v5, v47;
	[tilespmem:v37+s28+$0x0] =	vst.idx.msk $0xffff, v61  }
0x130: {  	v38 =	vshll.u32 v38, v1;
	v44 =	vbroadcast v44, $0x0;
	v60 =	vadd.s32 v9, v40;
	v59 =	vld [tilespmem:s18+$0xFFFFFE90];
	[tilespmem:v36+s28+$0x0] =	vst.idx.msk $0xffff, v63  }
0x131: {  	v38 =	vbroadcast v38, $0x0;
	v62 =	vadd.s32 v13, v42;
	v61 =	vld [tilespmem:s18+$0xFFFFFED0];
	[tilespmem:v33+s28+$0x0] =	vst.idx.msk $0xffff, v48  }
0x132: {  	v39 =	vshrl.u32 v39, $0x3;
	v63 =	vadd.s32 v17, v44;
	v33 =	vld [tilespmem:s18+$0xFFFFFF10];
	[tilespmem:v50+s28+$0x0] =	vst.idx.msk $0xffff, v49  }
0x133: {  	v39 =	vshll.u32 v39, v1;
	v34 =	vld [tilespmem:s18+$0xFFFFFF50];
	[tilespmem:v56+s28+$0x0] =	vst.idx.msk $0xffff, v35;
	v56 =	vadd.s32 v21, v38  }
0x134: {  	[tilespmem:v58+s28+$0x0] =	vst.idx.msk $0xffff, v57;
	v35 =	vbroadcast v39, $0x0;
	v49 =	vadd.s32 v30, v41;
	v39 =	vld [tilespmem:s18+$0xFFFFFFE0]  }
0x135: {  	[tilespmem:v60+s28+$0x0] =	vst.idx.msk $0xffff, v59;
	v59 =	vld [tilespmem:s18+$0xFFFFFE60];
	v60 =	vadd.s32 v6, v47  }
0x136: {  	v57 =	vld [tilespmem:s18+$0xFFFFFF90];
	[tilespmem:v62+s28+$0x0] =	vst.idx.msk $0xffff, v61;
	v58 =	vadd.s32 v25, v35  }
0x137: {  	v61 =	vld [tilespmem:s18+$0xFFFFFEA0];
	v62 =	vadd.s32 v10, v40;
	[tilespmem:v63+s28+$0x0] =	vst.idx.msk $0xffff, v33  }
0x138: {  	v33 =	vld [tilespmem:s18+$0xFFFFFEE0];
	v63 =	vadd.s32 v14, v42;
	[tilespmem:v56+s28+$0x0] =	vst.idx.msk $0xffff, v34  }
0x139: {  	v56 =	vadd.s32 v18, v44;
	[tilespmem:v49+s28+$0x0] =	vst.idx.msk $0xffff, v39;
	v49 =	vld [tilespmem:s18+$0xFFFFFF20]  }
0x13a: {  	[tilespmem:v60+s28+$0x0] =	vst.idx.msk $0xffff, v59;
	v39 =	vadd.s32 v31, v41;
	v34 =	vld [tilespmem:s18+$0xFFFFFFF0]  }
0x13b: {  	[tilespmem:v58+s28+$0x0] =	vst.idx.msk $0xffff, v57;
	v57 =	vld [tilespmem:s18+$0xFFFFFF60];
	v58 =	vadd.s32 v22, v38  }
0x13c: {  	[tilespmem:v62+s28+$0x0] =	vst.idx.msk $0xffff, v61;
	v61 =	vld [tilespmem:s18+$0xFFFFFE20];
	v62 =	vadd.s32 v2, v45  }
0x13d: {  	v60 =	vadd.s32 v26, v35;
	v59 =	vld [tilespmem:s18+$0xFFFFFFA0];
	[tilespmem:v63+s28+$0x0] =	vst.idx.msk $0xffff, v33  }
0x13e: {  	v55 =	vadd.s32 v11, v40;
	v54 =	vadd.s32 v32, v41;
	v41 =	vld [tilespmem:s18+$0xFFFFFEB0];
	[tilespmem:v56+s28+$0x0] =	vst.idx.msk $0xffff, v49  }
0x13f: {  	v53 =	vadd.s32 v7, v47;
	v63 =	vld [tilespmem:s18+$0xFFFFFE70];
	[tilespmem:v39+s28+$0x0] =	vst.idx.msk $0xffff, v34  }
0x140: {  	v56 =	vld [tilespmem:s18+$0xFFFFFEF0];
	[tilespmem:v58+s28+$0x0] =	vst.idx.msk $0xffff, v57;
	v57 =	vadd.s32 v15, v42  }
0x141: {  	[tilespmem:v62+s28+$0x0] =	vst.idx.msk $0xffff, v61;
	v34 =	vld [tilespmem:s18+$0x0]  }
0x142: {  	v58 =	vld [tilespmem:s18+$0xFFFFFF30];
	[tilespmem:v60+s28+$0x0] =	vst.idx.msk $0xffff, v59;
	v59 =	vadd.s32 v19, v44  }
0x143: {  	v61 =	vadd.s32 v23, v38;
	[tilespmem:v55+s28+$0x0] =	vst.idx.msk $0xffff, v41;
	v60 =	vld [tilespmem:s18+$0xFFFFFF70]  }
0x144: {  	[tilespmem:v53+s28+$0x0] =	vst.idx.msk $0xffff, v63;
	v63 =	vadd.s32 v27, v35;
	v62 =	vld [tilespmem:s18+$0xFFFFFFB0]  }
0x145: {  	v47 =	vadd.s32 v8, v47;
	v55 =	vld [tilespmem:s18+$0xFFFFFE80];
	[tilespmem:v57+s28+$0x0] =	vst.idx.msk $0xffff, v56  }
0x146: {  	v53 =	vld [tilespmem:s18+$0xFFFFFE30];
	[tilespmem:v54+s28+$0x0] =	vst.idx.msk $0xffff, v34;
	v54 =	vadd.s32 v3, v45  }
0x147: {  	v40 =	vadd.s32 v12, v40;
	v56 =	vld [tilespmem:s18+$0xFFFFFEC0];
	[tilespmem:v59+s28+$0x0] =	vst.idx.msk $0xffff, v58  }
0x148: {  	v42 =	vadd.s32 v16, v42;
	v57 =	vld [tilespmem:s18+$0xFFFFFF00];
	[tilespmem:v61+s28+$0x0] =	vst.idx.msk $0xffff, v60  }
0x149: {  	v59 =	vadd.s32 v20, v44;
	v58 =	vld [tilespmem:s18+$0xFFFFFF40];
	[tilespmem:v63+s28+$0x0] =	vst.idx.msk $0xffff, v62  }
0x14a: {  	v38 =	vadd.s32 v24, v38;
	v60 =	vld [tilespmem:s18+$0xFFFFFF80];
	[tilespmem:v47+s28+$0x0] =	vst.idx.msk $0xffff, v55  }
0x14b: {  	v35 =	vadd.s32 v28, v35;
	v61 =	vld [tilespmem:s18+$0xFFFFFFC0];
	[tilespmem:v54+s28+$0x0] =	vst.idx.msk $0xffff, v53  }
0x14c: {  	v63 =	vadd.s32 v4, v45;
	[tilespmem:v40+s28+$0x0] =	vst.idx.msk $0xffff, v56;
	v62 =	vld [tilespmem:s18+$0xFFFFFE40]  }
0x14d: {  	[tilespmem:v42+s28+$0x0] =	vst.idx.msk $0xffff, v57  }
0x14e: {  	[tilespmem:v59+s28+$0x0] =	vst.idx.msk $0xffff, v58  }
0x14f: {  	s20 =	sadd.s32 s7, s6;
	[tilespmem:v38+s28+$0x0] =	vst.idx.msk $0xffff, v60  }
0x150: {  	s11 =	sshrl.u32 s20, $0x3;
	[tilespmem:v35+s28+$0x0] =	vst.idx.msk $0xffff, v61  }
0x151: {  	s22 =	simm.s32 $0x12600;
	s15 =	sadd.s32 s2, s11;
	[tilespmem:v63+s28+$0x0] =	vst.idx.msk $0xffff, v62  }
0x152: {  	[hbm4b:s15+s3] =	stream.linear.scatter [tilespmem:s22], [sflag:$0x7], $0x80, $0x38;
	[tilespmem:$0x1AE00] =	vst v63  }
0x153: {  	s16 =	simm.s32 $0x12688;
	s18 =	sadd.s32 $0x10, s15  }
0x154: {  	[hbm4b:s18+s3] =	stream.linear.scatter [tilespmem:s16], [sflag:$0x7], $0x80, $0x38;
	[tilespmem:$0x1AE00] =	vst v63  }
0x155: {  	s20 =	simm.s32 $0x12710;
	s22 =	sadd.s32 $0x20, s15  }
0x156: {  	[hbm4b:s22+s3] =	stream.linear.scatter [tilespmem:s20], [sflag:$0x7], $0x80, $0x38;
	[tilespmem:$0x1AE00] =	vst v63  }
0x157: {  	s16 =	simm.s32 $0x12798;
	s18 =	sadd.s32 $0x30, s15  }
0x158: {  	[hbm4b:s18+s3] =	stream.linear.scatter [tilespmem:s16], [sflag:$0x7], $0x80, $0x38;
	[tilespmem:$0x1AE00] =	vst v63  }
0x159: {  	s20 =	simm.s32 $0x12820;
	s22 =	sadd.s32 $0x40, s15  }
0x15a: {  	[hbm4b:s22+s3] =	stream.linear.scatter [tilespmem:s20], [sflag:$0x7], $0x80, $0x38;
	[tilespmem:$0x1AE00] =	vst v63  }
0x15b: {  	s11 =	simm.s32 $0x440;
	s16 =	simm.s32 $0x128A8;
	s18 =	sadd.s32 $0x50, s15  }
0x15c: {  	[hbm4b:s18+s3] =	stream.linear.scatter [tilespmem:s16], [sflag:$0x7], $0x80, $0x38;
	[tilespmem:$0x1AE00] =	vst v63  }
0x15d: {  	s20 =	simm.s32 $0x12930;
	s22 =	sadd.s32 $0x60, s15;
	s16 =	simm.s32 $0x2200  }
0x15e: {  	[hbm4b:s22+s3] =	stream.linear.scatter [tilespmem:s20], [sflag:$0x7], $0x80, $0x38;
	[tilespmem:$0x1AE00] =	vst v63  }
0x15f: {  	s18 =	simm.s32 $0x129B8;
	s20 =	sadd.s32 $0x70, s15;
	s15 =	sadd.s32 $0x1000, s15  }
.LBB2_13:
0x160: {  	[hbm4b:s20+s3] =	stream.linear.scatter [tilespmem:s18], [sflag:$0x7], $0x80, $0x38;
	[tilespmem:$0x1AE00] =	vst v63  }
0x161: {  	s18 =	smov.u32 s11;
	s11 =	smov.u32 s16  }
0x162: {  	s22 =	sadd.s32 $0x1100, s16;
	s11 =	sshra.s32 s11, $0x2;
	s20 =	sadd.s32 $0x12600, s18  }
0x163: {  	[hbm4b:s15+s3] =	stream.linear.scatter [tilespmem:s20], [sflag:$0x7], $0x80, $0x38;
	[tilespmem:$0x1AE00] =	vst v63  }
0x164: {  	p2 =	sne.s32 s16, $0x7700;
	s16 =	sadd.s32 $0x12688, s18;
	s20 =	sadd.s32 $0x10, s15  }
0x165: {  	[hbm4b:s20+s3] =	stream.linear.scatter [tilespmem:s16], [sflag:$0x7], $0x80, $0x38;
	[tilespmem:$0x1AE00] =	vst v63  }
0x166: {  	s16 =	sadd.s32 $0x12710, s18;
	s20 =	sadd.s32 $0x20, s15  }
0x167: {  	[hbm4b:s20+s3] =	stream.linear.scatter [tilespmem:s16], [sflag:$0x7], $0x80, $0x38;
	[tilespmem:$0x1AE00] =	vst v63  }
0x168: {  	s16 =	sadd.s32 $0x12798, s18;
	s20 =	sadd.s32 $0x30, s15  }
0x169: {  	[hbm4b:s20+s3] =	stream.linear.scatter [tilespmem:s16], [sflag:$0x7], $0x80, $0x38;
	[tilespmem:$0x1AE00] =	vst v63  }
0x16a: {  	s16 =	sadd.s32 $0x12820, s18;
	s20 =	sadd.s32 $0x40, s15  }
0x16b: {  	[hbm4b:s20+s3] =	stream.linear.scatter [tilespmem:s16], [sflag:$0x7], $0x80, $0x38;
	[tilespmem:$0x1AE00] =	vst v63  }
.Ltmp8:
0x16c: {  	s16 =	sadd.s32 $0x128A8, s18;
	s20 =	sadd.s32 $0x50, s15;
	(pc) =	sbr.rel @p2 .LBB2_13-.Ltmp8, $4  }
0x16d: {  	[hbm4b:s20+s3] =	stream.linear.scatter [tilespmem:s16], [sflag:$0x7], $0x80, $0x38;
	[tilespmem:$0x1AE00] =	vst v63  }
0x16e: {  	s16 =	sadd.s32 $0x12930, s18;
	s20 =	sadd.s32 $0x60, s15;
	s18 =	sadd.s32 $0x129B8, s18  }
0x16f: {  	[hbm4b:s20+s3] =	stream.linear.scatter [tilespmem:s16], [sflag:$0x7], $0x80, $0x38;
	[tilespmem:$0x1AE00] =	vst v63  }
0x170: {  	s20 =	sadd.s32 $0x70, s15;
	s15 =	sadd.s32 $0x1000, s15;
	s16 =	smov.u32 s22  }
0x171: {  	[hbm4b:s20+s3] =	stream.linear.scatter [tilespmem:s18], [sflag:$0x7], $0x80, $0x38;
	[tilespmem:$0x1AE00] =	vst v63  }
0x172: {  	s16 =	sadd.s32 $0x12600, s11  }
0x173: {  	[hbm4b:s15+s3] =	stream.linear.scatter [tilespmem:s16], [sflag:$0x7], $0x80, $0x38;
	[tilespmem:$0x1AE00] =	vst v63  }
0x174: {  	s20 =	sadd.s32 $0x12688, s11;
	s22 =	sadd.s32 $0x10, s15  }
0x175: {  	[hbm4b:s22+s3] =	stream.linear.scatter [tilespmem:s20], [sflag:$0x7], $0x80, $0x38;
	[tilespmem:$0x1AE00] =	vst v63  }
0x176: {  	s20 =	sadd.s32 $0x12710, s11;
	s22 =	sadd.s32 $0x20, s15  }
0x177: {  	[hbm4b:s22+s3] =	stream.linear.scatter [tilespmem:s20], [sflag:$0x7], $0x80, $0x38;
	[tilespmem:$0x1AE00] =	vst v63  }
0x178: {  	s20 =	sadd.s32 $0x12798, s11;
	s22 =	sadd.s32 $0x30, s15  }
0x179: {  	[hbm4b:s22+s3] =	stream.linear.scatter [tilespmem:s20], [sflag:$0x7], $0x80, $0x38;
	[tilespmem:$0x1AE00] =	vst v63  }
0x17a: {  	s20 =	sadd.s32 $0x12820, s11;
	s22 =	sadd.s32 $0x40, s15  }
0x17b: {  	[hbm4b:s22+s3] =	stream.linear.scatter [tilespmem:s20], [sflag:$0x7], $0x80, $0x38;
	[tilespmem:$0x1AE00] =	vst v63  }
0x17c: {  	s20 =	sadd.s32 $0x128A8, s11;
	s22 =	sadd.s32 $0x50, s15  }
0x17d: {  	[hbm4b:s22+s3] =	stream.linear.scatter [tilespmem:s20], [sflag:$0x7], $0x80, $0x38;
	[tilespmem:$0x1AE00] =	vst v63  }
.Ltmp9:
0x17e: {  	_ = 	snop;
	(pc) =	sbr.rel @p1 .LBB2_16-.Ltmp9, $4  }
0x17f: {  	s20 =	sadd.s32 $0x12930, s11;
	s22 =	sadd.s32 $0x60, s15  }
0x180: {  	[hbm4b:s22+s3] =	stream.linear.scatter [tilespmem:s20], [sflag:$0x7], $0x80, $0x38;
	[tilespmem:$0x1AE00] =	vst v63  }
0x181: {  	s20 =	sadd.s32 $0x129B8, s11;
	s22 =	sadd.s32 $0x70, s15  }
0x182: {  	[hbm4b:s22+s3] =	stream.linear.scatter [tilespmem:s20], [sflag:$0x7], $0x80, $0x38;
	[tilespmem:$0x1AE00] =	vst v63  }
.Ltmp10:
0x183: {  	(pc) =	sbr.rel .LBB2_17-.Ltmp10, $4  }
0x184: {  	_ = 	snop  }
0x185: {  	_ =	swait.ge [sflag:s29], $0x2000  }
0x186: {  	[sflag:s29] =	ssyncset.done $0x0  }
0x187: {  	[sflag:s29] =	ssyncadd.s32 $0xFFFFE000  }
.LBB2_16:
0x188: {  	s11 =	smul.u32 $0xA00, s14;
	_ =	sdelay $0x1  }
0x189: {  	s11 =	sshra.s32 s11, $0x2  }
.Ltmp11:
0x18a: {  	s15 =	simm.s32 $0x8400;
	s11 =	sadd.s32 $0x300, s11;
	(pc) =	sbr.rel @p0 .LBB2_18-.Ltmp11, $4  }
0x18b: {  	[tilespmem:s15], [sflag:$0x2] =	stream.indirect.gather [hbm4b:s4+s12], $0x40, s11, s12, $0xb8;
	[tilespmem:$0x1AE00] =	vst v63  }
0x18c: {  	_ =	swait.ge [sflag:s29], $0x2000  }
0x18d: {  	[sflag:s29] =	ssyncset.done $0x0  }
0x18e: {  	[sflag:s29] =	ssyncadd.s32 $0xFFFFE000  }
.LBB2_17:
0x18f: {  	_ =	swait.ge [sflag:s30], $0x2000  }
0x190: {  	[sflag:s30] =	ssyncset.done $0x0  }
0x191: {  	[sflag:s30] =	ssyncadd.s32 $0xFFFFE000  }
.LBB2_18:
0x192: {  	s11 =	simm.s32 $0x0;
	s16 =	simm.s32 $0x1;
	s15 =	simm.s32 $0x2  }
0x193: {  	s18 =	simm.s32 $0x3;
	s20 =	simm.s32 $0x4;
	s22 =	simm.s32 $0x5;
	v33 =	vmov s11;
	v34 =	vmov s16;
	v35 =	vmov s15  }
0x194: {  	s16 =	simm.s32 $0x7;
	v36 =	vmov s18;
	v37 =	vmov s20;
	v39 =	vmov s22;
	s15 =	simm.s32 $0x6  }
0x195: {  	v33 =	vshrl.u32 v33, $0x3;
	v38 =	vmov s16;
	v40 =	vmov s15  }
0x196: {  	v34 =	vshrl.u32 v34, $0x3;
	v35 =	vshrl.u32 v35, $0x3;
	v36 =	vshrl.u32 v36, $0x3  }
0x197: {  	v37 =	vshrl.u32 v37, $0x3;
	v55 =	vshrl.u32 v39, $0x3;
	v33 =	vshll.u32 v33, v1  }
0x198: {  	v38 =	vshrl.u32 v38, $0x3;
	v34 =	vshll.u32 v34, v1;
	v33 =	vbroadcast v33, $0x0  }
0x199: {  	s11 =	simm.s32 $0xA5F0;
	v52 =	vshll.u32 v35, v1;
	v38 =	vshll.u32 v38, v1;
	v45 =	vbroadcast v34, $0x0  }
0x19a: {  	v43 =	vld [tilespmem:s11+$0xFFFFFE10];
	v53 =	vshll.u32 v36, v1;
	v38 =	vbroadcast v38, $0x0;
	v44 =	vadd.s32 v0, v33  }
0x19b: {  	v46 =	vld [tilespmem:s11+$0xFFFFFE50];
	v54 =	vshll.u32 v37, v1;
	v52 =	vbroadcast v52, $0x0;
	v47 =	vadd.s32 v5, v45  }
0x19c: {  	v41 =	vld [tilespmem:s11+$0xFFFFFFD0];
	v36 =	vshll.u32 v55, v1;
	v35 =	vbroadcast v53, $0x0;
	v42 =	vadd.s32 v29, v38  }
0x19d: {  	v48 =	vld [tilespmem:s11+$0xFFFFFE90];
	v40 =	vshrl.u32 v40, $0x3;
	v34 =	vbroadcast v54, $0x0;
	v49 =	vadd.s32 v9, v52  }
0x19e: {  	v39 =	vld [tilespmem:s11+$0xFFFFFED0];
	v37 =	vbroadcast v36, $0x0;
	v56 =	vshll.u32 v40, v1;
	v50 =	vadd.s32 v13, v35  }
0x19f: {  	v51 =	vld [tilespmem:s11+$0xFFFFFF10];
	v36 =	vbroadcast v56, $0x0;
	v53 =	vadd.s32 v17, v34;
	[tilespmem:v44+s31+$0x0] =	vst.idx.msk $0xffff, v43  }
0x1a0: {  	v59 =	vld [tilespmem:s11+$0xFFFFFF50];
	v60 =	vadd.s32 v21, v37;
	[tilespmem:v47+s31+$0x0] =	vst.idx.msk $0xffff, v46  }
0x1a1: {  	v61 =	vld [tilespmem:s11+$0xFFFFFF90];
	v62 =	vadd.s32 v25, v36;
	[tilespmem:v42+s31+$0x0] =	vst.idx.msk $0xffff, v41  }
0x1a2: {  	v58 =	vadd.s32 v30, v38;
	[tilespmem:v49+s31+$0x0] =	vst.idx.msk $0xffff, v48;
	v57 =	vld [tilespmem:s11+$0xFFFFFFE0]  }
0x1a3: {  	v63 =	vadd.s32 v6, v45;
	[tilespmem:v50+s31+$0x0] =	vst.idx.msk $0xffff, v39;
	v47 =	vld [tilespmem:s11+$0xFFFFFE60]  }
0x1a4: {  	v55 =	vadd.s32 v10, v52;
	[tilespmem:v53+s31+$0x0] =	vst.idx.msk $0xffff, v51;
	v54 =	vld [tilespmem:s11+$0xFFFFFEA0]  }
0x1a5: {  	v56 =	vadd.s32 v14, v35;
	[tilespmem:v60+s31+$0x0] =	vst.idx.msk $0xffff, v59;
	v50 =	vld [tilespmem:s11+$0xFFFFFEE0]  }
0x1a6: {  	v46 =	vadd.s32 v22, v37;
	[tilespmem:v62+s31+$0x0] =	vst.idx.msk $0xffff, v61;
	v44 =	vld [tilespmem:s11+$0xFFFFFF60]  }
0x1a7: {  	v59 =	vadd.s32 v18, v34;
	[tilespmem:v58+s31+$0x0] =	vst.idx.msk $0xffff, v57;
	v58 =	vld [tilespmem:s11+$0xFFFFFF20]  }
0x1a8: {  	[tilespmem:v63+s31+$0x0] =	vst.idx.msk $0xffff, v47;
	v57 =	vadd.s32 v31, v38;
	v40 =	vld [tilespmem:s11+$0xFFFFFFF0]  }
0x1a9: {  	v61 =	vld [tilespmem:s11+$0xFFFFFE20];
	v62 =	vadd.s32 v2, v33;
	[tilespmem:v55+s31+$0x0] =	vst.idx.msk $0xffff, v54  }
0x1aa: {  	v60 =	vadd.s32 v26, v36;
	v63 =	vld [tilespmem:s11+$0xFFFFFFA0];
	[tilespmem:v56+s31+$0x0] =	vst.idx.msk $0xffff, v50  }
0x1ab: {  	v51 =	vadd.s32 v7, v45;
	[tilespmem:v46+s31+$0x0] =	vst.idx.msk $0xffff, v44;
	v50 =	vld [tilespmem:s11+$0xFFFFFE70]  }
0x1ac: {  	v56 =	vadd.s32 v11, v52;
	v55 =	vld [tilespmem:s11+$0xFFFFFEB0];
	[tilespmem:v59+s31+$0x0] =	vst.idx.msk $0xffff, v58  }
0x1ad: {  	v58 =	vadd.s32 v15, v35;
	[tilespmem:v57+s31+$0x0] =	vst.idx.msk $0xffff, v40;
	v57 =	vld [tilespmem:s11+$0xFFFFFEF0]  }
0x1ae: {  	[tilespmem:v62+s31+$0x0] =	vst.idx.msk $0xffff, v61;
	v38 =	vadd.s32 v32, v38;
	v54 =	vld [tilespmem:s11+$0x0]  }
0x1af: {  	s18 =	simm.s32 $0x9;
	[tilespmem:v60+s31+$0x0] =	vst.idx.msk $0xffff, v63;
	v60 =	vadd.s32 v19, v34;
	v59 =	vld [tilespmem:s11+$0xFFFFFF30]  }
0x1b0: {  	s22 =	simm.s32 $0xB;
	v53 =	vmov s18;
	v41 =	vadd.s32 v23, v37;
	[tilespmem:v51+s31+$0x0] =	vst.idx.msk $0xffff, v50;
	v40 =	vld [tilespmem:s11+$0xFFFFFF70]  }
0x1b1: {  	s16 =	simm.s32 $0x8;
	v43 =	vadd.s32 v27, v36;
	s18 =	simm.s32 $0xC;
	v48 =	vadd.s32 v3, v33;
	v44 =	vmov s22;
	v42 =	vld [tilespmem:s11+$0xFFFFFFB0];
	[tilespmem:v56+s31+$0x0] =	vst.idx.msk $0xffff, v55  }
0x1b2: {  	s20 =	simm.s32 $0xA;
	v47 =	vmov s18;
	v52 =	vadd.s32 v12, v52;
	v46 =	vld [tilespmem:s11+$0xFFFFFE30];
	v63 =	vmov s16;
	[tilespmem:v58+s31+$0x0] =	vst.idx.msk $0xffff, v57  }
0x1b3: {  	s22 =	simm.s32 $0xE;
	v39 =	vshrl.u32 v63, $0x3;
	v51 =	vadd.s32 v8, v45;
	v49 =	vld [tilespmem:s11+$0xFFFFFE80];
	[tilespmem:v38+s31+$0x0] =	vst.idx.msk $0xffff, v54;
	v54 =	vmov s20;
	s20 =	simm.s32 $0xD  }
0x1b4: {  	s15 =	simm.s32 $0x10;
	s16 =	simm.s32 $0xF;
	v45 =	vshll.u32 v39, v1;
	v39 =	vmov s22;
	v50 =	vld [tilespmem:s11+$0xFFFFFEC0];
	[tilespmem:v60+s31+$0x0] =	vst.idx.msk $0xffff, v59;
	v38 =	vmov s20  }
.LBB2_19:
0x1b5: {  	p2 =	slt.u32 s15, $0x78;
	v53 =	vshrl.u32 v53, $0x3;
	v55 =	vmov s16;
	v56 =	vld [tilespmem:s11+$0xFFFFFF00];
	v35 =	vadd.s32 v16, v35;
	[tilespmem:v41+s31+$0x0] =	vst.idx.msk $0xffff, v40  }
0x1b6: {  	v40 =	vshrl.u32 v54, $0x3;
	v34 =	vadd.s32 v20, v34;
	v41 =	vshrl.u32 v55, $0x3;
	v54 =	vld [tilespmem:s11+$0xFFFFFF40];
	[tilespmem:v43+s31+$0x0] =	vst.idx.msk $0xffff, v42  }
0x1b7: {  	v37 =	vadd.s32 v24, v37;
	v42 =	vshrl.u32 v44, $0x3;
	v41 =	vshll.u32 v41, v1;
	[tilespmem:v48+s31+$0x0] =	vst.idx.msk $0xffff, v46;
	v43 =	vld [tilespmem:s11+$0xFFFFFF80]  }
0x1b8: {  	v36 =	vadd.s32 v28, v36;
	v44 =	vshrl.u32 v47, $0x3;
	v41 =	vbroadcast v41, $0x0;
	[tilespmem:v51+s31+$0x0] =	vst.idx.msk $0xffff, v49;
	v46 =	vld [tilespmem:s11+$0xFFFFFFC0]  }
0x1b9: {  	v47 =	vshll.u32 v53, v1;
	v49 =	vadd.s32 v4, v33;
	v33 =	vbroadcast v45, $0x0;
	v48 =	vld [tilespmem:s11+$0xFFFFFE40];
	[tilespmem:v52+s31+$0x0] =	vst.idx.msk $0xffff, v50;
	s11 =	sadd.s32 $0x200, s11  }
0x1ba: {  	v40 =	vshll.u32 v40, v1;
	v45 =	vbroadcast v47, $0x0;
	v47 =	vld [tilespmem:s11+$0xFFFFFFD0];
	v50 =	vadd.s32 v29, v41;
	[tilespmem:v35+s31+$0x0] =	vst.idx.msk $0xffff, v56  }
0x1bb: {  	v55 =	vbroadcast v40, $0x0;
	v52 =	vadd.s32 v0, v33;
	v35 =	vshll.u32 v42, v1;
	v51 =	vld [tilespmem:s11+$0xFFFFFE10];
	[tilespmem:v34+s31+$0x0] =	vst.idx.msk $0xffff, v54  }
0x1bc: {  	v42 =	vadd.s32 v5, v45;
	v35 =	vbroadcast v35, $0x0;
	v34 =	vshll.u32 v44, v1;
	v40 =	vld [tilespmem:s11+$0xFFFFFE50];
	[tilespmem:v37+s31+$0x0] =	vst.idx.msk $0xffff, v43  }
0x1bd: {  	v44 =	vadd.s32 v9, v55;
	v34 =	vbroadcast v34, $0x0;
	v37 =	vshrl.u32 v38, $0x3;
	v43 =	vld [tilespmem:s11+$0xFFFFFE90];
	[tilespmem:v36+s31+$0x0] =	vst.idx.msk $0xffff, v46  }
0x1be: {  	v39 =	vshrl.u32 v39, $0x3;
	v46 =	vadd.s32 v13, v35;
	v36 =	vshll.u32 v37, v1;
	v38 =	vld [tilespmem:s11+$0xFFFFFED0];
	[tilespmem:v49+s31+$0x0] =	vst.idx.msk $0xffff, v48  }
0x1bf: {  	v49 =	vadd.s32 v17, v34;
	v37 =	vbroadcast v36, $0x0;
	v36 =	vshll.u32 v39, v1;
	v48 =	vld [tilespmem:s11+$0xFFFFFF10];
	[tilespmem:v50+s31+$0x0] =	vst.idx.msk $0xffff, v47  }
0x1c0: {  	v36 =	vbroadcast v36, $0x0;
	v47 =	vadd.s32 v30, v41;
	[tilespmem:v52+s31+$0x0] =	vst.idx.msk $0xffff, v51;
	v39 =	vld [tilespmem:s11+$0xFFFFFFE0]  }
0x1c1: {  	[tilespmem:v42+s31+$0x0] =	vst.idx.msk $0xffff, v40;
	v40 =	vld [tilespmem:s11+$0xFFFFFF50];
	v42 =	vadd.s32 v21, v37  }
0x1c2: {  	[tilespmem:v44+s31+$0x0] =	vst.idx.msk $0xffff, v43;
	v43 =	vld [tilespmem:s11+$0xFFFFFF90];
	v44 =	vadd.s32 v25, v36  }
0x1c3: {  	v51 =	vadd.s32 v6, v45;
	v50 =	vld [tilespmem:s11+$0xFFFFFE60];
	[tilespmem:v46+s31+$0x0] =	vst.idx.msk $0xffff, v38  }
0x1c4: {  	v46 =	vadd.s32 v10, v55;
	v38 =	vld [tilespmem:s11+$0xFFFFFEA0];
	[tilespmem:v49+s31+$0x0] =	vst.idx.msk $0xffff, v48  }
0x1c5: {  	v49 =	vadd.s32 v14, v35;
	v48 =	vld [tilespmem:s11+$0xFFFFFEE0];
	[tilespmem:v47+s31+$0x0] =	vst.idx.msk $0xffff, v39  }
0x1c6: {  	[tilespmem:v42+s31+$0x0] =	vst.idx.msk $0xffff, v40;
	v39 =	vld [tilespmem:s11+$0xFFFFFFF0];
	v40 =	vadd.s32 v31, v41  }
0x1c7: {  	v47 =	vadd.s32 v18, v34;
	v42 =	vld [tilespmem:s11+$0xFFFFFF20];
	[tilespmem:v44+s31+$0x0] =	vst.idx.msk $0xffff, v43  }
0x1c8: {  	v44 =	vadd.s32 v22, v37;
	[tilespmem:v51+s31+$0x0] =	vst.idx.msk $0xffff, v50;
	v43 =	vld [tilespmem:s11+$0xFFFFFF60]  }
0x1c9: {  	[tilespmem:v46+s31+$0x0] =	vst.idx.msk $0xffff, v38;
	v38 =	vld [tilespmem:s11+$0xFFFFFFA0];
	v46 =	vadd.s32 v26, v36  }
0x1ca: {  	v51 =	vadd.s32 v2, v33;
	v50 =	vld [tilespmem:s11+$0xFFFFFE20];
	[tilespmem:v49+s31+$0x0] =	vst.idx.msk $0xffff, v48  }
0x1cb: {  	v49 =	vadd.s32 v7, v45;
	v48 =	vld [tilespmem:s11+$0xFFFFFE70];
	[tilespmem:v40+s31+$0x0] =	vst.idx.msk $0xffff, v39  }
0x1cc: {  	[tilespmem:v47+s31+$0x0] =	vst.idx.msk $0xffff, v42;
	v39 =	vld [tilespmem:s11+$0x0];
	v47 =	vadd.s32 v32, v41  }
0x1cd: {  	v56 =	vadd.s32 v11, v55;
	v52 =	vld [tilespmem:s11+$0xFFFFFEB0];
	[tilespmem:v44+s31+$0x0] =	vst.idx.msk $0xffff, v43  }
0x1ce: {  	v58 =	vadd.s32 v15, v35;
	v57 =	vld [tilespmem:s11+$0xFFFFFEF0];
	[tilespmem:v46+s31+$0x0] =	vst.idx.msk $0xffff, v38  }
0x1cf: {  	v60 =	vadd.s32 v19, v34;
	[tilespmem:v51+s31+$0x0] =	vst.idx.msk $0xffff, v50;
	v59 =	vld [tilespmem:s11+$0xFFFFFF30]  }
.Ltmp12:
0x1d0: {  	s16 =	sadd.s32 $0x1, s15;
	v41 =	vadd.s32 v23, v37;
	v38 =	vmov s15;
	[tilespmem:v49+s31+$0x0] =	vst.idx.msk $0xffff, v48;
	v40 =	vld [tilespmem:s11+$0xFFFFFF70];
	(pc) =	sbr.rel @p2 .LBB2_19-.Ltmp12, $4  }
0x1d1: {  	s18 =	sadd.s32 $0x3, s15;
	v53 =	vmov s16;
	s16 =	sadd.s32 $0x2, s15;
	v43 =	vadd.s32 v27, v36;
	v50 =	vshrl.u32 v38, $0x3;
	v42 =	vld [tilespmem:s11+$0xFFFFFFB0];
	[tilespmem:v47+s31+$0x0] =	vst.idx.msk $0xffff, v39  }
0x1d2: {  	v54 =	vmov s16;
	s16 =	sadd.s32 $0x4, s15;
	v44 =	vmov s18;
	s18 =	sadd.s32 $0x5, s15;
	v48 =	vadd.s32 v3, v33;
	v46 =	vld [tilespmem:s11+$0xFFFFFE30];
	[tilespmem:v56+s31+$0x0] =	vst.idx.msk $0xffff, v52  }
0x1d3: {  	v38 =	vmov s18;
	v51 =	vadd.s32 v8, v45;
	v47 =	vmov s16;
	s16 =	sadd.s32 $0x6, s15;
	v49 =	vld [tilespmem:s11+$0xFFFFFE80];
	[tilespmem:v58+s31+$0x0] =	vst.idx.msk $0xffff, v57  }
0x1d4: {  	v45 =	vshll.u32 v50, v1;
	v39 =	vmov s16;
	s16 =	sadd.s32 $0x7, s15;
	s15 =	sadd.s32 $0x8, s15;
	v52 =	vadd.s32 v12, v55;
	v50 =	vld [tilespmem:s11+$0xFFFFFEC0];
	[tilespmem:v60+s31+$0x0] =	vst.idx.msk $0xffff, v59  }
0x1d5: {  	_ =	sdelay $0x2  }
0x1d6: {  	v53 =	vshrl.u32 v53, $0x3  }
0x1d7: {  	v55 =	vmov s16;
	v56 =	vld [tilespmem:s11+$0xFFFFFF00];
	v35 =	vadd.s32 v16, v35;
	[tilespmem:v41+s31+$0x0] =	vst.idx.msk $0xffff, v40;
	v57 =	vshrl.u32 v54, $0x3  }
0x1d8: {  	v59 =	vld [tilespmem:s11+$0xFFFFFF40];
	v34 =	vadd.s32 v20, v34;
	v60 =	vshrl.u32 v44, $0x3;
	v58 =	vshrl.u32 v55, $0x3;
	[tilespmem:v43+s31+$0x0] =	vst.idx.msk $0xffff, v42  }
0x1d9: {  	v37 =	vadd.s32 v24, v37;
	v62 =	vshrl.u32 v47, $0x3;
	v61 =	vld [tilespmem:s11+$0xFFFFFF80];
	v41 =	vshll.u32 v58, v1;
	[tilespmem:v48+s31+$0x0] =	vst.idx.msk $0xffff, v46  }
0x1da: {  	v36 =	vadd.s32 v28, v36;
	v45 =	vbroadcast v45, $0x0;
	v63 =	vld [tilespmem:s11+$0xFFFFFFC0];
	v41 =	vbroadcast v41, $0x0;
	[tilespmem:v51+s31+$0x0] =	vst.idx.msk $0xffff, v49  }
0x1db: {  	v33 =	vadd.s32 v4, v33;
	s18 =	sadd.s32 $0x200, s11;
	v38 =	vshrl.u32 v38, $0x3;
	v55 =	vshll.u32 v53, v1;
	v48 =	vld [tilespmem:s11+$0xFFFFFE40];
	[tilespmem:v52+s31+$0x0] =	vst.idx.msk $0xffff, v50  }
0x1dc: {  	v40 =	vshll.u32 v57, v1;
	v47 =	vbroadcast v55, $0x0;
	v49 =	vld [tilespmem:s18+$0xFFFFFFD0];
	v50 =	vadd.s32 v29, v41;
	[tilespmem:v35+s31+$0x0] =	vst.idx.msk $0xffff, v56  }
0x1dd: {  	v42 =	vshll.u32 v60, v1;
	v40 =	vbroadcast v40, $0x0;
	v35 =	vld [tilespmem:s18+$0xFFFFFE10];
	v56 =	vadd.s32 v0, v45;
	[tilespmem:v34+s31+$0x0] =	vst.idx.msk $0xffff, v59  }
0x1de: {  	v57 =	vld [tilespmem:s18+$0xFFFFFE50];
	v44 =	vshll.u32 v62, v1;
	v42 =	vbroadcast v42, $0x0;
	v58 =	vadd.s32 v5, v47;
	[tilespmem:v37+s31+$0x0] =	vst.idx.msk $0xffff, v61  }
0x1df: {  	v38 =	vshll.u32 v38, v1;
	v44 =	vbroadcast v44, $0x0;
	v60 =	vadd.s32 v9, v40;
	v59 =	vld [tilespmem:s18+$0xFFFFFE90];
	[tilespmem:v36+s31+$0x0] =	vst.idx.msk $0xffff, v63  }
0x1e0: {  	v38 =	vbroadcast v38, $0x0;
	v62 =	vadd.s32 v13, v42;
	v61 =	vld [tilespmem:s18+$0xFFFFFED0];
	[tilespmem:v33+s31+$0x0] =	vst.idx.msk $0xffff, v48  }
0x1e1: {  	v39 =	vshrl.u32 v39, $0x3;
	v63 =	vadd.s32 v17, v44;
	v33 =	vld [tilespmem:s18+$0xFFFFFF10];
	[tilespmem:v50+s31+$0x0] =	vst.idx.msk $0xffff, v49  }
0x1e2: {  	v39 =	vshll.u32 v39, v1;
	v34 =	vld [tilespmem:s18+$0xFFFFFF50];
	[tilespmem:v56+s31+$0x0] =	vst.idx.msk $0xffff, v35;
	v56 =	vadd.s32 v21, v38  }
0x1e3: {  	[tilespmem:v58+s31+$0x0] =	vst.idx.msk $0xffff, v57;
	v35 =	vbroadcast v39, $0x0;
	v49 =	vadd.s32 v30, v41;
	v39 =	vld [tilespmem:s18+$0xFFFFFFE0]  }
0x1e4: {  	[tilespmem:v60+s31+$0x0] =	vst.idx.msk $0xffff, v59;
	v59 =	vld [tilespmem:s18+$0xFFFFFE60];
	v60 =	vadd.s32 v6, v47  }
0x1e5: {  	v57 =	vld [tilespmem:s18+$0xFFFFFF90];
	[tilespmem:v62+s31+$0x0] =	vst.idx.msk $0xffff, v61;
	v58 =	vadd.s32 v25, v35  }
0x1e6: {  	v61 =	vld [tilespmem:s18+$0xFFFFFEA0];
	v62 =	vadd.s32 v10, v40;
	[tilespmem:v63+s31+$0x0] =	vst.idx.msk $0xffff, v33  }
0x1e7: {  	v33 =	vld [tilespmem:s18+$0xFFFFFEE0];
	v63 =	vadd.s32 v14, v42;
	[tilespmem:v56+s31+$0x0] =	vst.idx.msk $0xffff, v34  }
0x1e8: {  	v56 =	vadd.s32 v18, v44;
	[tilespmem:v49+s31+$0x0] =	vst.idx.msk $0xffff, v39;
	v49 =	vld [tilespmem:s18+$0xFFFFFF20]  }
0x1e9: {  	[tilespmem:v60+s31+$0x0] =	vst.idx.msk $0xffff, v59;
	v39 =	vadd.s32 v31, v41;
	v34 =	vld [tilespmem:s18+$0xFFFFFFF0]  }
0x1ea: {  	[tilespmem:v58+s31+$0x0] =	vst.idx.msk $0xffff, v57;
	v57 =	vld [tilespmem:s18+$0xFFFFFF60];
	v58 =	vadd.s32 v22, v38  }
0x1eb: {  	[tilespmem:v62+s31+$0x0] =	vst.idx.msk $0xffff, v61;
	v61 =	vld [tilespmem:s18+$0xFFFFFE20];
	v62 =	vadd.s32 v2, v45  }
0x1ec: {  	v60 =	vadd.s32 v26, v35;
	v59 =	vld [tilespmem:s18+$0xFFFFFFA0];
	[tilespmem:v63+s31+$0x0] =	vst.idx.msk $0xffff, v33  }
0x1ed: {  	v55 =	vadd.s32 v11, v40;
	v54 =	vadd.s32 v32, v41;
	v41 =	vld [tilespmem:s18+$0xFFFFFEB0];
	[tilespmem:v56+s31+$0x0] =	vst.idx.msk $0xffff, v49  }
0x1ee: {  	v53 =	vadd.s32 v7, v47;
	v63 =	vld [tilespmem:s18+$0xFFFFFE70];
	[tilespmem:v39+s31+$0x0] =	vst.idx.msk $0xffff, v34  }
0x1ef: {  	v56 =	vld [tilespmem:s18+$0xFFFFFEF0];
	[tilespmem:v58+s31+$0x0] =	vst.idx.msk $0xffff, v57;
	v57 =	vadd.s32 v15, v42  }
0x1f0: {  	[tilespmem:v62+s31+$0x0] =	vst.idx.msk $0xffff, v61;
	v34 =	vld [tilespmem:s18+$0x0]  }
0x1f1: {  	v58 =	vld [tilespmem:s18+$0xFFFFFF30];
	[tilespmem:v60+s31+$0x0] =	vst.idx.msk $0xffff, v59;
	v59 =	vadd.s32 v19, v44  }
0x1f2: {  	v61 =	vadd.s32 v23, v38;
	[tilespmem:v55+s31+$0x0] =	vst.idx.msk $0xffff, v41;
	v60 =	vld [tilespmem:s18+$0xFFFFFF70]  }
0x1f3: {  	[tilespmem:v53+s31+$0x0] =	vst.idx.msk $0xffff, v63;
	v63 =	vadd.s32 v27, v35;
	v62 =	vld [tilespmem:s18+$0xFFFFFFB0]  }
0x1f4: {  	v47 =	vadd.s32 v8, v47;
	v55 =	vld [tilespmem:s18+$0xFFFFFE80];
	[tilespmem:v57+s31+$0x0] =	vst.idx.msk $0xffff, v56  }
0x1f5: {  	v53 =	vld [tilespmem:s18+$0xFFFFFE30];
	[tilespmem:v54+s31+$0x0] =	vst.idx.msk $0xffff, v34;
	v54 =	vadd.s32 v3, v45  }
0x1f6: {  	v40 =	vadd.s32 v12, v40;
	v56 =	vld [tilespmem:s18+$0xFFFFFEC0];
	[tilespmem:v59+s31+$0x0] =	vst.idx.msk $0xffff, v58  }
0x1f7: {  	v42 =	vadd.s32 v16, v42;
	v57 =	vld [tilespmem:s18+$0xFFFFFF00];
	[tilespmem:v61+s31+$0x0] =	vst.idx.msk $0xffff, v60  }
0x1f8: {  	v59 =	vadd.s32 v20, v44;
	v58 =	vld [tilespmem:s18+$0xFFFFFF40];
	[tilespmem:v63+s31+$0x0] =	vst.idx.msk $0xffff, v62  }
0x1f9: {  	v38 =	vadd.s32 v24, v38;
	v60 =	vld [tilespmem:s18+$0xFFFFFF80];
	[tilespmem:v47+s31+$0x0] =	vst.idx.msk $0xffff, v55  }
0x1fa: {  	v35 =	vadd.s32 v28, v35;
	v61 =	vld [tilespmem:s18+$0xFFFFFFC0];
	[tilespmem:v54+s31+$0x0] =	vst.idx.msk $0xffff, v53  }
0x1fb: {  	v63 =	vadd.s32 v4, v45;
	[tilespmem:v40+s31+$0x0] =	vst.idx.msk $0xffff, v56;
	v62 =	vld [tilespmem:s18+$0xFFFFFE40]  }
0x1fc: {  	[tilespmem:v42+s31+$0x0] =	vst.idx.msk $0xffff, v57  }
0x1fd: {  	[tilespmem:v59+s31+$0x0] =	vst.idx.msk $0xffff, v58  }
0x1fe: {  	s20 =	sadd.s32 s8, s6;
	[tilespmem:v38+s31+$0x0] =	vst.idx.msk $0xffff, v60  }
0x1ff: {  	s11 =	sshrl.u32 s20, $0x3;
	[tilespmem:v35+s31+$0x0] =	vst.idx.msk $0xffff, v61  }
0x200: {  	s22 =	simm.s32 $0x14800;
	s15 =	sadd.s32 s2, s11;
	[tilespmem:v63+s31+$0x0] =	vst.idx.msk $0xffff, v62  }
0x201: {  	[hbm4b:s15+s3] =	stream.linear.scatter [tilespmem:s22], [sflag:$0x8], $0x80, $0x38;
	[tilespmem:$0x1AE00] =	vst v63  }
0x202: {  	s16 =	simm.s32 $0x14888;
	s18 =	sadd.s32 $0x10, s15  }
0x203: {  	[hbm4b:s18+s3] =	stream.linear.scatter [tilespmem:s16], [sflag:$0x8], $0x80, $0x38;
	[tilespmem:$0x1AE00] =	vst v63  }
0x204: {  	s20 =	simm.s32 $0x14910;
	s22 =	sadd.s32 $0x20, s15  }
0x205: {  	[hbm4b:s22+s3] =	stream.linear.scatter [tilespmem:s20], [sflag:$0x8], $0x80, $0x38;
	[tilespmem:$0x1AE00] =	vst v63  }
0x206: {  	s16 =	simm.s32 $0x14998;
	s18 =	sadd.s32 $0x30, s15  }
0x207: {  	[hbm4b:s18+s3] =	stream.linear.scatter [tilespmem:s16], [sflag:$0x8], $0x80, $0x38;
	[tilespmem:$0x1AE00] =	vst v63  }
0x208: {  	s20 =	simm.s32 $0x14A20;
	s22 =	sadd.s32 $0x40, s15  }
0x209: {  	[hbm4b:s22+s3] =	stream.linear.scatter [tilespmem:s20], [sflag:$0x8], $0x80, $0x38;
	[tilespmem:$0x1AE00] =	vst v63  }
0x20a: {  	s11 =	simm.s32 $0x440;
	s16 =	simm.s32 $0x14AA8;
	s18 =	sadd.s32 $0x50, s15  }
0x20b: {  	[hbm4b:s18+s3] =	stream.linear.scatter [tilespmem:s16], [sflag:$0x8], $0x80, $0x38;
	[tilespmem:$0x1AE00] =	vst v63  }
0x20c: {  	s20 =	simm.s32 $0x14B30;
	s22 =	sadd.s32 $0x60, s15;
	s16 =	simm.s32 $0x2200  }
0x20d: {  	[hbm4b:s22+s3] =	stream.linear.scatter [tilespmem:s20], [sflag:$0x8], $0x80, $0x38;
	[tilespmem:$0x1AE00] =	vst v63  }
0x20e: {  	s18 =	simm.s32 $0x14BB8;
	s20 =	sadd.s32 $0x70, s15;
	s15 =	sadd.s32 $0x1000, s15  }
.LBB2_21:
0x20f: {  	[hbm4b:s20+s3] =	stream.linear.scatter [tilespmem:s18], [sflag:$0x8], $0x80, $0x38;
	[tilespmem:$0x1AE00] =	vst v63  }
0x210: {  	s18 =	smov.u32 s11;
	s11 =	smov.u32 s16  }
0x211: {  	s22 =	sadd.s32 $0x1100, s16;
	s11 =	sshra.s32 s11, $0x2;
	s20 =	sadd.s32 $0x14800, s18  }
0x212: {  	[hbm4b:s15+s3] =	stream.linear.scatter [tilespmem:s20], [sflag:$0x8], $0x80, $0x38;
	[tilespmem:$0x1AE00] =	vst v63  }
0x213: {  	p2 =	sne.s32 s16, $0x7700;
	s16 =	sadd.s32 $0x14888, s18;
	s20 =	sadd.s32 $0x10, s15  }
0x214: {  	[hbm4b:s20+s3] =	stream.linear.scatter [tilespmem:s16], [sflag:$0x8], $0x80, $0x38;
	[tilespmem:$0x1AE00] =	vst v63  }
0x215: {  	s16 =	sadd.s32 $0x14910, s18;
	s20 =	sadd.s32 $0x20, s15  }
0x216: {  	[hbm4b:s20+s3] =	stream.linear.scatter [tilespmem:s16], [sflag:$0x8], $0x80, $0x38;
	[tilespmem:$0x1AE00] =	vst v63  }
0x217: {  	s16 =	sadd.s32 $0x14998, s18;
	s20 =	sadd.s32 $0x30, s15  }
0x218: {  	[hbm4b:s20+s3] =	stream.linear.scatter [tilespmem:s16], [sflag:$0x8], $0x80, $0x38;
	[tilespmem:$0x1AE00] =	vst v63  }
0x219: {  	s16 =	sadd.s32 $0x14A20, s18;
	s20 =	sadd.s32 $0x40, s15  }
0x21a: {  	[hbm4b:s20+s3] =	stream.linear.scatter [tilespmem:s16], [sflag:$0x8], $0x80, $0x38;
	[tilespmem:$0x1AE00] =	vst v63  }
.Ltmp13:
0x21b: {  	s16 =	sadd.s32 $0x14AA8, s18;
	s20 =	sadd.s32 $0x50, s15;
	(pc) =	sbr.rel @p2 .LBB2_21-.Ltmp13, $4  }
0x21c: {  	[hbm4b:s20+s3] =	stream.linear.scatter [tilespmem:s16], [sflag:$0x8], $0x80, $0x38;
	[tilespmem:$0x1AE00] =	vst v63  }
0x21d: {  	s16 =	sadd.s32 $0x14B30, s18;
	s20 =	sadd.s32 $0x60, s15;
	s18 =	sadd.s32 $0x14BB8, s18  }
0x21e: {  	[hbm4b:s20+s3] =	stream.linear.scatter [tilespmem:s16], [sflag:$0x8], $0x80, $0x38;
	[tilespmem:$0x1AE00] =	vst v63  }
0x21f: {  	s20 =	sadd.s32 $0x70, s15;
	s15 =	sadd.s32 $0x1000, s15;
	s16 =	smov.u32 s22  }
0x220: {  	[hbm4b:s20+s3] =	stream.linear.scatter [tilespmem:s18], [sflag:$0x8], $0x80, $0x38;
	[tilespmem:$0x1AE00] =	vst v63  }
0x221: {  	s16 =	sadd.s32 $0x14800, s11  }
0x222: {  	[hbm4b:s15+s3] =	stream.linear.scatter [tilespmem:s16], [sflag:$0x8], $0x80, $0x38;
	[tilespmem:$0x1AE00] =	vst v63  }
0x223: {  	s20 =	sadd.s32 $0x14888, s11;
	s22 =	sadd.s32 $0x10, s15  }
0x224: {  	[hbm4b:s22+s3] =	stream.linear.scatter [tilespmem:s20], [sflag:$0x8], $0x80, $0x38;
	[tilespmem:$0x1AE00] =	vst v63  }
0x225: {  	s20 =	sadd.s32 $0x14910, s11;
	s22 =	sadd.s32 $0x20, s15  }
0x226: {  	[hbm4b:s22+s3] =	stream.linear.scatter [tilespmem:s20], [sflag:$0x8], $0x80, $0x38;
	[tilespmem:$0x1AE00] =	vst v63  }
0x227: {  	s20 =	sadd.s32 $0x14998, s11;
	s22 =	sadd.s32 $0x30, s15  }
0x228: {  	[hbm4b:s22+s3] =	stream.linear.scatter [tilespmem:s20], [sflag:$0x8], $0x80, $0x38;
	[tilespmem:$0x1AE00] =	vst v63  }
0x229: {  	s20 =	sadd.s32 $0x14A20, s11;
	s22 =	sadd.s32 $0x40, s15  }
0x22a: {  	[hbm4b:s22+s3] =	stream.linear.scatter [tilespmem:s20], [sflag:$0x8], $0x80, $0x38;
	[tilespmem:$0x1AE00] =	vst v63  }
0x22b: {  	s20 =	sadd.s32 $0x14AA8, s11;
	s22 =	sadd.s32 $0x50, s15  }
0x22c: {  	[hbm4b:s22+s3] =	stream.linear.scatter [tilespmem:s20], [sflag:$0x8], $0x80, $0x38;
	[tilespmem:$0x1AE00] =	vst v63  }
.Ltmp14:
0x22d: {  	_ = 	snop;
	(pc) =	sbr.rel @p1 .LBB2_24-.Ltmp14, $4  }
0x22e: {  	s20 =	sadd.s32 $0x14B30, s11;
	s22 =	sadd.s32 $0x60, s15  }
0x22f: {  	[hbm4b:s22+s3] =	stream.linear.scatter [tilespmem:s20], [sflag:$0x8], $0x80, $0x38;
	[tilespmem:$0x1AE00] =	vst v63  }
0x230: {  	s20 =	sadd.s32 $0x14BB8, s11;
	s22 =	sadd.s32 $0x70, s15  }
0x231: {  	[hbm4b:s22+s3] =	stream.linear.scatter [tilespmem:s20], [sflag:$0x8], $0x80, $0x38;
	[tilespmem:$0x1AE00] =	vst v63  }
.Ltmp15:
0x232: {  	(pc) =	sbr.rel .LBB2_25-.Ltmp15, $4  }
0x233: {  	_ = 	snop  }
0x234: {  	_ =	swait.ge [sflag:s1], $0x2000  }
0x235: {  	[sflag:s1] =	ssyncset.done $0x0  }
0x236: {  	[sflag:s1] =	ssyncadd.s32 $0xFFFFE000  }
.LBB2_24:
0x237: {  	s11 =	smul.u32 $0xA00, s14;
	_ =	sdelay $0x1  }
0x238: {  	s11 =	sshra.s32 s11, $0x2  }
.Ltmp16:
0x239: {  	s15 =	simm.s32 $0xA400;
	s11 =	sadd.s32 $0x380, s11;
	(pc) =	sbr.rel @p0 .LBB2_26-.Ltmp16, $4  }
0x23a: {  	[tilespmem:s15], [sflag:$0x3] =	stream.indirect.gather [hbm4b:s4+s12], $0x40, s11, s12, $0xb8;
	[tilespmem:$0x1AE00] =	vst v63  }
0x23b: {  	_ =	swait.ge [sflag:s1], $0x2000  }
0x23c: {  	[sflag:s1] =	ssyncset.done $0x0  }
0x23d: {  	[sflag:s1] =	ssyncadd.s32 $0xFFFFE000  }
.LBB2_25:
0x23e: {  	_ =	swait.ge [sflag:s0], $0x2000  }
0x23f: {  	[sflag:s0] =	ssyncset.done $0x0  }
0x240: {  	[sflag:s0] =	ssyncadd.s32 $0xFFFFE000  }
.LBB2_26:
0x241: {  	s11 =	simm.s32 $0x0;
	s16 =	simm.s32 $0x1;
	s15 =	simm.s32 $0x2  }
0x242: {  	s18 =	simm.s32 $0x3;
	s20 =	simm.s32 $0x4;
	s22 =	simm.s32 $0x5;
	v33 =	vmov s11;
	v34 =	vmov s16;
	v35 =	vmov s15  }
0x243: {  	s16 =	simm.s32 $0x7;
	v36 =	vmov s18;
	v37 =	vmov s20;
	v39 =	vmov s22;
	s15 =	simm.s32 $0x6  }
0x244: {  	v33 =	vshrl.u32 v33, $0x3;
	v38 =	vmov s16;
	v40 =	vmov s15  }
0x245: {  	v34 =	vshrl.u32 v34, $0x3;
	v35 =	vshrl.u32 v35, $0x3;
	v36 =	vshrl.u32 v36, $0x3  }
0x246: {  	v37 =	vshrl.u32 v37, $0x3;
	v55 =	vshrl.u32 v39, $0x3;
	v33 =	vshll.u32 v33, v1  }
0x247: {  	v38 =	vshrl.u32 v38, $0x3;
	v34 =	vshll.u32 v34, v1;
	v33 =	vbroadcast v33, $0x0  }
0x248: {  	s11 =	simm.s32 $0xC5F0;
	v52 =	vshll.u32 v35, v1;
	v38 =	vshll.u32 v38, v1;
	v45 =	vbroadcast v34, $0x0  }
0x249: {  	v43 =	vld [tilespmem:s11+$0xFFFFFE10];
	v53 =	vshll.u32 v36, v1;
	v38 =	vbroadcast v38, $0x0;
	v44 =	vadd.s32 v0, v33  }
0x24a: {  	v46 =	vld [tilespmem:s11+$0xFFFFFE50];
	v54 =	vshll.u32 v37, v1;
	v52 =	vbroadcast v52, $0x0;
	v47 =	vadd.s32 v5, v45  }
0x24b: {  	v41 =	vld [tilespmem:s11+$0xFFFFFFD0];
	v36 =	vshll.u32 v55, v1;
	v35 =	vbroadcast v53, $0x0;
	v42 =	vadd.s32 v29, v38  }
0x24c: {  	v48 =	vld [tilespmem:s11+$0xFFFFFE90];
	v40 =	vshrl.u32 v40, $0x3;
	v34 =	vbroadcast v54, $0x0;
	v49 =	vadd.s32 v9, v52  }
0x24d: {  	v39 =	vld [tilespmem:s11+$0xFFFFFED0];
	v37 =	vbroadcast v36, $0x0;
	v56 =	vshll.u32 v40, v1;
	v50 =	vadd.s32 v13, v35  }
0x24e: {  	v51 =	vld [tilespmem:s11+$0xFFFFFF10];
	v36 =	vbroadcast v56, $0x0;
	v53 =	vadd.s32 v17, v34;
	[tilespmem:v44+s13+$0x0] =	vst.idx.msk $0xffff, v43  }
0x24f: {  	v59 =	vld [tilespmem:s11+$0xFFFFFF50];
	v60 =	vadd.s32 v21, v37;
	[tilespmem:v47+s13+$0x0] =	vst.idx.msk $0xffff, v46  }
0x250: {  	v61 =	vld [tilespmem:s11+$0xFFFFFF90];
	v62 =	vadd.s32 v25, v36;
	[tilespmem:v42+s13+$0x0] =	vst.idx.msk $0xffff, v41  }
0x251: {  	v58 =	vadd.s32 v30, v38;
	[tilespmem:v49+s13+$0x0] =	vst.idx.msk $0xffff, v48;
	v57 =	vld [tilespmem:s11+$0xFFFFFFE0]  }
0x252: {  	v63 =	vadd.s32 v6, v45;
	[tilespmem:v50+s13+$0x0] =	vst.idx.msk $0xffff, v39;
	v47 =	vld [tilespmem:s11+$0xFFFFFE60]  }
0x253: {  	v55 =	vadd.s32 v10, v52;
	[tilespmem:v53+s13+$0x0] =	vst.idx.msk $0xffff, v51;
	v54 =	vld [tilespmem:s11+$0xFFFFFEA0]  }
0x254: {  	v56 =	vadd.s32 v14, v35;
	[tilespmem:v60+s13+$0x0] =	vst.idx.msk $0xffff, v59;
	v50 =	vld [tilespmem:s11+$0xFFFFFEE0]  }
0x255: {  	v46 =	vadd.s32 v22, v37;
	[tilespmem:v62+s13+$0x0] =	vst.idx.msk $0xffff, v61;
	v44 =	vld [tilespmem:s11+$0xFFFFFF60]  }
0x256: {  	v59 =	vadd.s32 v18, v34;
	[tilespmem:v58+s13+$0x0] =	vst.idx.msk $0xffff, v57;
	v58 =	vld [tilespmem:s11+$0xFFFFFF20]  }
0x257: {  	[tilespmem:v63+s13+$0x0] =	vst.idx.msk $0xffff, v47;
	v57 =	vadd.s32 v31, v38;
	v40 =	vld [tilespmem:s11+$0xFFFFFFF0]  }
0x258: {  	v61 =	vld [tilespmem:s11+$0xFFFFFE20];
	v62 =	vadd.s32 v2, v33;
	[tilespmem:v55+s13+$0x0] =	vst.idx.msk $0xffff, v54  }
0x259: {  	v60 =	vadd.s32 v26, v36;
	v63 =	vld [tilespmem:s11+$0xFFFFFFA0];
	[tilespmem:v56+s13+$0x0] =	vst.idx.msk $0xffff, v50  }
0x25a: {  	v51 =	vadd.s32 v7, v45;
	[tilespmem:v46+s13+$0x0] =	vst.idx.msk $0xffff, v44;
	v50 =	vld [tilespmem:s11+$0xFFFFFE70]  }
0x25b: {  	v56 =	vadd.s32 v11, v52;
	v55 =	vld [tilespmem:s11+$0xFFFFFEB0];
	[tilespmem:v59+s13+$0x0] =	vst.idx.msk $0xffff, v58  }
0x25c: {  	v58 =	vadd.s32 v15, v35;
	[tilespmem:v57+s13+$0x0] =	vst.idx.msk $0xffff, v40;
	v57 =	vld [tilespmem:s11+$0xFFFFFEF0]  }
0x25d: {  	[tilespmem:v62+s13+$0x0] =	vst.idx.msk $0xffff, v61;
	v38 =	vadd.s32 v32, v38;
	v54 =	vld [tilespmem:s11+$0x0]  }
0x25e: {  	s18 =	simm.s32 $0x9;
	[tilespmem:v60+s13+$0x0] =	vst.idx.msk $0xffff, v63;
	v60 =	vadd.s32 v19, v34;
	v59 =	vld [tilespmem:s11+$0xFFFFFF30]  }
0x25f: {  	s22 =	simm.s32 $0xB;
	v53 =	vmov s18;
	v41 =	vadd.s32 v23, v37;
	[tilespmem:v51+s13+$0x0] =	vst.idx.msk $0xffff, v50;
	v40 =	vld [tilespmem:s11+$0xFFFFFF70]  }
0x260: {  	s16 =	simm.s32 $0x8;
	v43 =	vadd.s32 v27, v36;
	s18 =	simm.s32 $0xC;
	v48 =	vadd.s32 v3, v33;
	v44 =	vmov s22;
	v42 =	vld [tilespmem:s11+$0xFFFFFFB0];
	[tilespmem:v56+s13+$0x0] =	vst.idx.msk $0xffff, v55  }
0x261: {  	s20 =	simm.s32 $0xA;
	v47 =	vmov s18;
	v52 =	vadd.s32 v12, v52;
	v46 =	vld [tilespmem:s11+$0xFFFFFE30];
	v63 =	vmov s16;
	[tilespmem:v58+s13+$0x0] =	vst.idx.msk $0xffff, v57  }
0x262: {  	s22 =	simm.s32 $0xE;
	v39 =	vshrl.u32 v63, $0x3;
	v51 =	vadd.s32 v8, v45;
	v49 =	vld [tilespmem:s11+$0xFFFFFE80];
	[tilespmem:v38+s13+$0x0] =	vst.idx.msk $0xffff, v54;
	v54 =	vmov s20;
	s20 =	simm.s32 $0xD  }
0x263: {  	s15 =	simm.s32 $0x10;
	s16 =	simm.s32 $0xF;
	v45 =	vshll.u32 v39, v1;
	v39 =	vmov s22;
	v50 =	vld [tilespmem:s11+$0xFFFFFEC0];
	[tilespmem:v60+s13+$0x0] =	vst.idx.msk $0xffff, v59;
	v38 =	vmov s20  }
.LBB2_27:
0x264: {  	p2 =	slt.u32 s15, $0x78;
	v53 =	vshrl.u32 v53, $0x3;
	v55 =	vmov s16;
	v56 =	vld [tilespmem:s11+$0xFFFFFF00];
	v35 =	vadd.s32 v16, v35;
	[tilespmem:v41+s13+$0x0] =	vst.idx.msk $0xffff, v40  }
0x265: {  	v40 =	vshrl.u32 v54, $0x3;
	v34 =	vadd.s32 v20, v34;
	v41 =	vshrl.u32 v55, $0x3;
	v54 =	vld [tilespmem:s11+$0xFFFFFF40];
	[tilespmem:v43+s13+$0x0] =	vst.idx.msk $0xffff, v42  }
0x266: {  	v37 =	vadd.s32 v24, v37;
	v42 =	vshrl.u32 v44, $0x3;
	v41 =	vshll.u32 v41, v1;
	[tilespmem:v48+s13+$0x0] =	vst.idx.msk $0xffff, v46;
	v43 =	vld [tilespmem:s11+$0xFFFFFF80]  }
0x267: {  	v36 =	vadd.s32 v28, v36;
	v44 =	vshrl.u32 v47, $0x3;
	v41 =	vbroadcast v41, $0x0;
	[tilespmem:v51+s13+$0x0] =	vst.idx.msk $0xffff, v49;
	v46 =	vld [tilespmem:s11+$0xFFFFFFC0]  }
0x268: {  	v47 =	vshll.u32 v53, v1;
	v49 =	vadd.s32 v4, v33;
	v33 =	vbroadcast v45, $0x0;
	v48 =	vld [tilespmem:s11+$0xFFFFFE40];
	[tilespmem:v52+s13+$0x0] =	vst.idx.msk $0xffff, v50;
	s11 =	sadd.s32 $0x200, s11  }
0x269: {  	v40 =	vshll.u32 v40, v1;
	v45 =	vbroadcast v47, $0x0;
	v47 =	vld [tilespmem:s11+$0xFFFFFFD0];
	v50 =	vadd.s32 v29, v41;
	[tilespmem:v35+s13+$0x0] =	vst.idx.msk $0xffff, v56  }
0x26a: {  	v55 =	vbroadcast v40, $0x0;
	v52 =	vadd.s32 v0, v33;
	v35 =	vshll.u32 v42, v1;
	v51 =	vld [tilespmem:s11+$0xFFFFFE10];
	[tilespmem:v34+s13+$0x0] =	vst.idx.msk $0xffff, v54  }
0x26b: {  	v42 =	vadd.s32 v5, v45;
	v35 =	vbroadcast v35, $0x0;
	v34 =	vshll.u32 v44, v1;
	v40 =	vld [tilespmem:s11+$0xFFFFFE50];
	[tilespmem:v37+s13+$0x0] =	vst.idx.msk $0xffff, v43  }
0x26c: {  	v44 =	vadd.s32 v9, v55;
	v34 =	vbroadcast v34, $0x0;
	v37 =	vshrl.u32 v38, $0x3;
	v43 =	vld [tilespmem:s11+$0xFFFFFE90];
	[tilespmem:v36+s13+$0x0] =	vst.idx.msk $0xffff, v46  }
0x26d: {  	v39 =	vshrl.u32 v39, $0x3;
	v46 =	vadd.s32 v13, v35;
	v36 =	vshll.u32 v37, v1;
	v38 =	vld [tilespmem:s11+$0xFFFFFED0];
	[tilespmem:v49+s13+$0x0] =	vst.idx.msk $0xffff, v48  }
0x26e: {  	v49 =	vadd.s32 v17, v34;
	v37 =	vbroadcast v36, $0x0;
	v36 =	vshll.u32 v39, v1;
	v48 =	vld [tilespmem:s11+$0xFFFFFF10];
	[tilespmem:v50+s13+$0x0] =	vst.idx.msk $0xffff, v47  }
0x26f: {  	v36 =	vbroadcast v36, $0x0;
	v47 =	vadd.s32 v30, v41;
	[tilespmem:v52+s13+$0x0] =	vst.idx.msk $0xffff, v51;
	v39 =	vld [tilespmem:s11+$0xFFFFFFE0]  }
0x270: {  	[tilespmem:v42+s13+$0x0] =	vst.idx.msk $0xffff, v40;
	v40 =	vld [tilespmem:s11+$0xFFFFFF50];
	v42 =	vadd.s32 v21, v37  }
0x271: {  	[tilespmem:v44+s13+$0x0] =	vst.idx.msk $0xffff, v43;
	v43 =	vld [tilespmem:s11+$0xFFFFFF90];
	v44 =	vadd.s32 v25, v36  }
0x272: {  	v51 =	vadd.s32 v6, v45;
	v50 =	vld [tilespmem:s11+$0xFFFFFE60];
	[tilespmem:v46+s13+$0x0] =	vst.idx.msk $0xffff, v38  }
0x273: {  	v46 =	vadd.s32 v10, v55;
	v38 =	vld [tilespmem:s11+$0xFFFFFEA0];
	[tilespmem:v49+s13+$0x0] =	vst.idx.msk $0xffff, v48  }
0x274: {  	v49 =	vadd.s32 v14, v35;
	v48 =	vld [tilespmem:s11+$0xFFFFFEE0];
	[tilespmem:v47+s13+$0x0] =	vst.idx.msk $0xffff, v39  }
0x275: {  	[tilespmem:v42+s13+$0x0] =	vst.idx.msk $0xffff, v40;
	v39 =	vld [tilespmem:s11+$0xFFFFFFF0];
	v40 =	vadd.s32 v31, v41  }
0x276: {  	v47 =	vadd.s32 v18, v34;
	v42 =	vld [tilespmem:s11+$0xFFFFFF20];
	[tilespmem:v44+s13+$0x0] =	vst.idx.msk $0xffff, v43  }
0x277: {  	v44 =	vadd.s32 v22, v37;
	[tilespmem:v51+s13+$0x0] =	vst.idx.msk $0xffff, v50;
	v43 =	vld [tilespmem:s11+$0xFFFFFF60]  }
0x278: {  	[tilespmem:v46+s13+$0x0] =	vst.idx.msk $0xffff, v38;
	v38 =	vld [tilespmem:s11+$0xFFFFFFA0];
	v46 =	vadd.s32 v26, v36  }
0x279: {  	v51 =	vadd.s32 v2, v33;
	v50 =	vld [tilespmem:s11+$0xFFFFFE20];
	[tilespmem:v49+s13+$0x0] =	vst.idx.msk $0xffff, v48  }
0x27a: {  	v49 =	vadd.s32 v7, v45;
	v48 =	vld [tilespmem:s11+$0xFFFFFE70];
	[tilespmem:v40+s13+$0x0] =	vst.idx.msk $0xffff, v39  }
0x27b: {  	[tilespmem:v47+s13+$0x0] =	vst.idx.msk $0xffff, v42;
	v39 =	vld [tilespmem:s11+$0x0];
	v47 =	vadd.s32 v32, v41  }
0x27c: {  	v56 =	vadd.s32 v11, v55;
	v52 =	vld [tilespmem:s11+$0xFFFFFEB0];
	[tilespmem:v44+s13+$0x0] =	vst.idx.msk $0xffff, v43  }
0x27d: {  	v58 =	vadd.s32 v15, v35;
	v57 =	vld [tilespmem:s11+$0xFFFFFEF0];
	[tilespmem:v46+s13+$0x0] =	vst.idx.msk $0xffff, v38  }
0x27e: {  	v60 =	vadd.s32 v19, v34;
	[tilespmem:v51+s13+$0x0] =	vst.idx.msk $0xffff, v50;
	v59 =	vld [tilespmem:s11+$0xFFFFFF30]  }
.Ltmp17:
0x27f: {  	s16 =	sadd.s32 $0x1, s15;
	v41 =	vadd.s32 v23, v37;
	v38 =	vmov s15;
	[tilespmem:v49+s13+$0x0] =	vst.idx.msk $0xffff, v48;
	v40 =	vld [tilespmem:s11+$0xFFFFFF70];
	(pc) =	sbr.rel @p2 .LBB2_27-.Ltmp17, $4  }
0x280: {  	s18 =	sadd.s32 $0x3, s15;
	v53 =	vmov s16;
	s16 =	sadd.s32 $0x2, s15;
	v43 =	vadd.s32 v27, v36;
	v50 =	vshrl.u32 v38, $0x3;
	v42 =	vld [tilespmem:s11+$0xFFFFFFB0];
	[tilespmem:v47+s13+$0x0] =	vst.idx.msk $0xffff, v39  }
0x281: {  	v54 =	vmov s16;
	s16 =	sadd.s32 $0x4, s15;
	v44 =	vmov s18;
	s18 =	sadd.s32 $0x5, s15;
	v48 =	vadd.s32 v3, v33;
	v46 =	vld [tilespmem:s11+$0xFFFFFE30];
	[tilespmem:v56+s13+$0x0] =	vst.idx.msk $0xffff, v52  }
0x282: {  	v38 =	vmov s18;
	v51 =	vadd.s32 v8, v45;
	v47 =	vmov s16;
	s16 =	sadd.s32 $0x6, s15;
	v49 =	vld [tilespmem:s11+$0xFFFFFE80];
	[tilespmem:v58+s13+$0x0] =	vst.idx.msk $0xffff, v57  }
0x283: {  	v45 =	vshll.u32 v50, v1;
	v39 =	vmov s16;
	s16 =	sadd.s32 $0x7, s15;
	s15 =	sadd.s32 $0x8, s15;
	v52 =	vadd.s32 v12, v55;
	v50 =	vld [tilespmem:s11+$0xFFFFFEC0];
	[tilespmem:v60+s13+$0x0] =	vst.idx.msk $0xffff, v59  }
0x284: {  	_ =	sdelay $0x2  }
0x285: {  	v53 =	vshrl.u32 v53, $0x3  }
0x286: {  	v55 =	vmov s16;
	v56 =	vld [tilespmem:s11+$0xFFFFFF00];
	v35 =	vadd.s32 v16, v35;
	[tilespmem:v41+s13+$0x0] =	vst.idx.msk $0xffff, v40;
	v57 =	vshrl.u32 v54, $0x3  }
0x287: {  	v59 =	vld [tilespmem:s11+$0xFFFFFF40];
	v34 =	vadd.s32 v20, v34;
	v60 =	vshrl.u32 v44, $0x3;
	v58 =	vshrl.u32 v55, $0x3;
	[tilespmem:v43+s13+$0x0] =	vst.idx.msk $0xffff, v42  }
0x288: {  	v37 =	vadd.s32 v24, v37;
	v62 =	vshrl.u32 v47, $0x3;
	v61 =	vld [tilespmem:s11+$0xFFFFFF80];
	v41 =	vshll.u32 v58, v1;
	[tilespmem:v48+s13+$0x0] =	vst.idx.msk $0xffff, v46  }
0x289: {  	v36 =	vadd.s32 v28, v36;
	v45 =	vbroadcast v45, $0x0;
	v63 =	vld [tilespmem:s11+$0xFFFFFFC0];
	v41 =	vbroadcast v41, $0x0;
	[tilespmem:v51+s13+$0x0] =	vst.idx.msk $0xffff, v49  }
0x28a: {  	v33 =	vadd.s32 v4, v33;
	s18 =	sadd.s32 $0x200, s11;
	v38 =	vshrl.u32 v38, $0x3;
	v55 =	vshll.u32 v53, v1;
	v48 =	vld [tilespmem:s11+$0xFFFFFE40];
	[tilespmem:v52+s13+$0x0] =	vst.idx.msk $0xffff, v50  }
0x28b: {  	v40 =	vshll.u32 v57, v1;
	v47 =	vbroadcast v55, $0x0;
	v49 =	vld [tilespmem:s18+$0xFFFFFFD0];
	v50 =	vadd.s32 v29, v41;
	[tilespmem:v35+s13+$0x0] =	vst.idx.msk $0xffff, v56  }
0x28c: {  	v42 =	vshll.u32 v60, v1;
	v40 =	vbroadcast v40, $0x0;
	v35 =	vld [tilespmem:s18+$0xFFFFFE10];
	v56 =	vadd.s32 v0, v45;
	[tilespmem:v34+s13+$0x0] =	vst.idx.msk $0xffff, v59  }
0x28d: {  	v57 =	vld [tilespmem:s18+$0xFFFFFE50];
	v44 =	vshll.u32 v62, v1;
	v42 =	vbroadcast v42, $0x0;
	v58 =	vadd.s32 v5, v47;
	[tilespmem:v37+s13+$0x0] =	vst.idx.msk $0xffff, v61  }
0x28e: {  	v38 =	vshll.u32 v38, v1;
	v44 =	vbroadcast v44, $0x0;
	v60 =	vadd.s32 v9, v40;
	v59 =	vld [tilespmem:s18+$0xFFFFFE90];
	[tilespmem:v36+s13+$0x0] =	vst.idx.msk $0xffff, v63  }
0x28f: {  	v38 =	vbroadcast v38, $0x0;
	v62 =	vadd.s32 v13, v42;
	v61 =	vld [tilespmem:s18+$0xFFFFFED0];
	[tilespmem:v33+s13+$0x0] =	vst.idx.msk $0xffff, v48  }
0x290: {  	v39 =	vshrl.u32 v39, $0x3;
	v63 =	vadd.s32 v17, v44;
	v33 =	vld [tilespmem:s18+$0xFFFFFF10];
	[tilespmem:v50+s13+$0x0] =	vst.idx.msk $0xffff, v49  }
0x291: {  	v39 =	vshll.u32 v39, v1;
	v34 =	vld [tilespmem:s18+$0xFFFFFF50];
	[tilespmem:v56+s13+$0x0] =	vst.idx.msk $0xffff, v35;
	v56 =	vadd.s32 v21, v38  }
0x292: {  	[tilespmem:v58+s13+$0x0] =	vst.idx.msk $0xffff, v57;
	v35 =	vbroadcast v39, $0x0;
	v49 =	vadd.s32 v30, v41;
	v39 =	vld [tilespmem:s18+$0xFFFFFFE0]  }
0x293: {  	[tilespmem:v60+s13+$0x0] =	vst.idx.msk $0xffff, v59;
	v59 =	vld [tilespmem:s18+$0xFFFFFE60];
	v60 =	vadd.s32 v6, v47  }
0x294: {  	v57 =	vld [tilespmem:s18+$0xFFFFFF90];
	[tilespmem:v62+s13+$0x0] =	vst.idx.msk $0xffff, v61;
	v58 =	vadd.s32 v25, v35  }
0x295: {  	v61 =	vld [tilespmem:s18+$0xFFFFFEA0];
	v62 =	vadd.s32 v10, v40;
	[tilespmem:v63+s13+$0x0] =	vst.idx.msk $0xffff, v33  }
0x296: {  	v33 =	vld [tilespmem:s18+$0xFFFFFEE0];
	v63 =	vadd.s32 v14, v42;
	[tilespmem:v56+s13+$0x0] =	vst.idx.msk $0xffff, v34  }
0x297: {  	v56 =	vadd.s32 v18, v44;
	[tilespmem:v49+s13+$0x0] =	vst.idx.msk $0xffff, v39;
	v49 =	vld [tilespmem:s18+$0xFFFFFF20]  }
0x298: {  	[tilespmem:v60+s13+$0x0] =	vst.idx.msk $0xffff, v59;
	v39 =	vadd.s32 v31, v41;
	v34 =	vld [tilespmem:s18+$0xFFFFFFF0]  }
0x299: {  	[tilespmem:v58+s13+$0x0] =	vst.idx.msk $0xffff, v57;
	v57 =	vld [tilespmem:s18+$0xFFFFFF60];
	v58 =	vadd.s32 v22, v38  }
0x29a: {  	[tilespmem:v62+s13+$0x0] =	vst.idx.msk $0xffff, v61;
	v61 =	vld [tilespmem:s18+$0xFFFFFE20];
	v62 =	vadd.s32 v2, v45  }
0x29b: {  	v60 =	vadd.s32 v26, v35;
	v59 =	vld [tilespmem:s18+$0xFFFFFFA0];
	[tilespmem:v63+s13+$0x0] =	vst.idx.msk $0xffff, v33  }
0x29c: {  	v55 =	vadd.s32 v11, v40;
	v54 =	vadd.s32 v32, v41;
	v41 =	vld [tilespmem:s18+$0xFFFFFEB0];
	[tilespmem:v56+s13+$0x0] =	vst.idx.msk $0xffff, v49  }
0x29d: {  	v53 =	vadd.s32 v7, v47;
	v63 =	vld [tilespmem:s18+$0xFFFFFE70];
	[tilespmem:v39+s13+$0x0] =	vst.idx.msk $0xffff, v34  }
0x29e: {  	v56 =	vld [tilespmem:s18+$0xFFFFFEF0];
	[tilespmem:v58+s13+$0x0] =	vst.idx.msk $0xffff, v57;
	v57 =	vadd.s32 v15, v42  }
0x29f: {  	[tilespmem:v62+s13+$0x0] =	vst.idx.msk $0xffff, v61;
	v34 =	vld [tilespmem:s18+$0x0]  }
0x2a0: {  	v58 =	vld [tilespmem:s18+$0xFFFFFF30];
	[tilespmem:v60+s13+$0x0] =	vst.idx.msk $0xffff, v59;
	v59 =	vadd.s32 v19, v44  }
0x2a1: {  	v61 =	vadd.s32 v23, v38;
	[tilespmem:v55+s13+$0x0] =	vst.idx.msk $0xffff, v41;
	v60 =	vld [tilespmem:s18+$0xFFFFFF70]  }
0x2a2: {  	[tilespmem:v53+s13+$0x0] =	vst.idx.msk $0xffff, v63;
	v63 =	vadd.s32 v27, v35;
	v62 =	vld [tilespmem:s18+$0xFFFFFFB0]  }
0x2a3: {  	v47 =	vadd.s32 v8, v47;
	v55 =	vld [tilespmem:s18+$0xFFFFFE80];
	[tilespmem:v57+s13+$0x0] =	vst.idx.msk $0xffff, v56  }
0x2a4: {  	v53 =	vld [tilespmem:s18+$0xFFFFFE30];
	[tilespmem:v54+s13+$0x0] =	vst.idx.msk $0xffff, v34;
	v54 =	vadd.s32 v3, v45  }
0x2a5: {  	v40 =	vadd.s32 v12, v40;
	v56 =	vld [tilespmem:s18+$0xFFFFFEC0];
	[tilespmem:v59+s13+$0x0] =	vst.idx.msk $0xffff, v58  }
0x2a6: {  	v42 =	vadd.s32 v16, v42;
	v57 =	vld [tilespmem:s18+$0xFFFFFF00];
	[tilespmem:v61+s13+$0x0] =	vst.idx.msk $0xffff, v60  }
0x2a7: {  	v59 =	vadd.s32 v20, v44;
	v58 =	vld [tilespmem:s18+$0xFFFFFF40];
	[tilespmem:v63+s13+$0x0] =	vst.idx.msk $0xffff, v62  }
0x2a8: {  	v38 =	vadd.s32 v24, v38;
	v60 =	vld [tilespmem:s18+$0xFFFFFF80];
	[tilespmem:v47+s13+$0x0] =	vst.idx.msk $0xffff, v55  }
0x2a9: {  	v35 =	vadd.s32 v28, v35;
	v61 =	vld [tilespmem:s18+$0xFFFFFFC0];
	[tilespmem:v54+s13+$0x0] =	vst.idx.msk $0xffff, v53  }
0x2aa: {  	v63 =	vadd.s32 v4, v45;
	[tilespmem:v40+s13+$0x0] =	vst.idx.msk $0xffff, v56;
	v62 =	vld [tilespmem:s18+$0xFFFFFE40]  }
0x2ab: {  	[tilespmem:v42+s13+$0x0] =	vst.idx.msk $0xffff, v57  }
0x2ac: {  	[tilespmem:v59+s13+$0x0] =	vst.idx.msk $0xffff, v58  }
0x2ad: {  	s20 =	sadd.s32 s9, s6;
	[tilespmem:v38+s13+$0x0] =	vst.idx.msk $0xffff, v60  }
0x2ae: {  	s11 =	sshrl.u32 s20, $0x3;
	[tilespmem:v35+s13+$0x0] =	vst.idx.msk $0xffff, v61  }
0x2af: {  	s22 =	simm.s32 $0x16A00;
	s15 =	sadd.s32 s2, s11;
	[tilespmem:v63+s13+$0x0] =	vst.idx.msk $0xffff, v62  }
0x2b0: {  	[hbm4b:s15+s3] =	stream.linear.scatter [tilespmem:s22], [sflag:$0x9], $0x80, $0x38;
	[tilespmem:$0x1AE00] =	vst v63  }
0x2b1: {  	s16 =	simm.s32 $0x16A88;
	s18 =	sadd.s32 $0x10, s15  }
0x2b2: {  	[hbm4b:s18+s3] =	stream.linear.scatter [tilespmem:s16], [sflag:$0x9], $0x80, $0x38;
	[tilespmem:$0x1AE00] =	vst v63  }
0x2b3: {  	s20 =	simm.s32 $0x16B10;
	s22 =	sadd.s32 $0x20, s15  }
0x2b4: {  	[hbm4b:s22+s3] =	stream.linear.scatter [tilespmem:s20], [sflag:$0x9], $0x80, $0x38;
	[tilespmem:$0x1AE00] =	vst v63  }
0x2b5: {  	s16 =	simm.s32 $0x16B98;
	s18 =	sadd.s32 $0x30, s15  }
0x2b6: {  	[hbm4b:s18+s3] =	stream.linear.scatter [tilespmem:s16], [sflag:$0x9], $0x80, $0x38;
	[tilespmem:$0x1AE00] =	vst v63  }
0x2b7: {  	s20 =	simm.s32 $0x16C20;
	s22 =	sadd.s32 $0x40, s15  }
0x2b8: {  	[hbm4b:s22+s3] =	stream.linear.scatter [tilespmem:s20], [sflag:$0x9], $0x80, $0x38;
	[tilespmem:$0x1AE00] =	vst v63  }
0x2b9: {  	s11 =	simm.s32 $0x440;
	s16 =	simm.s32 $0x16CA8;
	s18 =	sadd.s32 $0x50, s15  }
0x2ba: {  	[hbm4b:s18+s3] =	stream.linear.scatter [tilespmem:s16], [sflag:$0x9], $0x80, $0x38;
	[tilespmem:$0x1AE00] =	vst v63  }
0x2bb: {  	s20 =	simm.s32 $0x16D30;
	s22 =	sadd.s32 $0x60, s15;
	s16 =	simm.s32 $0x2200  }
0x2bc: {  	[hbm4b:s22+s3] =	stream.linear.scatter [tilespmem:s20], [sflag:$0x9], $0x80, $0x38;
	[tilespmem:$0x1AE00] =	vst v63  }
0x2bd: {  	s18 =	simm.s32 $0x16DB8;
	s20 =	sadd.s32 $0x70, s15;
	s15 =	sadd.s32 $0x1000, s15  }
.LBB2_29:
0x2be: {  	[hbm4b:s20+s3] =	stream.linear.scatter [tilespmem:s18], [sflag:$0x9], $0x80, $0x38;
	[tilespmem:$0x1AE00] =	vst v63  }
0x2bf: {  	s18 =	smov.u32 s11;
	s11 =	smov.u32 s16  }
0x2c0: {  	s22 =	sadd.s32 $0x1100, s16;
	s11 =	sshra.s32 s11, $0x2;
	s20 =	sadd.s32 $0x16A00, s18  }
0x2c1: {  	[hbm4b:s15+s3] =	stream.linear.scatter [tilespmem:s20], [sflag:$0x9], $0x80, $0x38;
	[tilespmem:$0x1AE00] =	vst v63  }
0x2c2: {  	p2 =	sne.s32 s16, $0x7700;
	s16 =	sadd.s32 $0x16A88, s18;
	s20 =	sadd.s32 $0x10, s15  }
0x2c3: {  	[hbm4b:s20+s3] =	stream.linear.scatter [tilespmem:s16], [sflag:$0x9], $0x80, $0x38;
	[tilespmem:$0x1AE00] =	vst v63  }
0x2c4: {  	s16 =	sadd.s32 $0x16B10, s18;
	s20 =	sadd.s32 $0x20, s15  }
0x2c5: {  	[hbm4b:s20+s3] =	stream.linear.scatter [tilespmem:s16], [sflag:$0x9], $0x80, $0x38;
	[tilespmem:$0x1AE00] =	vst v63  }
0x2c6: {  	s16 =	sadd.s32 $0x16B98, s18;
	s20 =	sadd.s32 $0x30, s15  }
0x2c7: {  	[hbm4b:s20+s3] =	stream.linear.scatter [tilespmem:s16], [sflag:$0x9], $0x80, $0x38;
	[tilespmem:$0x1AE00] =	vst v63  }
0x2c8: {  	s16 =	sadd.s32 $0x16C20, s18;
	s20 =	sadd.s32 $0x40, s15  }
0x2c9: {  	[hbm4b:s20+s3] =	stream.linear.scatter [tilespmem:s16], [sflag:$0x9], $0x80, $0x38;
	[tilespmem:$0x1AE00] =	vst v63  }
.Ltmp18:
0x2ca: {  	s16 =	sadd.s32 $0x16CA8, s18;
	s20 =	sadd.s32 $0x50, s15;
	(pc) =	sbr.rel @p2 .LBB2_29-.Ltmp18, $4  }
0x2cb: {  	[hbm4b:s20+s3] =	stream.linear.scatter [tilespmem:s16], [sflag:$0x9], $0x80, $0x38;
	[tilespmem:$0x1AE00] =	vst v63  }
0x2cc: {  	s16 =	sadd.s32 $0x16D30, s18;
	s20 =	sadd.s32 $0x60, s15;
	s18 =	sadd.s32 $0x16DB8, s18  }
0x2cd: {  	[hbm4b:s20+s3] =	stream.linear.scatter [tilespmem:s16], [sflag:$0x9], $0x80, $0x38;
	[tilespmem:$0x1AE00] =	vst v63  }
0x2ce: {  	s20 =	sadd.s32 $0x70, s15;
	s15 =	sadd.s32 $0x1000, s15;
	s16 =	smov.u32 s22  }
0x2cf: {  	[hbm4b:s20+s3] =	stream.linear.scatter [tilespmem:s18], [sflag:$0x9], $0x80, $0x38;
	[tilespmem:$0x1AE00] =	vst v63  }
0x2d0: {  	s16 =	sadd.s32 $0x16A00, s11  }
0x2d1: {  	[hbm4b:s15+s3] =	stream.linear.scatter [tilespmem:s16], [sflag:$0x9], $0x80, $0x38;
	[tilespmem:$0x1AE00] =	vst v63  }
0x2d2: {  	s20 =	sadd.s32 $0x16A88, s11;
	s22 =	sadd.s32 $0x10, s15  }
0x2d3: {  	[hbm4b:s22+s3] =	stream.linear.scatter [tilespmem:s20], [sflag:$0x9], $0x80, $0x38;
	[tilespmem:$0x1AE00] =	vst v63  }
0x2d4: {  	s20 =	sadd.s32 $0x16B10, s11;
	s22 =	sadd.s32 $0x20, s15  }
0x2d5: {  	[hbm4b:s22+s3] =	stream.linear.scatter [tilespmem:s20], [sflag:$0x9], $0x80, $0x38;
	[tilespmem:$0x1AE00] =	vst v63  }
0x2d6: {  	s20 =	sadd.s32 $0x16B98, s11;
	s22 =	sadd.s32 $0x30, s15  }
0x2d7: {  	[hbm4b:s22+s3] =	stream.linear.scatter [tilespmem:s20], [sflag:$0x9], $0x80, $0x38;
	[tilespmem:$0x1AE00] =	vst v63  }
0x2d8: {  	s20 =	sadd.s32 $0x16C20, s11;
	s22 =	sadd.s32 $0x40, s15  }
0x2d9: {  	[hbm4b:s22+s3] =	stream.linear.scatter [tilespmem:s20], [sflag:$0x9], $0x80, $0x38;
	[tilespmem:$0x1AE00] =	vst v63  }
0x2da: {  	s20 =	sadd.s32 $0x16CA8, s11;
	s22 =	sadd.s32 $0x50, s15  }
0x2db: {  	[hbm4b:s22+s3] =	stream.linear.scatter [tilespmem:s20], [sflag:$0x9], $0x80, $0x38;
	[tilespmem:$0x1AE00] =	vst v63  }
.Ltmp19:
0x2dc: {  	_ = 	snop;
	(pc) =	sbr.rel @p1 .LBB2_32-.Ltmp19, $4  }
0x2dd: {  	s20 =	sadd.s32 $0x16D30, s11;
	s22 =	sadd.s32 $0x60, s15  }
0x2de: {  	[hbm4b:s22+s3] =	stream.linear.scatter [tilespmem:s20], [sflag:$0x9], $0x80, $0x38;
	[tilespmem:$0x1AE00] =	vst v63  }
0x2df: {  	s20 =	sadd.s32 $0x16DB8, s11;
	s22 =	sadd.s32 $0x70, s15  }
0x2e0: {  	[hbm4b:s22+s3] =	stream.linear.scatter [tilespmem:s20], [sflag:$0x9], $0x80, $0x38;
	[tilespmem:$0x1AE00] =	vst v63  }
.Ltmp20:
0x2e1: {  	(pc) =	sbr.rel .LBB2_33-.Ltmp20, $4  }
0x2e2: {  	_ = 	snop  }
0x2e3: {  	_ =	swait.ge [sflag:s17], $0x2000  }
0x2e4: {  	[sflag:s17] =	ssyncset.done $0x0  }
0x2e5: {  	[sflag:s17] =	ssyncadd.s32 $0xFFFFE000  }
.LBB2_32:
0x2e6: {  	s11 =	smul.u32 $0xA00, s14;
	_ =	sdelay $0x1  }
0x2e7: {  	s11 =	sshra.s32 s11, $0x2  }
.Ltmp21:
0x2e8: {  	s15 =	simm.s32 $0xC400;
	s11 =	sadd.s32 $0x400, s11;
	(pc) =	sbr.rel @p0 .LBB2_34-.Ltmp21, $4  }
0x2e9: {  	[tilespmem:s15], [sflag:$0x4] =	stream.indirect.gather [hbm4b:s4+s12], $0x40, s11, s12, $0xb8;
	[tilespmem:$0x1AE00] =	vst v63  }
0x2ea: {  	_ =	swait.ge [sflag:s17], $0x2000  }
0x2eb: {  	[sflag:s17] =	ssyncset.done $0x0  }
0x2ec: {  	[sflag:s17] =	ssyncadd.s32 $0xFFFFE000  }
.LBB2_33:
0x2ed: {  	_ =	swait.ge [sflag:s19], $0x2000  }
0x2ee: {  	[sflag:s19] =	ssyncset.done $0x0  }
0x2ef: {  	[sflag:s19] =	ssyncadd.s32 $0xFFFFE000  }
.LBB2_34:
0x2f0: {  	s11 =	simm.s32 $0x0;
	s16 =	simm.s32 $0x1;
	s15 =	simm.s32 $0x2  }
0x2f1: {  	s18 =	simm.s32 $0x3;
	s20 =	simm.s32 $0x4;
	s22 =	simm.s32 $0x5;
	v33 =	vmov s11;
	v34 =	vmov s16;
	v35 =	vmov s15  }
0x2f2: {  	s16 =	simm.s32 $0x7;
	v36 =	vmov s18;
	v37 =	vmov s20;
	v39 =	vmov s22;
	s15 =	simm.s32 $0x6  }
0x2f3: {  	v33 =	vshrl.u32 v33, $0x3;
	v38 =	vmov s16;
	v40 =	vmov s15  }
0x2f4: {  	v34 =	vshrl.u32 v34, $0x3;
	v35 =	vshrl.u32 v35, $0x3;
	v36 =	vshrl.u32 v36, $0x3  }
0x2f5: {  	v37 =	vshrl.u32 v37, $0x3;
	v55 =	vshrl.u32 v39, $0x3;
	v33 =	vshll.u32 v33, v1  }
0x2f6: {  	v38 =	vshrl.u32 v38, $0x3;
	v34 =	vshll.u32 v34, v1;
	v33 =	vbroadcast v33, $0x0  }
0x2f7: {  	s11 =	simm.s32 $0xE5F0;
	v52 =	vshll.u32 v35, v1;
	v38 =	vshll.u32 v38, v1;
	v45 =	vbroadcast v34, $0x0  }
0x2f8: {  	v43 =	vld [tilespmem:s11+$0xFFFFFE10];
	v53 =	vshll.u32 v36, v1;
	v38 =	vbroadcast v38, $0x0;
	v44 =	vadd.s32 v0, v33  }
0x2f9: {  	v46 =	vld [tilespmem:s11+$0xFFFFFE50];
	v54 =	vshll.u32 v37, v1;
	v52 =	vbroadcast v52, $0x0;
	v47 =	vadd.s32 v5, v45  }
0x2fa: {  	v41 =	vld [tilespmem:s11+$0xFFFFFFD0];
	v36 =	vshll.u32 v55, v1;
	v35 =	vbroadcast v53, $0x0;
	v42 =	vadd.s32 v29, v38  }
0x2fb: {  	v48 =	vld [tilespmem:s11+$0xFFFFFE90];
	v40 =	vshrl.u32 v40, $0x3;
	v34 =	vbroadcast v54, $0x0;
	v49 =	vadd.s32 v9, v52  }
0x2fc: {  	v39 =	vld [tilespmem:s11+$0xFFFFFED0];
	v37 =	vbroadcast v36, $0x0;
	v56 =	vshll.u32 v40, v1;
	v50 =	vadd.s32 v13, v35  }
0x2fd: {  	v51 =	vld [tilespmem:s11+$0xFFFFFF10];
	v36 =	vbroadcast v56, $0x0;
	v53 =	vadd.s32 v17, v34;
	[tilespmem:v44+s21+$0x0] =	vst.idx.msk $0xffff, v43  }
0x2fe: {  	v59 =	vld [tilespmem:s11+$0xFFFFFF50];
	v60 =	vadd.s32 v21, v37;
	[tilespmem:v47+s21+$0x0] =	vst.idx.msk $0xffff, v46  }
0x2ff: {  	v61 =	vld [tilespmem:s11+$0xFFFFFF90];
	v62 =	vadd.s32 v25, v36;
	[tilespmem:v42+s21+$0x0] =	vst.idx.msk $0xffff, v41  }
0x300: {  	v58 =	vadd.s32 v30, v38;
	[tilespmem:v49+s21+$0x0] =	vst.idx.msk $0xffff, v48;
	v57 =	vld [tilespmem:s11+$0xFFFFFFE0]  }
0x301: {  	v63 =	vadd.s32 v6, v45;
	[tilespmem:v50+s21+$0x0] =	vst.idx.msk $0xffff, v39;
	v47 =	vld [tilespmem:s11+$0xFFFFFE60]  }
0x302: {  	v55 =	vadd.s32 v10, v52;
	[tilespmem:v53+s21+$0x0] =	vst.idx.msk $0xffff, v51;
	v54 =	vld [tilespmem:s11+$0xFFFFFEA0]  }
0x303: {  	v56 =	vadd.s32 v14, v35;
	[tilespmem:v60+s21+$0x0] =	vst.idx.msk $0xffff, v59;
	v50 =	vld [tilespmem:s11+$0xFFFFFEE0]  }
0x304: {  	v46 =	vadd.s32 v22, v37;
	[tilespmem:v62+s21+$0x0] =	vst.idx.msk $0xffff, v61;
	v44 =	vld [tilespmem:s11+$0xFFFFFF60]  }
0x305: {  	v59 =	vadd.s32 v18, v34;
	[tilespmem:v58+s21+$0x0] =	vst.idx.msk $0xffff, v57;
	v58 =	vld [tilespmem:s11+$0xFFFFFF20]  }
0x306: {  	[tilespmem:v63+s21+$0x0] =	vst.idx.msk $0xffff, v47;
	v57 =	vadd.s32 v31, v38;
	v40 =	vld [tilespmem:s11+$0xFFFFFFF0]  }
0x307: {  	v61 =	vld [tilespmem:s11+$0xFFFFFE20];
	v62 =	vadd.s32 v2, v33;
	[tilespmem:v55+s21+$0x0] =	vst.idx.msk $0xffff, v54  }
0x308: {  	v60 =	vadd.s32 v26, v36;
	v63 =	vld [tilespmem:s11+$0xFFFFFFA0];
	[tilespmem:v56+s21+$0x0] =	vst.idx.msk $0xffff, v50  }
0x309: {  	v51 =	vadd.s32 v7, v45;
	[tilespmem:v46+s21+$0x0] =	vst.idx.msk $0xffff, v44;
	v50 =	vld [tilespmem:s11+$0xFFFFFE70]  }
0x30a: {  	v56 =	vadd.s32 v11, v52;
	v55 =	vld [tilespmem:s11+$0xFFFFFEB0];
	[tilespmem:v59+s21+$0x0] =	vst.idx.msk $0xffff, v58  }
0x30b: {  	v58 =	vadd.s32 v15, v35;
	[tilespmem:v57+s21+$0x0] =	vst.idx.msk $0xffff, v40;
	v57 =	vld [tilespmem:s11+$0xFFFFFEF0]  }
0x30c: {  	[tilespmem:v62+s21+$0x0] =	vst.idx.msk $0xffff, v61;
	v38 =	vadd.s32 v32, v38;
	v54 =	vld [tilespmem:s11+$0x0]  }
0x30d: {  	s18 =	simm.s32 $0x9;
	[tilespmem:v60+s21+$0x0] =	vst.idx.msk $0xffff, v63;
	v60 =	vadd.s32 v19, v34;
	v59 =	vld [tilespmem:s11+$0xFFFFFF30]  }
0x30e: {  	s22 =	simm.s32 $0xB;
	v53 =	vmov s18;
	v41 =	vadd.s32 v23, v37;
	[tilespmem:v51+s21+$0x0] =	vst.idx.msk $0xffff, v50;
	v40 =	vld [tilespmem:s11+$0xFFFFFF70]  }
0x30f: {  	s16 =	simm.s32 $0x8;
	v43 =	vadd.s32 v27, v36;
	s18 =	simm.s32 $0xC;
	v48 =	vadd.s32 v3, v33;
	v44 =	vmov s22;
	v42 =	vld [tilespmem:s11+$0xFFFFFFB0];
	[tilespmem:v56+s21+$0x0] =	vst.idx.msk $0xffff, v55  }
0x310: {  	s20 =	simm.s32 $0xA;
	v47 =	vmov s18;
	v52 =	vadd.s32 v12, v52;
	v46 =	vld [tilespmem:s11+$0xFFFFFE30];
	v63 =	vmov s16;
	[tilespmem:v58+s21+$0x0] =	vst.idx.msk $0xffff, v57  }
0x311: {  	s22 =	simm.s32 $0xE;
	v39 =	vshrl.u32 v63, $0x3;
	v51 =	vadd.s32 v8, v45;
	v49 =	vld [tilespmem:s11+$0xFFFFFE80];
	[tilespmem:v38+s21+$0x0] =	vst.idx.msk $0xffff, v54;
	v54 =	vmov s20;
	s20 =	simm.s32 $0xD  }
0x312: {  	s15 =	simm.s32 $0x10;
	s16 =	simm.s32 $0xF;
	v45 =	vshll.u32 v39, v1;
	v39 =	vmov s22;
	v50 =	vld [tilespmem:s11+$0xFFFFFEC0];
	[tilespmem:v60+s21+$0x0] =	vst.idx.msk $0xffff, v59;
	v38 =	vmov s20  }
.LBB2_35:
0x313: {  	p0 =	slt.u32 s15, $0x78;
	v53 =	vshrl.u32 v53, $0x3;
	v55 =	vmov s16;
	v56 =	vld [tilespmem:s11+$0xFFFFFF00];
	v35 =	vadd.s32 v16, v35;
	[tilespmem:v41+s21+$0x0] =	vst.idx.msk $0xffff, v40  }
0x314: {  	v40 =	vshrl.u32 v54, $0x3;
	v34 =	vadd.s32 v20, v34;
	v41 =	vshrl.u32 v55, $0x3;
	v54 =	vld [tilespmem:s11+$0xFFFFFF40];
	[tilespmem:v43+s21+$0x0] =	vst.idx.msk $0xffff, v42  }
0x315: {  	v37 =	vadd.s32 v24, v37;
	v42 =	vshrl.u32 v44, $0x3;
	v41 =	vshll.u32 v41, v1;
	[tilespmem:v48+s21+$0x0] =	vst.idx.msk $0xffff, v46;
	v43 =	vld [tilespmem:s11+$0xFFFFFF80]  }
0x316: {  	v36 =	vadd.s32 v28, v36;
	v44 =	vshrl.u32 v47, $0x3;
	v41 =	vbroadcast v41, $0x0;
	[tilespmem:v51+s21+$0x0] =	vst.idx.msk $0xffff, v49;
	v46 =	vld [tilespmem:s11+$0xFFFFFFC0]  }
0x317: {  	v47 =	vshll.u32 v53, v1;
	v49 =	vadd.s32 v4, v33;
	v33 =	vbroadcast v45, $0x0;
	v48 =	vld [tilespmem:s11+$0xFFFFFE40];
	[tilespmem:v52+s21+$0x0] =	vst.idx.msk $0xffff, v50;
	s11 =	sadd.s32 $0x200, s11  }
0x318: {  	v40 =	vshll.u32 v40, v1;
	v45 =	vbroadcast v47, $0x0;
	v47 =	vld [tilespmem:s11+$0xFFFFFFD0];
	v50 =	vadd.s32 v29, v41;
	[tilespmem:v35+s21+$0x0] =	vst.idx.msk $0xffff, v56  }
0x319: {  	v55 =	vbroadcast v40, $0x0;
	v52 =	vadd.s32 v0, v33;
	v35 =	vshll.u32 v42, v1;
	v51 =	vld [tilespmem:s11+$0xFFFFFE10];
	[tilespmem:v34+s21+$0x0] =	vst.idx.msk $0xffff, v54  }
0x31a: {  	v42 =	vadd.s32 v5, v45;
	v35 =	vbroadcast v35, $0x0;
	v34 =	vshll.u32 v44, v1;
	v40 =	vld [tilespmem:s11+$0xFFFFFE50];
	[tilespmem:v37+s21+$0x0] =	vst.idx.msk $0xffff, v43  }
0x31b: {  	v44 =	vadd.s32 v9, v55;
	v34 =	vbroadcast v34, $0x0;
	v37 =	vshrl.u32 v38, $0x3;
	v43 =	vld [tilespmem:s11+$0xFFFFFE90];
	[tilespmem:v36+s21+$0x0] =	vst.idx.msk $0xffff, v46  }
0x31c: {  	v39 =	vshrl.u32 v39, $0x3;
	v46 =	vadd.s32 v13, v35;
	v36 =	vshll.u32 v37, v1;
	v38 =	vld [tilespmem:s11+$0xFFFFFED0];
	[tilespmem:v49+s21+$0x0] =	vst.idx.msk $0xffff, v48  }
0x31d: {  	v49 =	vadd.s32 v17, v34;
	v37 =	vbroadcast v36, $0x0;
	v36 =	vshll.u32 v39, v1;
	v48 =	vld [tilespmem:s11+$0xFFFFFF10];
	[tilespmem:v50+s21+$0x0] =	vst.idx.msk $0xffff, v47  }
0x31e: {  	v36 =	vbroadcast v36, $0x0;
	v47 =	vadd.s32 v30, v41;
	[tilespmem:v52+s21+$0x0] =	vst.idx.msk $0xffff, v51;
	v39 =	vld [tilespmem:s11+$0xFFFFFFE0]  }
0x31f: {  	[tilespmem:v42+s21+$0x0] =	vst.idx.msk $0xffff, v40;
	v40 =	vld [tilespmem:s11+$0xFFFFFF50];
	v42 =	vadd.s32 v21, v37  }
0x320: {  	[tilespmem:v44+s21+$0x0] =	vst.idx.msk $0xffff, v43;
	v43 =	vld [tilespmem:s11+$0xFFFFFF90];
	v44 =	vadd.s32 v25, v36  }
0x321: {  	v51 =	vadd.s32 v6, v45;
	v50 =	vld [tilespmem:s11+$0xFFFFFE60];
	[tilespmem:v46+s21+$0x0] =	vst.idx.msk $0xffff, v38  }
0x322: {  	v46 =	vadd.s32 v10, v55;
	v38 =	vld [tilespmem:s11+$0xFFFFFEA0];
	[tilespmem:v49+s21+$0x0] =	vst.idx.msk $0xffff, v48  }
0x323: {  	v49 =	vadd.s32 v14, v35;
	v48 =	vld [tilespmem:s11+$0xFFFFFEE0];
	[tilespmem:v47+s21+$0x0] =	vst.idx.msk $0xffff, v39  }
0x324: {  	[tilespmem:v42+s21+$0x0] =	vst.idx.msk $0xffff, v40;
	v39 =	vld [tilespmem:s11+$0xFFFFFFF0];
	v40 =	vadd.s32 v31, v41  }
0x325: {  	v47 =	vadd.s32 v18, v34;
	v42 =	vld [tilespmem:s11+$0xFFFFFF20];
	[tilespmem:v44+s21+$0x0] =	vst.idx.msk $0xffff, v43  }
0x326: {  	v44 =	vadd.s32 v22, v37;
	[tilespmem:v51+s21+$0x0] =	vst.idx.msk $0xffff, v50;
	v43 =	vld [tilespmem:s11+$0xFFFFFF60]  }
0x327: {  	[tilespmem:v46+s21+$0x0] =	vst.idx.msk $0xffff, v38;
	v38 =	vld [tilespmem:s11+$0xFFFFFFA0];
	v46 =	vadd.s32 v26, v36  }
0x328: {  	v51 =	vadd.s32 v2, v33;
	v50 =	vld [tilespmem:s11+$0xFFFFFE20];
	[tilespmem:v49+s21+$0x0] =	vst.idx.msk $0xffff, v48  }
0x329: {  	v49 =	vadd.s32 v7, v45;
	v48 =	vld [tilespmem:s11+$0xFFFFFE70];
	[tilespmem:v40+s21+$0x0] =	vst.idx.msk $0xffff, v39  }
0x32a: {  	[tilespmem:v47+s21+$0x0] =	vst.idx.msk $0xffff, v42;
	v39 =	vld [tilespmem:s11+$0x0];
	v47 =	vadd.s32 v32, v41  }
0x32b: {  	v56 =	vadd.s32 v11, v55;
	v52 =	vld [tilespmem:s11+$0xFFFFFEB0];
	[tilespmem:v44+s21+$0x0] =	vst.idx.msk $0xffff, v43  }
0x32c: {  	v58 =	vadd.s32 v15, v35;
	v57 =	vld [tilespmem:s11+$0xFFFFFEF0];
	[tilespmem:v46+s21+$0x0] =	vst.idx.msk $0xffff, v38  }
0x32d: {  	v60 =	vadd.s32 v19, v34;
	[tilespmem:v51+s21+$0x0] =	vst.idx.msk $0xffff, v50;
	v59 =	vld [tilespmem:s11+$0xFFFFFF30]  }
.Ltmp22:
0x32e: {  	s16 =	sadd.s32 $0x1, s15;
	v41 =	vadd.s32 v23, v37;
	v38 =	vmov s15;
	[tilespmem:v49+s21+$0x0] =	vst.idx.msk $0xffff, v48;
	v40 =	vld [tilespmem:s11+$0xFFFFFF70];
	(pc) =	sbr.rel @p0 .LBB2_35-.Ltmp22, $4  }
0x32f: {  	s18 =	sadd.s32 $0x3, s15;
	v53 =	vmov s16;
	s16 =	sadd.s32 $0x2, s15;
	v43 =	vadd.s32 v27, v36;
	v50 =	vshrl.u32 v38, $0x3;
	v42 =	vld [tilespmem:s11+$0xFFFFFFB0];
	[tilespmem:v47+s21+$0x0] =	vst.idx.msk $0xffff, v39  }
0x330: {  	v54 =	vmov s16;
	s16 =	sadd.s32 $0x4, s15;
	v44 =	vmov s18;
	s18 =	sadd.s32 $0x5, s15;
	v48 =	vadd.s32 v3, v33;
	v46 =	vld [tilespmem:s11+$0xFFFFFE30];
	[tilespmem:v56+s21+$0x0] =	vst.idx.msk $0xffff, v52  }
0x331: {  	v38 =	vmov s18;
	v51 =	vadd.s32 v8, v45;
	v47 =	vmov s16;
	s16 =	sadd.s32 $0x6, s15;
	v49 =	vld [tilespmem:s11+$0xFFFFFE80];
	[tilespmem:v58+s21+$0x0] =	vst.idx.msk $0xffff, v57  }
0x332: {  	v45 =	vshll.u32 v50, v1;
	v39 =	vmov s16;
	s16 =	sadd.s32 $0x7, s15;
	s15 =	sadd.s32 $0x8, s15;
	v52 =	vadd.s32 v12, v55;
	v50 =	vld [tilespmem:s11+$0xFFFFFEC0];
	[tilespmem:v60+s21+$0x0] =	vst.idx.msk $0xffff, v59  }
0x333: {  	_ =	sdelay $0x2  }
0x334: {  	v53 =	vshrl.u32 v53, $0x3  }
0x335: {  	v55 =	vmov s16;
	v56 =	vld [tilespmem:s11+$0xFFFFFF00];
	v35 =	vadd.s32 v16, v35;
	[tilespmem:v41+s21+$0x0] =	vst.idx.msk $0xffff, v40;
	v57 =	vshrl.u32 v54, $0x3  }
0x336: {  	v59 =	vld [tilespmem:s11+$0xFFFFFF40];
	v34 =	vadd.s32 v20, v34;
	v60 =	vshrl.u32 v44, $0x3;
	v58 =	vshrl.u32 v55, $0x3;
	[tilespmem:v43+s21+$0x0] =	vst.idx.msk $0xffff, v42  }
0x337: {  	v37 =	vadd.s32 v24, v37;
	v62 =	vshrl.u32 v47, $0x3;
	v61 =	vld [tilespmem:s11+$0xFFFFFF80];
	v41 =	vshll.u32 v58, v1;
	[tilespmem:v48+s21+$0x0] =	vst.idx.msk $0xffff, v46  }
0x338: {  	v36 =	vadd.s32 v28, v36;
	v45 =	vbroadcast v45, $0x0;
	v63 =	vld [tilespmem:s11+$0xFFFFFFC0];
	v41 =	vbroadcast v41, $0x0;
	[tilespmem:v51+s21+$0x0] =	vst.idx.msk $0xffff, v49  }
0x339: {  	v33 =	vadd.s32 v4, v33;
	s15 =	sadd.s32 $0x200, s11;
	v38 =	vshrl.u32 v38, $0x3;
	v55 =	vshll.u32 v53, v1;
	v48 =	vld [tilespmem:s11+$0xFFFFFE40];
	[tilespmem:v52+s21+$0x0] =	vst.idx.msk $0xffff, v50  }
0x33a: {  	v40 =	vshll.u32 v57, v1;
	v47 =	vbroadcast v55, $0x0;
	v49 =	vld [tilespmem:s15+$0xFFFFFFD0];
	v50 =	vadd.s32 v29, v41;
	[tilespmem:v35+s21+$0x0] =	vst.idx.msk $0xffff, v56  }
0x33b: {  	v42 =	vshll.u32 v60, v1;
	v40 =	vbroadcast v40, $0x0;
	v35 =	vld [tilespmem:s15+$0xFFFFFE10];
	v56 =	vadd.s32 v0, v45;
	[tilespmem:v34+s21+$0x0] =	vst.idx.msk $0xffff, v59  }
0x33c: {  	v57 =	vld [tilespmem:s15+$0xFFFFFE50];
	v44 =	vshll.u32 v62, v1;
	v42 =	vbroadcast v42, $0x0;
	v58 =	vadd.s32 v5, v47;
	[tilespmem:v37+s21+$0x0] =	vst.idx.msk $0xffff, v61  }
0x33d: {  	v38 =	vshll.u32 v38, v1;
	v44 =	vbroadcast v44, $0x0;
	v60 =	vadd.s32 v9, v40;
	v59 =	vld [tilespmem:s15+$0xFFFFFE90];
	[tilespmem:v36+s21+$0x0] =	vst.idx.msk $0xffff, v63  }
0x33e: {  	v38 =	vbroadcast v38, $0x0;
	v62 =	vadd.s32 v13, v42;
	v61 =	vld [tilespmem:s15+$0xFFFFFED0];
	[tilespmem:v33+s21+$0x0] =	vst.idx.msk $0xffff, v48  }
0x33f: {  	v39 =	vshrl.u32 v39, $0x3;
	v63 =	vadd.s32 v17, v44;
	v33 =	vld [tilespmem:s15+$0xFFFFFF10];
	[tilespmem:v50+s21+$0x0] =	vst.idx.msk $0xffff, v49  }
0x340: {  	v39 =	vshll.u32 v39, v1;
	v34 =	vld [tilespmem:s15+$0xFFFFFF50];
	[tilespmem:v56+s21+$0x0] =	vst.idx.msk $0xffff, v35;
	v56 =	vadd.s32 v21, v38  }
0x341: {  	[tilespmem:v58+s21+$0x0] =	vst.idx.msk $0xffff, v57;
	v35 =	vbroadcast v39, $0x0;
	v49 =	vadd.s32 v30, v41;
	v39 =	vld [tilespmem:s15+$0xFFFFFFE0]  }
0x342: {  	[tilespmem:v60+s21+$0x0] =	vst.idx.msk $0xffff, v59;
	v59 =	vld [tilespmem:s15+$0xFFFFFE60];
	v60 =	vadd.s32 v6, v47  }
0x343: {  	v57 =	vld [tilespmem:s15+$0xFFFFFF90];
	[tilespmem:v62+s21+$0x0] =	vst.idx.msk $0xffff, v61;
	v58 =	vadd.s32 v25, v35  }
0x344: {  	v61 =	vld [tilespmem:s15+$0xFFFFFEA0];
	v62 =	vadd.s32 v10, v40;
	[tilespmem:v63+s21+$0x0] =	vst.idx.msk $0xffff, v33  }
0x345: {  	v33 =	vld [tilespmem:s15+$0xFFFFFEE0];
	v63 =	vadd.s32 v14, v42;
	[tilespmem:v56+s21+$0x0] =	vst.idx.msk $0xffff, v34  }
0x346: {  	v56 =	vadd.s32 v18, v44;
	[tilespmem:v49+s21+$0x0] =	vst.idx.msk $0xffff, v39;
	v49 =	vld [tilespmem:s15+$0xFFFFFF20]  }
0x347: {  	[tilespmem:v60+s21+$0x0] =	vst.idx.msk $0xffff, v59;
	v39 =	vadd.s32 v31, v41;
	v34 =	vld [tilespmem:s15+$0xFFFFFFF0]  }
0x348: {  	[tilespmem:v58+s21+$0x0] =	vst.idx.msk $0xffff, v57;
	v57 =	vld [tilespmem:s15+$0xFFFFFF60];
	v58 =	vadd.s32 v22, v38  }
0x349: {  	[tilespmem:v62+s21+$0x0] =	vst.idx.msk $0xffff, v61;
	v61 =	vld [tilespmem:s15+$0xFFFFFE20];
	v62 =	vadd.s32 v2, v45  }
0x34a: {  	v60 =	vadd.s32 v26, v35;
	v59 =	vld [tilespmem:s15+$0xFFFFFFA0];
	[tilespmem:v63+s21+$0x0] =	vst.idx.msk $0xffff, v33  }
0x34b: {  	v55 =	vadd.s32 v11, v40;
	v54 =	vadd.s32 v32, v41;
	v41 =	vld [tilespmem:s15+$0xFFFFFEB0];
	[tilespmem:v56+s21+$0x0] =	vst.idx.msk $0xffff, v49  }
0x34c: {  	v53 =	vadd.s32 v7, v47;
	v63 =	vld [tilespmem:s15+$0xFFFFFE70];
	[tilespmem:v39+s21+$0x0] =	vst.idx.msk $0xffff, v34  }
0x34d: {  	v56 =	vld [tilespmem:s15+$0xFFFFFEF0];
	[tilespmem:v58+s21+$0x0] =	vst.idx.msk $0xffff, v57;
	v57 =	vadd.s32 v15, v42  }
0x34e: {  	[tilespmem:v62+s21+$0x0] =	vst.idx.msk $0xffff, v61;
	v34 =	vld [tilespmem:s15+$0x0]  }
0x34f: {  	v58 =	vld [tilespmem:s15+$0xFFFFFF30];
	[tilespmem:v60+s21+$0x0] =	vst.idx.msk $0xffff, v59;
	v59 =	vadd.s32 v19, v44  }
0x350: {  	v61 =	vadd.s32 v23, v38;
	[tilespmem:v55+s21+$0x0] =	vst.idx.msk $0xffff, v41;
	v60 =	vld [tilespmem:s15+$0xFFFFFF70]  }
0x351: {  	[tilespmem:v53+s21+$0x0] =	vst.idx.msk $0xffff, v63;
	v63 =	vadd.s32 v27, v35;
	v62 =	vld [tilespmem:s15+$0xFFFFFFB0]  }
0x352: {  	v47 =	vadd.s32 v8, v47;
	v55 =	vld [tilespmem:s15+$0xFFFFFE80];
	[tilespmem:v57+s21+$0x0] =	vst.idx.msk $0xffff, v56  }
0x353: {  	v53 =	vld [tilespmem:s15+$0xFFFFFE30];
	[tilespmem:v54+s21+$0x0] =	vst.idx.msk $0xffff, v34;
	v54 =	vadd.s32 v3, v45  }
0x354: {  	v40 =	vadd.s32 v12, v40;
	v56 =	vld [tilespmem:s15+$0xFFFFFEC0];
	[tilespmem:v59+s21+$0x0] =	vst.idx.msk $0xffff, v58  }
0x355: {  	v42 =	vadd.s32 v16, v42;
	v57 =	vld [tilespmem:s15+$0xFFFFFF00];
	[tilespmem:v61+s21+$0x0] =	vst.idx.msk $0xffff, v60  }
0x356: {  	v59 =	vadd.s32 v20, v44;
	v58 =	vld [tilespmem:s15+$0xFFFFFF40];
	[tilespmem:v63+s21+$0x0] =	vst.idx.msk $0xffff, v62  }
0x357: {  	v38 =	vadd.s32 v24, v38;
	v60 =	vld [tilespmem:s15+$0xFFFFFF80];
	[tilespmem:v47+s21+$0x0] =	vst.idx.msk $0xffff, v55  }
0x358: {  	v35 =	vadd.s32 v28, v35;
	v61 =	vld [tilespmem:s15+$0xFFFFFFC0];
	[tilespmem:v54+s21+$0x0] =	vst.idx.msk $0xffff, v53  }
0x359: {  	v63 =	vadd.s32 v4, v45;
	[tilespmem:v40+s21+$0x0] =	vst.idx.msk $0xffff, v56;
	v62 =	vld [tilespmem:s15+$0xFFFFFE40]  }
0x35a: {  	[tilespmem:v42+s21+$0x0] =	vst.idx.msk $0xffff, v57  }
0x35b: {  	[tilespmem:v59+s21+$0x0] =	vst.idx.msk $0xffff, v58  }
0x35c: {  	s6 =	sadd.s32 s10, s6;
	[tilespmem:v38+s21+$0x0] =	vst.idx.msk $0xffff, v60  }
0x35d: {  	s6 =	sshrl.u32 s6, $0x3;
	[tilespmem:v35+s21+$0x0] =	vst.idx.msk $0xffff, v61  }
0x35e: {  	s16 =	simm.s32 $0x18C00;
	s11 =	sadd.s32 s2, s6;
	[tilespmem:v63+s21+$0x0] =	vst.idx.msk $0xffff, v62  }
0x35f: {  	[hbm4b:s11+s3] =	stream.linear.scatter [tilespmem:s16], [sflag:$0xA], $0x80, $0x38;
	[tilespmem:$0x1AE00] =	vst v63  }
0x360: {  	s18 =	simm.s32 $0x18C88;
	s15 =	sadd.s32 $0x10, s11  }
0x361: {  	[hbm4b:s15+s3] =	stream.linear.scatter [tilespmem:s18], [sflag:$0xA], $0x80, $0x38;
	[tilespmem:$0x1AE00] =	vst v63  }
0x362: {  	s20 =	simm.s32 $0x18D10;
	s6 =	simm.s32 $0x440;
	s22 =	sadd.s32 $0x20, s11  }
0x363: {  	[hbm4b:s22+s3] =	stream.linear.scatter [tilespmem:s20], [sflag:$0xA], $0x80, $0x38;
	[tilespmem:$0x1AE00] =	vst v63  }
0x364: {  	s16 =	simm.s32 $0x18D98;
	s18 =	sadd.s32 $0x30, s11;
	s15 =	simm.s32 $0x2200  }
0x365: {  	[hbm4b:s18+s3] =	stream.linear.scatter [tilespmem:s16], [sflag:$0xA], $0x80, $0x38;
	[tilespmem:$0x1AE00] =	vst v63  }
0x366: {  	s20 =	simm.s32 $0x18E20;
	s22 =	sadd.s32 $0x40, s11;
	s16 =	simm.s32 $0x18EA8  }
0x367: {  	[hbm4b:s22+s3] =	stream.linear.scatter [tilespmem:s20], [sflag:$0xA], $0x80, $0x38;
	[tilespmem:$0x1AE00] =	vst v63  }
0x368: {  	s18 =	sadd.s32 $0x50, s11;
	s20 =	simm.s32 $0x18F30;
	s22 =	sadd.s32 $0x60, s11  }
0x369: {  	[hbm4b:s18+s3] =	stream.linear.scatter [tilespmem:s16], [sflag:$0xA], $0x80, $0x38;
	[tilespmem:$0x1AE00] =	vst v63  }
0x36a: {  	s16 =	simm.s32 $0x18FB8;
	s18 =	sadd.s32 $0x70, s11;
	s11 =	sadd.s32 $0x1000, s11  }
0x36b: {  	[hbm4b:s22+s3] =	stream.linear.scatter [tilespmem:s20], [sflag:$0xA], $0x80, $0x38;
	[tilespmem:$0x1AE00] =	vst v63  }
.LBB2_37:
0x36c: {  	[hbm4b:s18+s3] =	stream.linear.scatter [tilespmem:s16], [sflag:$0xA], $0x80, $0x38;
	[tilespmem:$0x1AE00] =	vst v63  }
0x36d: {  	s16 =	smov.u32 s6;
	s6 =	smov.u32 s15  }
0x36e: {  	s20 =	sadd.s32 $0x1100, s15;
	s6 =	sshra.s32 s6, $0x2;
	s18 =	sadd.s32 $0x18C00, s16  }
0x36f: {  	[hbm4b:s11+s3] =	stream.linear.scatter [tilespmem:s18], [sflag:$0xA], $0x80, $0x38;
	[tilespmem:$0x1AE00] =	vst v63  }
0x370: {  	p0 =	sne.s32 s15, $0x7700;
	s15 =	sadd.s32 $0x18C88, s16;
	s18 =	sadd.s32 $0x10, s11  }
0x371: {  	[hbm4b:s18+s3] =	stream.linear.scatter [tilespmem:s15], [sflag:$0xA], $0x80, $0x38;
	[tilespmem:$0x1AE00] =	vst v63  }
0x372: {  	s15 =	sadd.s32 $0x18D10, s16;
	s18 =	sadd.s32 $0x20, s11  }
0x373: {  	[hbm4b:s18+s3] =	stream.linear.scatter [tilespmem:s15], [sflag:$0xA], $0x80, $0x38;
	[tilespmem:$0x1AE00] =	vst v63  }
0x374: {  	s15 =	sadd.s32 $0x18D98, s16;
	s18 =	sadd.s32 $0x30, s11  }
0x375: {  	[hbm4b:s18+s3] =	stream.linear.scatter [tilespmem:s15], [sflag:$0xA], $0x80, $0x38;
	[tilespmem:$0x1AE00] =	vst v63  }
0x376: {  	s15 =	sadd.s32 $0x18E20, s16;
	s18 =	sadd.s32 $0x40, s11  }
0x377: {  	[hbm4b:s18+s3] =	stream.linear.scatter [tilespmem:s15], [sflag:$0xA], $0x80, $0x38;
	[tilespmem:$0x1AE00] =	vst v63  }
.Ltmp23:
0x378: {  	s15 =	sadd.s32 $0x18EA8, s16;
	s18 =	sadd.s32 $0x50, s11;
	(pc) =	sbr.rel @p0 .LBB2_37-.Ltmp23, $4  }
0x379: {  	[hbm4b:s18+s3] =	stream.linear.scatter [tilespmem:s15], [sflag:$0xA], $0x80, $0x38;
	[tilespmem:$0x1AE00] =	vst v63  }
0x37a: {  	s15 =	sadd.s32 $0x18F30, s16;
	s18 =	sadd.s32 $0x60, s11;
	s16 =	sadd.s32 $0x18FB8, s16  }
0x37b: {  	[hbm4b:s18+s3] =	stream.linear.scatter [tilespmem:s15], [sflag:$0xA], $0x80, $0x38;
	[tilespmem:$0x1AE00] =	vst v63  }
0x37c: {  	s18 =	sadd.s32 $0x70, s11;
	s11 =	sadd.s32 $0x1000, s11;
	s15 =	smov.u32 s20  }
0x37d: {  	[hbm4b:s18+s3] =	stream.linear.scatter [tilespmem:s16], [sflag:$0xA], $0x80, $0x38;
	[tilespmem:$0x1AE00] =	vst v63  }
0x37e: {  	s15 =	sadd.s32 $0x18C00, s6  }
0x37f: {  	[hbm4b:s11+s3] =	stream.linear.scatter [tilespmem:s15], [sflag:$0xA], $0x80, $0x38;
	[tilespmem:$0x1AE00] =	vst v63  }
0x380: {  	s20 =	sadd.s32 $0x18C88, s6;
	s22 =	sadd.s32 $0x10, s11  }
0x381: {  	[hbm4b:s22+s3] =	stream.linear.scatter [tilespmem:s20], [sflag:$0xA], $0x80, $0x38;
	[tilespmem:$0x1AE00] =	vst v63  }
0x382: {  	s16 =	sadd.s32 $0x18D10, s6;
	s18 =	sadd.s32 $0x20, s11  }
0x383: {  	[hbm4b:s18+s3] =	stream.linear.scatter [tilespmem:s16], [sflag:$0xA], $0x80, $0x38;
	[tilespmem:$0x1AE00] =	vst v63  }
0x384: {  	s20 =	sadd.s32 $0x18D98, s6;
	s22 =	sadd.s32 $0x30, s11  }
0x385: {  	[hbm4b:s22+s3] =	stream.linear.scatter [tilespmem:s20], [sflag:$0xA], $0x80, $0x38;
	[tilespmem:$0x1AE00] =	vst v63  }
0x386: {  	s16 =	sadd.s32 $0x18E20, s6;
	s18 =	sadd.s32 $0x40, s11  }
0x387: {  	[hbm4b:s18+s3] =	stream.linear.scatter [tilespmem:s16], [sflag:$0xA], $0x80, $0x38;
	[tilespmem:$0x1AE00] =	vst v63  }
0x388: {  	p0 =	seq.s32 s14, $0x27;
	s20 =	sadd.s32 $0x18EA8, s6;
	s22 =	sadd.s32 $0x50, s11  }
0x389: {  	[hbm4b:s22+s3] =	stream.linear.scatter [tilespmem:s20], [sflag:$0xA], $0x80, $0x38;
	[tilespmem:$0x1AE00] =	vst v63  }
.Ltmp24:
0x38a: {  	_ = 	snop;
	(pc) =	sbr.rel @p0 .LBB2_40-.Ltmp24, $4  }
0x38b: {  	s16 =	sadd.s32 $0x18F30, s6;
	s18 =	sadd.s32 $0x60, s11  }
0x38c: {  	[hbm4b:s18+s3] =	stream.linear.scatter [tilespmem:s16], [sflag:$0xA], $0x80, $0x38;
	[tilespmem:$0x1AE00] =	vst v63  }
0x38d: {  	s20 =	sadd.s32 $0x18FB8, s6;
	s22 =	sadd.s32 $0x70, s11  }
0x38e: {  	[hbm4b:s22+s3] =	stream.linear.scatter [tilespmem:s20], [sflag:$0xA], $0x80, $0x38;
	[tilespmem:$0x1AE00] =	vst v63  }
0x38f: {  	s6 =	smul.u32 $0xA00, s14  }
.Ltmp25:
0x390: {  	_ = 	snop;
	(pc) =	sbr.rel .LBB2_2-.Ltmp25, $4  }
0x391: {  	_ = 	snop  }
0x392: {  	s6 =	sshra.s32 s6, $0x2  }
0x393: {  	s11 =	simm.s32 $0xE400;
	s14 =	sadd.s32 $0x1, s14;
	s6 =	sadd.s32 $0x480, s6  }
0x394: {  	[tilespmem:s11], [sflag:$0x5] =	stream.indirect.gather [hbm4b:s4+s12], $0x40, s6, s12, $0xb8;
	[tilespmem:$0x1AE00] =	vst v63  }
.LBB2_41:
0x395: {  	_ =	sfence.sel $0x180000  }
0x396: {  	[bflag:$0x0] =	sbarrier.arrive $0xFFFF  }
0x397: {  	_ =	strace $0x90000047  }
0x398: {  	s0 =	stileid.u32;
	[bflag:$0x2] =	sbarrier.arrive $0xFFFF  }
0x399: {  	p0 =	sne.s32 s0, $0x0;
	s0 =	rddreg [dreg:$0x2]  }
0x39a: {  	s0 =	sadd.s32 @!p0 $0x100000, s0  }
0x39b: {  	[sflag:s0] =	ssyncadd.tile.s32 @!p0 $0x1;
	_ =	shalt  }
.Lfunc_end2:
_tile_overlayer_lowered:
.L_overlay_start_2:
0x39c: {  	(tag) =	ssettag $0x2  }
0x39d: {  	s0 =	rddreg [dreg:$0x0];
	s2 =	stileid.u32  }
0x39e: {  	s1 =	rddreg [dreg:$0x1];
	p0 =	sne.s32 s2, $0x0  }
0x39f: {  	s3 =	rddreg [dreg:$0x2];
	[bflag:$0x3] =	sbarrier.arrive $0xFFFF;
	s2 =	simm.s32 @!p0 $0x1C0B  }
0x3a0: {  	[timem:s3], [sflag:s2] =	dma.local @!p0 [hbm:s0], s1  }
0x3a1: {  	s0 =	simm.s32 @!p0 $0xB  }
0x3a2: {  	_ =	swait.ge @!p0 [sflag:s0], s1  }
0x3a3: {  	s1 =	ssub.s32 @!p0 $0x0, s1;
	[sflag:s0] =	ssyncset.done @!p0 $0x0  }
0x3a4: {  	[sflag:s0] =	ssyncadd.s32 @!p0 s1  }
0x3a5: {  	[bflag:$0x3] =	sbarrier.arrive $0xFFFF  }
0x3a6: {  	_ =	shalt  }

</sc_bundles>
